<compile_context>
chip_gen: v7x
topology: tpu7x:2x2x1
jax: 0.10.2.dev20260603
libtpu: 0.0.44.dev20260713+nightly
codegen_flags: <defaults>
</compile_context>

<pallas_src>
import functools

import jax
import jax.numpy as jnp
from jax import lax
from jax.experimental import pallas as pl
from jax.experimental.pallas import tpu as pltpu
from jax.experimental.pallas import tpu_sc as plsc

_B, _S, _D_MODEL, _D_SPACE = 4, 2048, 2048, 64
_N_GROUPS = 3
_N_PER_GROUP = 64
_N_TOTAL = _N_GROUPS * _N_PER_GROUP
_TOPK = (8, 4, 6)
_BS = 512
_NEG = -3.0e38
_GDN = lax.GatherDimensionNumbers(
    offset_dims=(), collapsed_slice_dims=(0,), start_index_map=(0,))


def _lane_perm(v, idx):
    return lax.gather(v, idx[:, None], _GDN, slice_sizes=(1,),
                      mode=lax.GatherScatterMode.PROMISE_IN_BOUNDS)


def _pool_body(x_ref, imp_ref, whi_ref, b_ref, emb_ref, out_ref, ehi_s):
    b_i = pl.program_id(0)
    s_i = pl.program_id(1)

    @pl.when((b_i == 0) & (s_i == 0))
    def _init_emb():
        emb = emb_ref[...]
        nrm = jnp.maximum(jnp.sqrt(jnp.sum(emb * emb, axis=1, keepdims=True)), 1e-12)
        ehi_s[...] = (emb / nrm).astype(jnp.bfloat16)

    @pl.when(s_i == 0)
    def _init_out():
        out_ref[...] = jnp.zeros_like(out_ref)

    xb = x_ref[0]
    imp = imp_ref[0, 0]
    xhi = xb.astype(jnp.bfloat16)
    h = jnp.dot(xhi, whi_ref[...], preferred_element_type=jnp.float32)
    h = h + b_ref[...]
    hhi = h.astype(jnp.bfloat16)
    cdims = (((1,), (1,)), ((), ()))
    logits = lax.dot_general(hhi, ehi_s[...], cdims,
                             preferred_element_type=jnp.float32)

    gid = lax.broadcasted_iota(jnp.int32, (_BS, _N_TOTAL), 1) // _N_PER_GROUP
    m0 = jnp.max(jnp.where(gid == 0, logits, _NEG), axis=-1, keepdims=True)
    m1 = jnp.max(jnp.where(gid == 1, logits, _NEG), axis=-1, keepdims=True)
    m2 = jnp.max(jnp.where(gid == 2, logits, _NEG), axis=-1, keepdims=True)
    mx = jnp.where(gid == 0, m0, jnp.where(gid == 1, m1, m2))
    e = jnp.exp(logits - mx)
    s0 = jnp.sum(jnp.where(gid == 0, e, 0.0), axis=-1, keepdims=True)
    s1 = jnp.sum(jnp.where(gid == 1, e, 0.0), axis=-1, keepdims=True)
    s2 = jnp.sum(jnp.where(gid == 2, e, 0.0), axis=-1, keepdims=True)
    ssum = jnp.where(gid == 0, s0, jnp.where(gid == 1, s1, s2))
    sm = e / ssum

    pooled = jnp.dot(imp.astype(jnp.bfloat16), sm.astype(jnp.bfloat16),
                     preferred_element_type=jnp.float32)
    out_ref[0] += pooled


def _pool_call(x, importance, w_proj, b_proj, neuron_emb):
    grid = (_B, _S // _BS)
    return pl.pallas_call(
        _pool_body,
        grid=grid,
        in_specs=[
            pl.BlockSpec((1, _BS, _D_MODEL), lambda b, s: (b, s, 0)),
            pl.BlockSpec((1, 1, 1, _BS), lambda b, s: (b, s, 0, 0)),
            pl.BlockSpec((_D_MODEL, _D_SPACE), lambda b, s: (0, 0)),
            pl.BlockSpec((1, _D_SPACE), lambda b, s: (0, 0)),
            pl.BlockSpec((_N_TOTAL, _D_SPACE), lambda b, s: (0, 0)),
        ],
        out_specs=pl.BlockSpec((1, 1, _N_TOTAL), lambda b, s: (b, 0, 0)),
        out_shape=jax.ShapeDtypeStruct((_B, 1, _N_TOTAL), jnp.float32),
        scratch_shapes=[
            pltpu.VMEM((_N_TOTAL, _D_SPACE), jnp.bfloat16),
        ],
        compiler_params=pltpu.CompilerParams(
            dimension_semantics=("arbitrary", "arbitrary")),
    )(x, importance.reshape(_B, _S // _BS, 1, _BS),
      w_proj.astype(jnp.bfloat16),
      b_proj.reshape(1, -1), neuron_emb)


def _sc_topk_call(pooled_flat):
    mesh = plsc.VectorSubcoreMesh(core_axis_name="c", subcore_axis_name="s",
                                  num_cores=1)
    oshape = jax.ShapeDtypeStruct((_B * _N_PER_GROUP,), jnp.float32)

    @functools.partial(
        pl.kernel,
        mesh=mesh,
        out_type=(oshape, oshape, oshape, oshape),
        scratch_types=[pltpu.VMEM((_N_PER_GROUP,), jnp.float32)],
    )
    def sc_topk(pooled_hbm, cw_hbm, qw_hbm, kw_hbm, vw_hbm, row_v):
        wid = lax.axis_index("s")
        active = wid < _B * _N_GROUPS
        w = jnp.where(active, wid, 0)
        g = w % _N_GROUPS
        off = w * _N_PER_GROUP
        k = jnp.where(g == 0, _TOPK[0], jnp.where(g == 1, _TOPK[1], _TOPK[2]))
        pltpu.sync_copy(pooled_hbm.at[pl.ds(off, _N_PER_GROUP)], row_v)

        iota = lax.iota(jnp.int32, 16)
        chunks = [row_v[pl.ds(j * 16, 16)] for j in range(4)]
        outs = [jnp.zeros((16,), jnp.float32) for _ in range(4)]
        for i in range(max(_TOPK)):
            mv = chunks[0]
            mi = iota
            for j in range(1, 4):
                cv, cidx = chunks[j], iota + j * 16
                mi = jnp.where(cv > mv, cidx, mi)
                mv = jnp.where(cv > mv, cv, mv)
            for st in (1, 2, 4, 8):
                ov = _lane_perm(mv, iota ^ st)
                oi = _lane_perm(mi, iota ^ st)
                t = (jnp.where(ov > mv, 1, 0)
                     + jnp.where(ov == mv, 1, 0) * jnp.where(oi < mi, 1, 0))
                mi = jnp.where(t > 0, oi, mi)
                mv = jnp.where(t > 0, ov, mv)
            tgt = mi + jnp.where(i < k, 0, 1000)
            for j in range(4):
                sel = (iota + j * 16) == tgt
                outs[j] = jnp.where(sel, chunks[j], outs[j])
                chunks[j] = jnp.where(sel, _NEG, chunks[j])
        ssum = ((outs[0] + outs[1]) + (outs[2] + outs[3]))
        for st in (1, 2, 4, 8):
            ssum = ssum + _lane_perm(ssum, iota ^ st)
        scale = 1.0 / (ssum + 1e-8)
        for j in range(4):
            row_v[pl.ds(j * 16, 16)] = outs[j] * scale

        boff = (w // _N_GROUPS) * _N_PER_GROUP

        plsc.subcore_barrier()

        @pl.when(jnp.logical_and(active, g == 0))
        def _():
            pltpu.sync_copy(row_v, cw_hbm.at[pl.ds(boff, _N_PER_GROUP)])

        @pl.when(jnp.logical_and(active, g == 1))
        def _():
            pltpu.sync_copy(row_v, qw_hbm.at[pl.ds(boff, _N_PER_GROUP)])
            pltpu.sync_copy(row_v, kw_hbm.at[pl.ds(boff, _N_PER_GROUP)])

        @pl.when(jnp.logical_and(active, g == 2))
        def _():
            pltpu.sync_copy(row_v, vw_hbm.at[pl.ds(boff, _N_PER_GROUP)])

    return sc_topk(pooled_flat)


def _xla_topk(w, k):
    vals, idx = jax.lax.top_k(w, k)
    sparse = jnp.zeros_like(w).at[jnp.arange(w.shape[0])[:, None], idx].set(vals)
    return sparse / (sparse.sum(axis=-1, keepdims=True) + 1e-08)


def kernel(x, importance, W_proj, b_proj, neuron_emb):
    pooled = _pool_call(x, importance, W_proj, b_proj, neuron_emb)
    cw, qw, kw, vw = _sc_topk_call(pooled.reshape(-1))
    shp = (_B, _N_PER_GROUP)
    return (cw.reshape(shp), qw.reshape(shp), kw.reshape(shp), vw.reshape(shp))

# --- scband reference (transcript-rebuilt; emitter-appended) ---
"""Pipeline reference for scband-dawn-25864293056823 (READ-ONLY COPY).

The authoritative reference and input builder live on the scoring server;
editing this copy changes nothing except your own understanding.
"""

import jax, jax.numpy as jnp
import numpy as np

B, S, D_MODEL, D_SPACE = 4, 2048, 2048, 64
N_C, N_QK, N_V = 64, 64, 64
TOPK_C, TOPK_QK, TOPK_V = 8, 4, 6


def setup_inputs(seed: int = 0) -> dict:
    key = jax.random.key(seed)
    ks = jax.random.split(key, 5)
    x = jax.random.normal(ks[0], (B, S, D_MODEL), dtype=jnp.float32)
    importance = jax.random.uniform(ks[1], (B, S), dtype=jnp.float32)
    W_proj = jax.random.normal(ks[2], (D_MODEL, D_SPACE), dtype=jnp.float32) * (1.0 / np.sqrt(D_MODEL))
    b_proj = jnp.zeros((D_SPACE,), dtype=jnp.float32)
    neuron_emb = jax.random.normal(ks[3], (N_C + N_QK + N_V, D_SPACE), dtype=jnp.float32) * 0.02
    return {"x": x, "importance": importance, "W_proj": W_proj, "b_proj": b_proj, "neuron_emb": neuron_emb}


def _topk_sparsify(w, k):
    # w: [B, N] -> top-k sparsified + renormalized
    vals, idx = jax.lax.top_k(w, k)
    sparse = jnp.zeros_like(w).at[jnp.arange(w.shape[0])[:, None], idx].set(vals)
    sparse = sparse / (sparse.sum(axis=-1, keepdims=True) + 1e-08)
    return sparse, idx


def reference(x, importance, W_proj, b_proj, neuron_emb):
    # UnifiedNeuronRouter.get_logits (eval mode: no dropout, no starvation bonus)
    h_proj = jnp.einsum('bsd,de->bse', x, W_proj) + b_proj
    norm = jnp.maximum(jnp.linalg.norm(neuron_emb, axis=-1, keepdims=True), 1e-12)
    emb_n = neuron_emb / norm
    all_logits = jnp.einsum('bsd,nd->bsn', h_proj, emb_n)
    compress_logits = all_logits[..., :N_C]
    expand_logits_QK = all_logits[..., N_C:N_C + N_QK]
    expand_logits_V = all_logits[..., N_C + N_QK:]

    compress_pref = jax.nn.softmax(compress_logits, axis=-1)
    expand_pref_Q = jax.nn.softmax(expand_logits_QK, axis=-1)
    expand_pref_K = jax.nn.softmax(expand_logits_QK, axis=-1)
    expand_pref_V = jax.nn.softmax(expand_logits_V, axis=-1)

    # token_routing=False path: importance-weighted pooling over sequence
    cw_dense = jnp.einsum('bs,bsn->bn', importance, compress_pref)
    qw_dense = jnp.einsum('bs,bsn->bn', importance, expand_pref_Q)
    kw_dense = jnp.einsum('bs,bsn->bn', importance, expand_pref_K)
    vw_dense = jnp.einsum('bs,bsn->bn', importance, expand_pref_V)

    compress_weights, _ = _topk_sparsify(cw_dense, TOPK_C)
    expand_weights_Q, _ = _topk_sparsify(qw_dense, TOPK_QK)
    expand_weights_K, _ = _topk_sparsify(kw_dense, TOPK_QK)
    expand_weights_V, _ = _topk_sparsify(vw_dense, TOPK_V)

    return (compress_weights, expand_weights_Q, expand_weights_K, expand_weights_V)

if __name__ == "__main__":
    import jax
    _d = setup_inputs()
    print(jax.jit(kernel)(*tuple(_d.values())))

</pallas_src>

<mosaic_0001>
#map = affine_map<(d0, d1) -> (0)>
module attributes {stable_mosaic.version = 14 : i64} {
  func.func @sc_topk(%arg0: i32, %arg1: i32, %arg2: memref<768xf32, #tpu.memory_space<hbm>>, %arg3: memref<256xf32, #tpu.memory_space<hbm>>, %arg4: memref<256xf32, #tpu.memory_space<hbm>>, %arg5: memref<256xf32, #tpu.memory_space<hbm>>, %arg6: memref<256xf32, #tpu.memory_space<hbm>>, %arg7: memref<64xf32, #tpu.memory_space<vmem>>) attributes {dimension_semantics = [#tpu.dimension_semantics<core_parallel>, #tpu.dimension_semantics<subcore_parallel>], iteration_bounds = array<i64: 1, 16>, scalar_prefetch = 0 : i64, scratch_operands = 1 : i64, tpu.core_type = #tpu.core_type<sc_vector_subcore>, window_params = [{transform_indices = #map}, {transform_indices = #map}, {transform_indices = #map}, {transform_indices = #map}, {transform_indices = #map}]} {
    %lt3A = arith.constant 12 : i32
    %lt3A_0 = arith.cmpi slt, %arg1, %lt3A : i32
    %jit3A = arith.constant 0 : i32
    %select_n3A = arith.select %lt3A_0, %arg1, %jit3A : i32
    %jit3A_1 = arith.constant 3 : i32
    %eq3A = arith.constant 0 : i32
    %eq3A_2 = arith.cmpi eq, %jit3A_1, %eq3A : i32
    %jit3A_3 = arith.constant 1 : i32
    %select_n3A_4 = arith.select %eq3A_2, %jit3A_3, %jit3A_1 : i32
    %rem3A = arith.remsi %select_n3A, %select_n3A_4 : i32
    %ne3A = arith.constant 0 : i32
    %ne3A_5 = arith.cmpi ne, %rem3A, %ne3A : i32
    %lt3A_6 = arith.constant 0 : i32
    %lt3A_7 = arith.cmpi slt, %rem3A, %lt3A_6 : i32
    %lt3A_8 = arith.constant 0 : i32
    %lt3A_9 = arith.cmpi slt, %select_n3A_4, %lt3A_8 : i32
    %ne3A_10 = arith.xori %lt3A_7, %lt3A_9 : i1
    %and3A = arith.andi %ne3A_10, %ne3A_5 : i1
    %add3A = arith.addi %rem3A, %select_n3A_4 : i32
    %select_n3A_11 = arith.select %and3A, %add3A, %rem3A : i32
    %mul3A = arith.constant 64 : i32
    %mul3A_12 = arith.muli %select_n3A, %mul3A : i32
    %eq3A_13 = arith.constant 0 : i32
    %eq3A_14 = arith.cmpi eq, %select_n3A_11, %eq3A_13 : i32
    %eq3A_15 = arith.constant 1 : i32
    %eq3A_16 = arith.cmpi eq, %select_n3A_11, %eq3A_15 : i32
    %jit3A_17 = arith.constant 4 : i32
    %jit3A_18 = arith.constant 6 : i32
    %select_n3A_19 = arith.select %eq3A_16, %jit3A_17, %jit3A_18 : i32
    %jit3A_20 = arith.constant 8 : i32
    %select_n3A_21 = arith.select %eq3A_14, %jit3A_20, %select_n3A_19 : i32
    "tpu.region"() ({
      %run_scoped3A = tpu.sem_alloc : memref<!tpu.dma_semaphore, #tpu.memory_space<semaphore_mem>>
      %dma_start3A = tpu.memref_slice %arg2[%mul3A_12] : memref<768xf32, #tpu.memory_space<hbm>> -> memref<64xf32, #tpu.memory_space<hbm>>
      %dma_start3A_1892 = tpu.memref_slice %arg2[%mul3A_12] : memref<768xf32, #tpu.memory_space<hbm>> -> memref<64xf32, #tpu.memory_space<hbm>>
      tpu.enqueue_dma source(%dma_start3A_1892 : memref<64xf32, #tpu.memory_space<hbm>>) target(%arg7 : memref<64xf32, #tpu.memory_space<vmem>>) target_semaphore(%run_scoped3A : memref<!tpu.dma_semaphore, #tpu.memory_space<semaphore_mem>>)
      %dma_wait3A = tpu.memref_slice %arg2[%mul3A_12] : memref<768xf32, #tpu.memory_space<hbm>> -> memref<64xf32, #tpu.memory_space<hbm>>
      %dma_wait3A_1893 = tpu.memref_slice %arg2[%mul3A_12] : memref<768xf32, #tpu.memory_space<hbm>> -> memref<64xf32, #tpu.memory_space<hbm>>
      tpu.wait_dma2 semaphore(%run_scoped3A : memref<!tpu.dma_semaphore, #tpu.memory_space<semaphore_mem>>) src(%dma_wait3A_1893 : memref<64xf32, #tpu.memory_space<hbm>>) dst(%arg7 : memref<64xf32, #tpu.memory_space<vmem>>)
      tpu.yield
    }) : () -> ()
    %iota3A = tpu.iota {dimensions = array<i32: 0>} : vector<16xi32>
    %get3A = arith.constant 0 : index
    %get3A_22 = tpu.vector_load %arg7[%get3A] {strides = array<i32>} : memref<64xf32, #tpu.memory_space<vmem>>, vector<16xf32>,
    %get3A_23 = vector.shape_cast %get3A_22 : vector<16xf32> to vector<16xf32>
    %get3A_24 = arith.constant 16 : index
    %get3A_25 = tpu.vector_load %arg7[%get3A_24] {strides = array<i32>} : memref<64xf32, #tpu.memory_space<vmem>>, vector<16xf32>,
    %get3A_26 = vector.shape_cast %get3A_25 : vector<16xf32> to vector<16xf32>
    %get3A_27 = arith.constant 32 : index
    %get3A_28 = tpu.vector_load %arg7[%get3A_27] {strides = array<i32>} : memref<64xf32, #tpu.memory_space<vmem>>, vector<16xf32>,
    %get3A_29 = vector.shape_cast %get3A_28 : vector<16xf32> to vector<16xf32>
    %get3A_30 = arith.constant 48 : index
    %get3A_31 = tpu.vector_load %arg7[%get3A_30] {strides = array<i32>} : memref<64xf32, #tpu.memory_space<vmem>>, vector<16xf32>,
    %get3A_32 = vector.shape_cast %get3A_31 : vector<16xf32> to vector<16xf32>
    %broadcast_in_dim3A = arith.constant 0.000000e+00 : f32
    %broadcast_in_dim3A_33 = vector.broadcast %broadcast_in_dim3A : f32 to vector<16xf32>
    %broadcast_in_dim3A_34 = arith.constant 0.000000e+00 : f32
    %broadcast_in_dim3A_35 = vector.broadcast %broadcast_in_dim3A_34 : f32 to vector<16xf32>
    %broadcast_in_dim3A_36 = arith.constant 0.000000e+00 : f32
    %broadcast_in_dim3A_37 = vector.broadcast %broadcast_in_dim3A_36 : f32 to vector<16xf32>
    %broadcast_in_dim3A_38 = arith.constant 0.000000e+00 : f32
    %broadcast_in_dim3A_39 = vector.broadcast %broadcast_in_dim3A_38 : f32 to vector<16xf32>
    %add3A_40 = arith.constant 16 : i32
    %add3A_41 = vector.broadcast %add3A_40 : i32 to vector<16xi32>
    %add3A_42 = arith.addi %iota3A, %add3A_41 : vector<16xi32>
    %gt3A = arith.cmpf ogt, %get3A_26, %get3A_23 : vector<16xf32>
    %select_n3A_43 = arith.select %gt3A, %add3A_42, %iota3A : vector<16xi1>, vector<16xi32>
    %gt3A_44 = arith.cmpf ogt, %get3A_26, %get3A_23 : vector<16xf32>
    %select_n3A_45 = arith.select %gt3A_44, %get3A_26, %get3A_23 : vector<16xi1>, vector<16xf32>
    %add3A_46 = arith.constant 32 : i32
    %add3A_47 = vector.broadcast %add3A_46 : i32 to vector<16xi32>
    %add3A_48 = arith.addi %iota3A, %add3A_47 : vector<16xi32>
    %gt3A_49 = arith.cmpf ogt, %get3A_29, %select_n3A_45 : vector<16xf32>
    %select_n3A_50 = arith.select %gt3A_49, %add3A_48, %select_n3A_43 : vector<16xi1>, vector<16xi32>
    %gt3A_51 = arith.cmpf ogt, %get3A_29, %select_n3A_45 : vector<16xf32>
    %select_n3A_52 = arith.select %gt3A_51, %get3A_29, %select_n3A_45 : vector<16xi1>, vector<16xf32>
    %add3A_53 = arith.constant 48 : i32
    %add3A_54 = vector.broadcast %add3A_53 : i32 to vector<16xi32>
    %add3A_55 = arith.addi %iota3A, %add3A_54 : vector<16xi32>
    %gt3A_56 = arith.cmpf ogt, %get3A_32, %select_n3A_52 : vector<16xf32>
    %select_n3A_57 = arith.select %gt3A_56, %add3A_55, %select_n3A_50 : vector<16xi1>, vector<16xi32>
    %gt3A_58 = arith.cmpf ogt, %get3A_32, %select_n3A_52 : vector<16xf32>
    %select_n3A_59 = arith.select %gt3A_58, %get3A_32, %select_n3A_52 : vector<16xi1>, vector<16xf32>
    %xor3A = arith.constant 1 : i32
    %xor3A_60 = vector.broadcast %xor3A : i32 to vector<16xi32>
    %xor3A_61 = arith.xori %iota3A, %xor3A_60 : vector<16xi32>
    %broadcast_in_dim3A_62 = vector.shape_cast %xor3A_61 : vector<16xi32> to vector<16x1xi32>
    %gather3A = vector.shape_cast %broadcast_in_dim3A_62 : vector<16x1xi32> to vector<16xi32>
    %gather3A_63 = tpu.dynamic_gather %select_n3A_59[%gather3A] in [0] : vector<16xf32>, vector<16xi32> -> vector<16xf32>
    %xor3A_64 = arith.constant 1 : i32
    %xor3A_65 = vector.broadcast %xor3A_64 : i32 to vector<16xi32>
    %xor3A_66 = arith.xori %iota3A, %xor3A_65 : vector<16xi32>
    %broadcast_in_dim3A_67 = vector.shape_cast %xor3A_66 : vector<16xi32> to vector<16x1xi32>
    %gather3A_68 = vector.shape_cast %broadcast_in_dim3A_67 : vector<16x1xi32> to vector<16xi32>
    %gather3A_69 = tpu.dynamic_gather %select_n3A_57[%gather3A_68] in [0] : vector<16xi32>, vector<16xi32> -> vector<16xi32>
    %gt3A_70 = arith.cmpf ogt, %gather3A_63, %select_n3A_59 : vector<16xf32>
    %jit3A_71 = arith.constant 1 : i32
    %jit3A_72 = arith.constant 0 : i32
    %broadcast_in_dim3A_73 = vector.broadcast %jit3A_71 : i32 to vector<16xi32>
    %broadcast_in_dim3A_74 = vector.broadcast %jit3A_72 : i32 to vector<16xi32>
    %select_n3A_75 = arith.select %gt3A_70, %broadcast_in_dim3A_73, %broadcast_in_dim3A_74 : vector<16xi1>, vector<16xi32>
    %eq3A_76 = arith.cmpf oeq, %gather3A_63, %select_n3A_59 : vector<16xf32>
    %jit3A_77 = arith.constant 1 : i32
    %jit3A_78 = arith.constant 0 : i32
    %broadcast_in_dim3A_79 = vector.broadcast %jit3A_77 : i32 to vector<16xi32>
    %broadcast_in_dim3A_80 = vector.broadcast %jit3A_78 : i32 to vector<16xi32>
    %select_n3A_81 = arith.select %eq3A_76, %broadcast_in_dim3A_79, %broadcast_in_dim3A_80 : vector<16xi1>, vector<16xi32>
    %lt3A_82 = arith.cmpi slt, %gather3A_69, %select_n3A_57 : vector<16xi32>
    %jit3A_83 = arith.constant 1 : i32
    %jit3A_84 = arith.constant 0 : i32
    %broadcast_in_dim3A_85 = vector.broadcast %jit3A_83 : i32 to vector<16xi32>
    %broadcast_in_dim3A_86 = vector.broadcast %jit3A_84 : i32 to vector<16xi32>
    %select_n3A_87 = arith.select %lt3A_82, %broadcast_in_dim3A_85, %broadcast_in_dim3A_86 : vector<16xi1>, vector<16xi32>
    %mul3A_88 = arith.muli %select_n3A_81, %select_n3A_87 : vector<16xi32>
    %add3A_89 = arith.addi %select_n3A_75, %mul3A_88 : vector<16xi32>
    %gt3A_90 = arith.constant 0 : i32
    %gt3A_91 = vector.broadcast %gt3A_90 : i32 to vector<16xi32>
    %gt3A_92 = arith.cmpi sgt, %add3A_89, %gt3A_91 : vector<16xi32>
    %select_n3A_93 = arith.select %gt3A_92, %gather3A_69, %select_n3A_57 : vector<16xi1>, vector<16xi32>
    %gt3A_94 = arith.constant 0 : i32
    %gt3A_95 = vector.broadcast %gt3A_94 : i32 to vector<16xi32>
    %gt3A_96 = arith.cmpi sgt, %add3A_89, %gt3A_95 : vector<16xi32>
    %select_n3A_97 = arith.select %gt3A_96, %gather3A_63, %select_n3A_59 : vector<16xi1>, vector<16xf32>
    %xor3A_98 = arith.constant 2 : i32
    %xor3A_99 = vector.broadcast %xor3A_98 : i32 to vector<16xi32>
    %xor3A_100 = arith.xori %iota3A, %xor3A_99 : vector<16xi32>
    %broadcast_in_dim3A_101 = vector.shape_cast %xor3A_100 : vector<16xi32> to vector<16x1xi32>
    %gather3A_102 = vector.shape_cast %broadcast_in_dim3A_101 : vector<16x1xi32> to vector<16xi32>
    %gather3A_103 = tpu.dynamic_gather %select_n3A_97[%gather3A_102] in [0] : vector<16xf32>, vector<16xi32> -> vector<16xf32>
    %xor3A_104 = arith.constant 2 : i32
    %xor3A_105 = vector.broadcast %xor3A_104 : i32 to vector<16xi32>
    %xor3A_106 = arith.xori %iota3A, %xor3A_105 : vector<16xi32>
    %broadcast_in_dim3A_107 = vector.shape_cast %xor3A_106 : vector<16xi32> to vector<16x1xi32>
    %gather3A_108 = vector.shape_cast %broadcast_in_dim3A_107 : vector<16x1xi32> to vector<16xi32>
    %gather3A_109 = tpu.dynamic_gather %select_n3A_93[%gather3A_108] in [0] : vector<16xi32>, vector<16xi32> -> vector<16xi32>
    %gt3A_110 = arith.cmpf ogt, %gather3A_103, %select_n3A_97 : vector<16xf32>
    %jit3A_111 = arith.constant 1 : i32
    %jit3A_112 = arith.constant 0 : i32
    %broadcast_in_dim3A_113 = vector.broadcast %jit3A_111 : i32 to vector<16xi32>
    %broadcast_in_dim3A_114 = vector.broadcast %jit3A_112 : i32 to vector<16xi32>
    %select_n3A_115 = arith.select %gt3A_110, %broadcast_in_dim3A_113, %broadcast_in_dim3A_114 : vector<16xi1>, vector<16xi32>
    %eq3A_116 = arith.cmpf oeq, %gather3A_103, %select_n3A_97 : vector<16xf32>
    %jit3A_117 = arith.constant 1 : i32
    %jit3A_118 = arith.constant 0 : i32
    %broadcast_in_dim3A_119 = vector.broadcast %jit3A_117 : i32 to vector<16xi32>
    %broadcast_in_dim3A_120 = vector.broadcast %jit3A_118 : i32 to vector<16xi32>
    %select_n3A_121 = arith.select %eq3A_116, %broadcast_in_dim3A_119, %broadcast_in_dim3A_120 : vector<16xi1>, vector<16xi32>
    %lt3A_122 = arith.cmpi slt, %gather3A_109, %select_n3A_93 : vector<16xi32>
    %jit3A_123 = arith.constant 1 : i32
    %jit3A_124 = arith.constant 0 : i32
    %broadcast_in_dim3A_125 = vector.broadcast %jit3A_123 : i32 to vector<16xi32>
    %broadcast_in_dim3A_126 = vector.broadcast %jit3A_124 : i32 to vector<16xi32>
    %select_n3A_127 = arith.select %lt3A_122, %broadcast_in_dim3A_125, %broadcast_in_dim3A_126 : vector<16xi1>, vector<16xi32>
    %mul3A_128 = arith.muli %select_n3A_121, %select_n3A_127 : vector<16xi32>
    %add3A_129 = arith.addi %select_n3A_115, %mul3A_128 : vector<16xi32>
    %gt3A_130 = arith.constant 0 : i32
    %gt3A_131 = vector.broadcast %gt3A_130 : i32 to vector<16xi32>
    %gt3A_132 = arith.cmpi sgt, %add3A_129, %gt3A_131 : vector<16xi32>
    %select_n3A_133 = arith.select %gt3A_132, %gather3A_109, %select_n3A_93 : vector<16xi1>, vector<16xi32>
    %gt3A_134 = arith.constant 0 : i32
    %gt3A_135 = vector.broadcast %gt3A_134 : i32 to vector<16xi32>
    %gt3A_136 = arith.cmpi sgt, %add3A_129, %gt3A_135 : vector<16xi32>
    %select_n3A_137 = arith.select %gt3A_136, %gather3A_103, %select_n3A_97 : vector<16xi1>, vector<16xf32>
    %xor3A_138 = arith.constant 4 : i32
    %xor3A_139 = vector.broadcast %xor3A_138 : i32 to vector<16xi32>
    %xor3A_140 = arith.xori %iota3A, %xor3A_139 : vector<16xi32>
    %broadcast_in_dim3A_141 = vector.shape_cast %xor3A_140 : vector<16xi32> to vector<16x1xi32>
    %gather3A_142 = vector.shape_cast %broadcast_in_dim3A_141 : vector<16x1xi32> to vector<16xi32>
    %gather3A_143 = tpu.dynamic_gather %select_n3A_137[%gather3A_142] in [0] : vector<16xf32>, vector<16xi32> -> vector<16xf32>
    %xor3A_144 = arith.constant 4 : i32
    %xor3A_145 = vector.broadcast %xor3A_144 : i32 to vector<16xi32>
    %xor3A_146 = arith.xori %iota3A, %xor3A_145 : vector<16xi32>
    %broadcast_in_dim3A_147 = vector.shape_cast %xor3A_146 : vector<16xi32> to vector<16x1xi32>
    %gather3A_148 = vector.shape_cast %broadcast_in_dim3A_147 : vector<16x1xi32> to vector<16xi32>
    %gather3A_149 = tpu.dynamic_gather %select_n3A_133[%gather3A_148] in [0] : vector<16xi32>, vector<16xi32> -> vector<16xi32>
    %gt3A_150 = arith.cmpf ogt, %gather3A_143, %select_n3A_137 : vector<16xf32>
    %jit3A_151 = arith.constant 1 : i32
    %jit3A_152 = arith.constant 0 : i32
    %broadcast_in_dim3A_153 = vector.broadcast %jit3A_151 : i32 to vector<16xi32>
    %broadcast_in_dim3A_154 = vector.broadcast %jit3A_152 : i32 to vector<16xi32>
    %select_n3A_155 = arith.select %gt3A_150, %broadcast_in_dim3A_153, %broadcast_in_dim3A_154 : vector<16xi1>, vector<16xi32>
    %eq3A_156 = arith.cmpf oeq, %gather3A_143, %select_n3A_137 : vector<16xf32>
    %jit3A_157 = arith.constant 1 : i32
    %jit3A_158 = arith.constant 0 : i32
    %broadcast_in_dim3A_159 = vector.broadcast %jit3A_157 : i32 to vector<16xi32>
    %broadcast_in_dim3A_160 = vector.broadcast %jit3A_158 : i32 to vector<16xi32>
    %select_n3A_161 = arith.select %eq3A_156, %broadcast_in_dim3A_159, %broadcast_in_dim3A_160 : vector<16xi1>, vector<16xi32>
    %lt3A_162 = arith.cmpi slt, %gather3A_149, %select_n3A_133 : vector<16xi32>
    %jit3A_163 = arith.constant 1 : i32
    %jit3A_164 = arith.constant 0 : i32
    %broadcast_in_dim3A_165 = vector.broadcast %jit3A_163 : i32 to vector<16xi32>
    %broadcast_in_dim3A_166 = vector.broadcast %jit3A_164 : i32 to vector<16xi32>
    %select_n3A_167 = arith.select %lt3A_162, %broadcast_in_dim3A_165, %broadcast_in_dim3A_166 : vector<16xi1>, vector<16xi32>
    %mul3A_168 = arith.muli %select_n3A_161, %select_n3A_167 : vector<16xi32>
    %add3A_169 = arith.addi %select_n3A_155, %mul3A_168 : vector<16xi32>
    %gt3A_170 = arith.constant 0 : i32
    %gt3A_171 = vector.broadcast %gt3A_170 : i32 to vector<16xi32>
    %gt3A_172 = arith.cmpi sgt, %add3A_169, %gt3A_171 : vector<16xi32>
    %select_n3A_173 = arith.select %gt3A_172, %gather3A_149, %select_n3A_133 : vector<16xi1>, vector<16xi32>
    %gt3A_174 = arith.constant 0 : i32
    %gt3A_175 = vector.broadcast %gt3A_174 : i32 to vector<16xi32>
    %gt3A_176 = arith.cmpi sgt, %add3A_169, %gt3A_175 : vector<16xi32>
    %select_n3A_177 = arith.select %gt3A_176, %gather3A_143, %select_n3A_137 : vector<16xi1>, vector<16xf32>
    %xor3A_178 = arith.constant 8 : i32
    %xor3A_179 = vector.broadcast %xor3A_178 : i32 to vector<16xi32>
    %xor3A_180 = arith.xori %iota3A, %xor3A_179 : vector<16xi32>
    %broadcast_in_dim3A_181 = vector.shape_cast %xor3A_180 : vector<16xi32> to vector<16x1xi32>
    %gather3A_182 = vector.shape_cast %broadcast_in_dim3A_181 : vector<16x1xi32> to vector<16xi32>
    %gather3A_183 = tpu.dynamic_gather %select_n3A_177[%gather3A_182] in [0] : vector<16xf32>, vector<16xi32> -> vector<16xf32>
    %xor3A_184 = arith.constant 8 : i32
    %xor3A_185 = vector.broadcast %xor3A_184 : i32 to vector<16xi32>
    %xor3A_186 = arith.xori %iota3A, %xor3A_185 : vector<16xi32>
    %broadcast_in_dim3A_187 = vector.shape_cast %xor3A_186 : vector<16xi32> to vector<16x1xi32>
    %gather3A_188 = vector.shape_cast %broadcast_in_dim3A_187 : vector<16x1xi32> to vector<16xi32>
    %gather3A_189 = tpu.dynamic_gather %select_n3A_173[%gather3A_188] in [0] : vector<16xi32>, vector<16xi32> -> vector<16xi32>
    %gt3A_190 = arith.cmpf ogt, %gather3A_183, %select_n3A_177 : vector<16xf32>
    %jit3A_191 = arith.constant 1 : i32
    %jit3A_192 = arith.constant 0 : i32
    %broadcast_in_dim3A_193 = vector.broadcast %jit3A_191 : i32 to vector<16xi32>
    %broadcast_in_dim3A_194 = vector.broadcast %jit3A_192 : i32 to vector<16xi32>
    %select_n3A_195 = arith.select %gt3A_190, %broadcast_in_dim3A_193, %broadcast_in_dim3A_194 : vector<16xi1>, vector<16xi32>
    %eq3A_196 = arith.cmpf oeq, %gather3A_183, %select_n3A_177 : vector<16xf32>
    %jit3A_197 = arith.constant 1 : i32
    %jit3A_198 = arith.constant 0 : i32
    %broadcast_in_dim3A_199 = vector.broadcast %jit3A_197 : i32 to vector<16xi32>
    %broadcast_in_dim3A_200 = vector.broadcast %jit3A_198 : i32 to vector<16xi32>
    %select_n3A_201 = arith.select %eq3A_196, %broadcast_in_dim3A_199, %broadcast_in_dim3A_200 : vector<16xi1>, vector<16xi32>
    %lt3A_202 = arith.cmpi slt, %gather3A_189, %select_n3A_173 : vector<16xi32>
    %jit3A_203 = arith.constant 1 : i32
    %jit3A_204 = arith.constant 0 : i32
    %broadcast_in_dim3A_205 = vector.broadcast %jit3A_203 : i32 to vector<16xi32>
    %broadcast_in_dim3A_206 = vector.broadcast %jit3A_204 : i32 to vector<16xi32>
    %select_n3A_207 = arith.select %lt3A_202, %broadcast_in_dim3A_205, %broadcast_in_dim3A_206 : vector<16xi1>, vector<16xi32>
    %mul3A_208 = arith.muli %select_n3A_201, %select_n3A_207 : vector<16xi32>
    %add3A_209 = arith.addi %select_n3A_195, %mul3A_208 : vector<16xi32>
    %gt3A_210 = arith.constant 0 : i32
    %gt3A_211 = vector.broadcast %gt3A_210 : i32 to vector<16xi32>
    %gt3A_212 = arith.cmpi sgt, %add3A_209, %gt3A_211 : vector<16xi32>
    %select_n3A_213 = arith.select %gt3A_212, %gather3A_189, %select_n3A_173 : vector<16xi1>, vector<16xi32>
    %gt3A_214 = arith.constant 0 : i32
    %gt3A_215 = vector.broadcast %gt3A_214 : i32 to vector<16xi32>
    %gt3A_216 = arith.cmpi sgt, %add3A_209, %gt3A_215 : vector<16xi32>
    %select_n3A_217 = arith.select %gt3A_216, %gather3A_183, %select_n3A_177 : vector<16xi1>, vector<16xf32>
    %gt3A_218 = arith.constant 0 : i32
    %gt3A_219 = arith.cmpi sgt, %select_n3A_21, %gt3A_218 : i32
    %jit3A_220 = arith.constant 0 : i32
    %jit3A_221 = arith.constant 1000 : i32
    %select_n3A_222 = arith.select %gt3A_219, %jit3A_220, %jit3A_221 : i32
    %add3A_223 = vector.broadcast %select_n3A_222 : i32 to vector<16xi32>
    %add3A_224 = arith.addi %select_n3A_213, %add3A_223 : vector<16xi32>
    %add3A_225 = arith.constant 0 : i32
    %add3A_226 = vector.broadcast %add3A_225 : i32 to vector<16xi32>
    %add3A_227 = arith.addi %iota3A, %add3A_226 : vector<16xi32>
    %eq3A_228 = arith.cmpi eq, %add3A_227, %add3A_224 : vector<16xi32>
    %select_n3A_229 = arith.select %eq3A_228, %get3A_23, %broadcast_in_dim3A_33 : vector<16xi1>, vector<16xf32>
    %jit3A_230 = arith.constant -3.000000e+38 : f32
    %broadcast_in_dim3A_231 = vector.broadcast %jit3A_230 : f32 to vector<16xf32>
    %select_n3A_232 = arith.select %eq3A_228, %broadcast_in_dim3A_231, %get3A_23 : vector<16xi1>, vector<16xf32>
    %add3A_233 = arith.constant 16 : i32
    %add3A_234 = vector.broadcast %add3A_233 : i32 to vector<16xi32>
    %add3A_235 = arith.addi %iota3A, %add3A_234 : vector<16xi32>
    %eq3A_236 = arith.cmpi eq, %add3A_235, %add3A_224 : vector<16xi32>
    %select_n3A_237 = arith.select %eq3A_236, %get3A_26, %broadcast_in_dim3A_35 : vector<16xi1>, vector<16xf32>
    %jit3A_238 = arith.constant -3.000000e+38 : f32
    %broadcast_in_dim3A_239 = vector.broadcast %jit3A_238 : f32 to vector<16xf32>
    %select_n3A_240 = arith.select %eq3A_236, %broadcast_in_dim3A_239, %get3A_26 : vector<16xi1>, vector<16xf32>
    %add3A_241 = arith.constant 32 : i32
    %add3A_242 = vector.broadcast %add3A_241 : i32 to vector<16xi32>
    %add3A_243 = arith.addi %iota3A, %add3A_242 : vector<16xi32>
    %eq3A_244 = arith.cmpi eq, %add3A_243, %add3A_224 : vector<16xi32>
    %select_n3A_245 = arith.select %eq3A_244, %get3A_29, %broadcast_in_dim3A_37 : vector<16xi1>, vector<16xf32>
    %jit3A_246 = arith.constant -3.000000e+38 : f32
    %broadcast_in_dim3A_247 = vector.broadcast %jit3A_246 : f32 to vector<16xf32>
    %select_n3A_248 = arith.select %eq3A_244, %broadcast_in_dim3A_247, %get3A_29 : vector<16xi1>, vector<16xf32>
    %add3A_249 = arith.constant 48 : i32
    %add3A_250 = vector.broadcast %add3A_249 : i32 to vector<16xi32>
    %add3A_251 = arith.addi %iota3A, %add3A_250 : vector<16xi32>
    %eq3A_252 = arith.cmpi eq, %add3A_251, %add3A_224 : vector<16xi32>
    %select_n3A_253 = arith.select %eq3A_252, %get3A_32, %broadcast_in_dim3A_39 : vector<16xi1>, vector<16xf32>
    %jit3A_254 = arith.constant -3.000000e+38 : f32
    %broadcast_in_dim3A_255 = vector.broadcast %jit3A_254 : f32 to vector<16xf32>
    %select_n3A_256 = arith.select %eq3A_252, %broadcast_in_dim3A_255, %get3A_32 : vector<16xi1>, vector<16xf32>
    %add3A_257 = arith.constant 16 : i32
    %add3A_258 = vector.broadcast %add3A_257 : i32 to vector<16xi32>
    %add3A_259 = arith.addi %iota3A, %add3A_258 : vector<16xi32>
    %gt3A_260 = arith.cmpf ogt, %select_n3A_240, %select_n3A_232 : vector<16xf32>
    %select_n3A_261 = arith.select %gt3A_260, %add3A_259, %iota3A : vector<16xi1>, vector<16xi32>
    %gt3A_262 = arith.cmpf ogt, %select_n3A_240, %select_n3A_232 : vector<16xf32>
    %select_n3A_263 = arith.select %gt3A_262, %select_n3A_240, %select_n3A_232 : vector<16xi1>, vector<16xf32>
    %add3A_264 = arith.constant 32 : i32
    %add3A_265 = vector.broadcast %add3A_264 : i32 to vector<16xi32>
    %add3A_266 = arith.addi %iota3A, %add3A_265 : vector<16xi32>
    %gt3A_267 = arith.cmpf ogt, %select_n3A_248, %select_n3A_263 : vector<16xf32>
    %select_n3A_268 = arith.select %gt3A_267, %add3A_266, %select_n3A_261 : vector<16xi1>, vector<16xi32>
    %gt3A_269 = arith.cmpf ogt, %select_n3A_248, %select_n3A_263 : vector<16xf32>
    %select_n3A_270 = arith.select %gt3A_269, %select_n3A_248, %select_n3A_263 : vector<16xi1>, vector<16xf32>
    %add3A_271 = arith.constant 48 : i32
    %add3A_272 = vector.broadcast %add3A_271 : i32 to vector<16xi32>
    %add3A_273 = arith.addi %iota3A, %add3A_272 : vector<16xi32>
    %gt3A_274 = arith.cmpf ogt, %select_n3A_256, %select_n3A_270 : vector<16xf32>
    %select_n3A_275 = arith.select %gt3A_274, %add3A_273, %select_n3A_268 : vector<16xi1>, vector<16xi32>
    %gt3A_276 = arith.cmpf ogt, %select_n3A_256, %select_n3A_270 : vector<16xf32>
    %select_n3A_277 = arith.select %gt3A_276, %select_n3A_256, %select_n3A_270 : vector<16xi1>, vector<16xf32>
    %xor3A_278 = arith.constant 1 : i32
    %xor3A_279 = vector.broadcast %xor3A_278 : i32 to vector<16xi32>
    %xor3A_280 = arith.xori %iota3A, %xor3A_279 : vector<16xi32>
    %broadcast_in_dim3A_281 = vector.shape_cast %xor3A_280 : vector<16xi32> to vector<16x1xi32>
    %gather3A_282 = vector.shape_cast %broadcast_in_dim3A_281 : vector<16x1xi32> to vector<16xi32>
    %gather3A_283 = tpu.dynamic_gather %select_n3A_277[%gather3A_282] in [0] : vector<16xf32>, vector<16xi32> -> vector<16xf32>
    %xor3A_284 = arith.constant 1 : i32
    %xor3A_285 = vector.broadcast %xor3A_284 : i32 to vector<16xi32>
    %xor3A_286 = arith.xori %iota3A, %xor3A_285 : vector<16xi32>
    %broadcast_in_dim3A_287 = vector.shape_cast %xor3A_286 : vector<16xi32> to vector<16x1xi32>
    %gather3A_288 = vector.shape_cast %broadcast_in_dim3A_287 : vector<16x1xi32> to vector<16xi32>
    %gather3A_289 = tpu.dynamic_gather %select_n3A_275[%gather3A_288] in [0] : vector<16xi32>, vector<16xi32> -> vector<16xi32>
    %gt3A_290 = arith.cmpf ogt, %gather3A_283, %select_n3A_277 : vector<16xf32>
    %jit3A_291 = arith.constant 1 : i32
    %jit3A_292 = arith.constant 0 : i32
    %broadcast_in_dim3A_293 = vector.broadcast %jit3A_291 : i32 to vector<16xi32>
    %broadcast_in_dim3A_294 = vector.broadcast %jit3A_292 : i32 to vector<16xi32>
    %select_n3A_295 = arith.select %gt3A_290, %broadcast_in_dim3A_293, %broadcast_in_dim3A_294 : vector<16xi1>, vector<16xi32>
    %eq3A_296 = arith.cmpf oeq, %gather3A_283, %select_n3A_277 : vector<16xf32>
    %jit3A_297 = arith.constant 1 : i32
    %jit3A_298 = arith.constant 0 : i32
    %broadcast_in_dim3A_299 = vector.broadcast %jit3A_297 : i32 to vector<16xi32>
    %broadcast_in_dim3A_300 = vector.broadcast %jit3A_298 : i32 to vector<16xi32>
    %select_n3A_301 = arith.select %eq3A_296, %broadcast_in_dim3A_299, %broadcast_in_dim3A_300 : vector<16xi1>, vector<16xi32>
    %lt3A_302 = arith.cmpi slt, %gather3A_289, %select_n3A_275 : vector<16xi32>
    %jit3A_303 = arith.constant 1 : i32
    %jit3A_304 = arith.constant 0 : i32
    %broadcast_in_dim3A_305 = vector.broadcast %jit3A_303 : i32 to vector<16xi32>
    %broadcast_in_dim3A_306 = vector.broadcast %jit3A_304 : i32 to vector<16xi32>
    %select_n3A_307 = arith.select %lt3A_302, %broadcast_in_dim3A_305, %broadcast_in_dim3A_306 : vector<16xi1>, vector<16xi32>
    %mul3A_308 = arith.muli %select_n3A_301, %select_n3A_307 : vector<16xi32>
    %add3A_309 = arith.addi %select_n3A_295, %mul3A_308 : vector<16xi32>
    %gt3A_310 = arith.constant 0 : i32
    %gt3A_311 = vector.broadcast %gt3A_310 : i32 to vector<16xi32>
    %gt3A_312 = arith.cmpi sgt, %add3A_309, %gt3A_311 : vector<16xi32>
    %select_n3A_313 = arith.select %gt3A_312, %gather3A_289, %select_n3A_275 : vector<16xi1>, vector<16xi32>
    %gt3A_314 = arith.constant 0 : i32
    %gt3A_315 = vector.broadcast %gt3A_314 : i32 to vector<16xi32>
    %gt3A_316 = arith.cmpi sgt, %add3A_309, %gt3A_315 : vector<16xi32>
    %select_n3A_317 = arith.select %gt3A_316, %gather3A_283, %select_n3A_277 : vector<16xi1>, vector<16xf32>
    %xor3A_318 = arith.constant 2 : i32
    %xor3A_319 = vector.broadcast %xor3A_318 : i32 to vector<16xi32>
    %xor3A_320 = arith.xori %iota3A, %xor3A_319 : vector<16xi32>
    %broadcast_in_dim3A_321 = vector.shape_cast %xor3A_320 : vector<16xi32> to vector<16x1xi32>
    %gather3A_322 = vector.shape_cast %broadcast_in_dim3A_321 : vector<16x1xi32> to vector<16xi32>
    %gather3A_323 = tpu.dynamic_gather %select_n3A_317[%gather3A_322] in [0] : vector<16xf32>, vector<16xi32> -> vector<16xf32>
    %xor3A_324 = arith.constant 2 : i32
    %xor3A_325 = vector.broadcast %xor3A_324 : i32 to vector<16xi32>
    %xor3A_326 = arith.xori %iota3A, %xor3A_325 : vector<16xi32>
    %broadcast_in_dim3A_327 = vector.shape_cast %xor3A_326 : vector<16xi32> to vector<16x1xi32>
    %gather3A_328 = vector.shape_cast %broadcast_in_dim3A_327 : vector<16x1xi32> to vector<16xi32>
    %gather3A_329 = tpu.dynamic_gather %select_n3A_313[%gather3A_328] in [0] : vector<16xi32>, vector<16xi32> -> vector<16xi32>
    %gt3A_330 = arith.cmpf ogt, %gather3A_323, %select_n3A_317 : vector<16xf32>
    %jit3A_331 = arith.constant 1 : i32
    %jit3A_332 = arith.constant 0 : i32
    %broadcast_in_dim3A_333 = vector.broadcast %jit3A_331 : i32 to vector<16xi32>
    %broadcast_in_dim3A_334 = vector.broadcast %jit3A_332 : i32 to vector<16xi32>
    %select_n3A_335 = arith.select %gt3A_330, %broadcast_in_dim3A_333, %broadcast_in_dim3A_334 : vector<16xi1>, vector<16xi32>
    %eq3A_336 = arith.cmpf oeq, %gather3A_323, %select_n3A_317 : vector<16xf32>
    %jit3A_337 = arith.constant 1 : i32
    %jit3A_338 = arith.constant 0 : i32
    %broadcast_in_dim3A_339 = vector.broadcast %jit3A_337 : i32 to vector<16xi32>
    %broadcast_in_dim3A_340 = vector.broadcast %jit3A_338 : i32 to vector<16xi32>
    %select_n3A_341 = arith.select %eq3A_336, %broadcast_in_dim3A_339, %broadcast_in_dim3A_340 : vector<16xi1>, vector<16xi32>
    %lt3A_342 = arith.cmpi slt, %gather3A_329, %select_n3A_313 : vector<16xi32>
    %jit3A_343 = arith.constant 1 : i32
    %jit3A_344 = arith.constant 0 : i32
    %broadcast_in_dim3A_345 = vector.broadcast %jit3A_343 : i32 to vector<16xi32>
    %broadcast_in_dim3A_346 = vector.broadcast %jit3A_344 : i32 to vector<16xi32>
    %select_n3A_347 = arith.select %lt3A_342, %broadcast_in_dim3A_345, %broadcast_in_dim3A_346 : vector<16xi1>, vector<16xi32>
    %mul3A_348 = arith.muli %select_n3A_341, %select_n3A_347 : vector<16xi32>
    %add3A_349 = arith.addi %select_n3A_335, %mul3A_348 : vector<16xi32>
    %gt3A_350 = arith.constant 0 : i32
    %gt3A_351 = vector.broadcast %gt3A_350 : i32 to vector<16xi32>
    %gt3A_352 = arith.cmpi sgt, %add3A_349, %gt3A_351 : vector<16xi32>
    %select_n3A_353 = arith.select %gt3A_352, %gather3A_329, %select_n3A_313 : vector<16xi1>, vector<16xi32>
    %gt3A_354 = arith.constant 0 : i32
    %gt3A_355 = vector.broadcast %gt3A_354 : i32 to vector<16xi32>
    %gt3A_356 = arith.cmpi sgt, %add3A_349, %gt3A_355 : vector<16xi32>
    %select_n3A_357 = arith.select %gt3A_356, %gather3A_323, %select_n3A_317 : vector<16xi1>, vector<16xf32>
    %xor3A_358 = arith.constant 4 : i32
    %xor3A_359 = vector.broadcast %xor3A_358 : i32 to vector<16xi32>
    %xor3A_360 = arith.xori %iota3A, %xor3A_359 : vector<16xi32>
    %broadcast_in_dim3A_361 = vector.shape_cast %xor3A_360 : vector<16xi32> to vector<16x1xi32>
    %gather3A_362 = vector.shape_cast %broadcast_in_dim3A_361 : vector<16x1xi32> to vector<16xi32>
    %gather3A_363 = tpu.dynamic_gather %select_n3A_357[%gather3A_362] in [0] : vector<16xf32>, vector<16xi32> -> vector<16xf32>
    %xor3A_364 = arith.constant 4 : i32
    %xor3A_365 = vector.broadcast %xor3A_364 : i32 to vector<16xi32>
    %xor3A_366 = arith.xori %iota3A, %xor3A_365 : vector<16xi32>
    %broadcast_in_dim3A_367 = vector.shape_cast %xor3A_366 : vector<16xi32> to vector<16x1xi32>
    %gather3A_368 = vector.shape_cast %broadcast_in_dim3A_367 : vector<16x1xi32> to vector<16xi32>
    %gather3A_369 = tpu.dynamic_gather %select_n3A_353[%gather3A_368] in [0] : vector<16xi32>, vector<16xi32> -> vector<16xi32>
    %gt3A_370 = arith.cmpf ogt, %gather3A_363, %select_n3A_357 : vector<16xf32>
    %jit3A_371 = arith.constant 1 : i32
    %jit3A_372 = arith.constant 0 : i32
    %broadcast_in_dim3A_373 = vector.broadcast %jit3A_371 : i32 to vector<16xi32>
    %broadcast_in_dim3A_374 = vector.broadcast %jit3A_372 : i32 to vector<16xi32>
    %select_n3A_375 = arith.select %gt3A_370, %broadcast_in_dim3A_373, %broadcast_in_dim3A_374 : vector<16xi1>, vector<16xi32>
    %eq3A_376 = arith.cmpf oeq, %gather3A_363, %select_n3A_357 : vector<16xf32>
    %jit3A_377 = arith.constant 1 : i32
    %jit3A_378 = arith.constant 0 : i32
    %broadcast_in_dim3A_379 = vector.broadcast %jit3A_377 : i32 to vector<16xi32>
    %broadcast_in_dim3A_380 = vector.broadcast %jit3A_378 : i32 to vector<16xi32>
    %select_n3A_381 = arith.select %eq3A_376, %broadcast_in_dim3A_379, %broadcast_in_dim3A_380 : vector<16xi1>, vector<16xi32>
    %lt3A_382 = arith.cmpi slt, %gather3A_369, %select_n3A_353 : vector<16xi32>
    %jit3A_383 = arith.constant 1 : i32
    %jit3A_384 = arith.constant 0 : i32
    %broadcast_in_dim3A_385 = vector.broadcast %jit3A_383 : i32 to vector<16xi32>
    %broadcast_in_dim3A_386 = vector.broadcast %jit3A_384 : i32 to vector<16xi32>
    %select_n3A_387 = arith.select %lt3A_382, %broadcast_in_dim3A_385, %broadcast_in_dim3A_386 : vector<16xi1>, vector<16xi32>
    %mul3A_388 = arith.muli %select_n3A_381, %select_n3A_387 : vector<16xi32>
    %add3A_389 = arith.addi %select_n3A_375, %mul3A_388 : vector<16xi32>
    %gt3A_390 = arith.constant 0 : i32
    %gt3A_391 = vector.broadcast %gt3A_390 : i32 to vector<16xi32>
    %gt3A_392 = arith.cmpi sgt, %add3A_389, %gt3A_391 : vector<16xi32>
    %select_n3A_393 = arith.select %gt3A_392, %gather3A_369, %select_n3A_353 : vector<16xi1>, vector<16xi32>
    %gt3A_394 = arith.constant 0 : i32
    %gt3A_395 = vector.broadcast %gt3A_394 : i32 to vector<16xi32>
    %gt3A_396 = arith.cmpi sgt, %add3A_389, %gt3A_395 : vector<16xi32>
    %select_n3A_397 = arith.select %gt3A_396, %gather3A_363, %select_n3A_357 : vector<16xi1>, vector<16xf32>
    %xor3A_398 = arith.constant 8 : i32
    %xor3A_399 = vector.broadcast %xor3A_398 : i32 to vector<16xi32>
    %xor3A_400 = arith.xori %iota3A, %xor3A_399 : vector<16xi32>
    %broadcast_in_dim3A_401 = vector.shape_cast %xor3A_400 : vector<16xi32> to vector<16x1xi32>
    %gather3A_402 = vector.shape_cast %broadcast_in_dim3A_401 : vector<16x1xi32> to vector<16xi32>
    %gather3A_403 = tpu.dynamic_gather %select_n3A_397[%gather3A_402] in [0] : vector<16xf32>, vector<16xi32> -> vector<16xf32>
    %xor3A_404 = arith.constant 8 : i32
    %xor3A_405 = vector.broadcast %xor3A_404 : i32 to vector<16xi32>
    %xor3A_406 = arith.xori %iota3A, %xor3A_405 : vector<16xi32>
    %broadcast_in_dim3A_407 = vector.shape_cast %xor3A_406 : vector<16xi32> to vector<16x1xi32>
    %gather3A_408 = vector.shape_cast %broadcast_in_dim3A_407 : vector<16x1xi32> to vector<16xi32>
    %gather3A_409 = tpu.dynamic_gather %select_n3A_393[%gather3A_408] in [0] : vector<16xi32>, vector<16xi32> -> vector<16xi32>
    %gt3A_410 = arith.cmpf ogt, %gather3A_403, %select_n3A_397 : vector<16xf32>
    %jit3A_411 = arith.constant 1 : i32
    %jit3A_412 = arith.constant 0 : i32
    %broadcast_in_dim3A_413 = vector.broadcast %jit3A_411 : i32 to vector<16xi32>
    %broadcast_in_dim3A_414 = vector.broadcast %jit3A_412 : i32 to vector<16xi32>
    %select_n3A_415 = arith.select %gt3A_410, %broadcast_in_dim3A_413, %broadcast_in_dim3A_414 : vector<16xi1>, vector<16xi32>
    %eq3A_416 = arith.cmpf oeq, %gather3A_403, %select_n3A_397 : vector<16xf32>
    %jit3A_417 = arith.constant 1 : i32
    %jit3A_418 = arith.constant 0 : i32
    %broadcast_in_dim3A_419 = vector.broadcast %jit3A_417 : i32 to vector<16xi32>
    %broadcast_in_dim3A_420 = vector.broadcast %jit3A_418 : i32 to vector<16xi32>
    %select_n3A_421 = arith.select %eq3A_416, %broadcast_in_dim3A_419, %broadcast_in_dim3A_420 : vector<16xi1>, vector<16xi32>
    %lt3A_422 = arith.cmpi slt, %gather3A_409, %select_n3A_393 : vector<16xi32>
    %jit3A_423 = arith.constant 1 : i32
    %jit3A_424 = arith.constant 0 : i32
    %broadcast_in_dim3A_425 = vector.broadcast %jit3A_423 : i32 to vector<16xi32>
    %broadcast_in_dim3A_426 = vector.broadcast %jit3A_424 : i32 to vector<16xi32>
    %select_n3A_427 = arith.select %lt3A_422, %broadcast_in_dim3A_425, %broadcast_in_dim3A_426 : vector<16xi1>, vector<16xi32>
    %mul3A_428 = arith.muli %select_n3A_421, %select_n3A_427 : vector<16xi32>
    %add3A_429 = arith.addi %select_n3A_415, %mul3A_428 : vector<16xi32>
    %gt3A_430 = arith.constant 0 : i32
    %gt3A_431 = vector.broadcast %gt3A_430 : i32 to vector<16xi32>
    %gt3A_432 = arith.cmpi sgt, %add3A_429, %gt3A_431 : vector<16xi32>
    %select_n3A_433 = arith.select %gt3A_432, %gather3A_409, %select_n3A_393 : vector<16xi1>, vector<16xi32>
    %gt3A_434 = arith.constant 0 : i32
    %gt3A_435 = vector.broadcast %gt3A_434 : i32 to vector<16xi32>
    %gt3A_436 = arith.cmpi sgt, %add3A_429, %gt3A_435 : vector<16xi32>
    %select_n3A_437 = arith.select %gt3A_436, %gather3A_403, %select_n3A_397 : vector<16xi1>, vector<16xf32>
    %gt3A_438 = arith.constant 1 : i32
    %gt3A_439 = arith.cmpi sgt, %select_n3A_21, %gt3A_438 : i32
    %jit3A_440 = arith.constant 0 : i32
    %jit3A_441 = arith.constant 1000 : i32
    %select_n3A_442 = arith.select %gt3A_439, %jit3A_440, %jit3A_441 : i32
    %add3A_443 = vector.broadcast %select_n3A_442 : i32 to vector<16xi32>
    %add3A_444 = arith.addi %select_n3A_433, %add3A_443 : vector<16xi32>
    %add3A_445 = arith.constant 0 : i32
    %add3A_446 = vector.broadcast %add3A_445 : i32 to vector<16xi32>
    %add3A_447 = arith.addi %iota3A, %add3A_446 : vector<16xi32>
    %eq3A_448 = arith.cmpi eq, %add3A_447, %add3A_444 : vector<16xi32>
    %select_n3A_449 = arith.select %eq3A_448, %select_n3A_232, %select_n3A_229 : vector<16xi1>, vector<16xf32>
    %jit3A_450 = arith.constant -3.000000e+38 : f32
    %broadcast_in_dim3A_451 = vector.broadcast %jit3A_450 : f32 to vector<16xf32>
    %select_n3A_452 = arith.select %eq3A_448, %broadcast_in_dim3A_451, %select_n3A_232 : vector<16xi1>, vector<16xf32>
    %add3A_453 = arith.constant 16 : i32
    %add3A_454 = vector.broadcast %add3A_453 : i32 to vector<16xi32>
    %add3A_455 = arith.addi %iota3A, %add3A_454 : vector<16xi32>
    %eq3A_456 = arith.cmpi eq, %add3A_455, %add3A_444 : vector<16xi32>
    %select_n3A_457 = arith.select %eq3A_456, %select_n3A_240, %select_n3A_237 : vector<16xi1>, vector<16xf32>
    %jit3A_458 = arith.constant -3.000000e+38 : f32
    %broadcast_in_dim3A_459 = vector.broadcast %jit3A_458 : f32 to vector<16xf32>
    %select_n3A_460 = arith.select %eq3A_456, %broadcast_in_dim3A_459, %select_n3A_240 : vector<16xi1>, vector<16xf32>
    %add3A_461 = arith.constant 32 : i32
    %add3A_462 = vector.broadcast %add3A_461 : i32 to vector<16xi32>
    %add3A_463 = arith.addi %iota3A, %add3A_462 : vector<16xi32>
    %eq3A_464 = arith.cmpi eq, %add3A_463, %add3A_444 : vector<16xi32>
    %select_n3A_465 = arith.select %eq3A_464, %select_n3A_248, %select_n3A_245 : vector<16xi1>, vector<16xf32>
    %jit3A_466 = arith.constant -3.000000e+38 : f32
    %broadcast_in_dim3A_467 = vector.broadcast %jit3A_466 : f32 to vector<16xf32>
    %select_n3A_468 = arith.select %eq3A_464, %broadcast_in_dim3A_467, %select_n3A_248 : vector<16xi1>, vector<16xf32>
    %add3A_469 = arith.constant 48 : i32
    %add3A_470 = vector.broadcast %add3A_469 : i32 to vector<16xi32>
    %add3A_471 = arith.addi %iota3A, %add3A_470 : vector<16xi32>
    %eq3A_472 = arith.cmpi eq, %add3A_471, %add3A_444 : vector<16xi32>
    %select_n3A_473 = arith.select %eq3A_472, %select_n3A_256, %select_n3A_253 : vector<16xi1>, vector<16xf32>
    %jit3A_474 = arith.constant -3.000000e+38 : f32
    %broadcast_in_dim3A_475 = vector.broadcast %jit3A_474 : f32 to vector<16xf32>
    %select_n3A_476 = arith.select %eq3A_472, %broadcast_in_dim3A_475, %select_n3A_256 : vector<16xi1>, vector<16xf32>
    %add3A_477 = arith.constant 16 : i32
    %add3A_478 = vector.broadcast %add3A_477 : i32 to vector<16xi32>
    %add3A_479 = arith.addi %iota3A, %add3A_478 : vector<16xi32>
    %gt3A_480 = arith.cmpf ogt, %select_n3A_460, %select_n3A_452 : vector<16xf32>
    %select_n3A_481 = arith.select %gt3A_480, %add3A_479, %iota3A : vector<16xi1>, vector<16xi32>
    %gt3A_482 = arith.cmpf ogt, %select_n3A_460, %select_n3A_452 : vector<16xf32>
    %select_n3A_483 = arith.select %gt3A_482, %select_n3A_460, %select_n3A_452 : vector<16xi1>, vector<16xf32>
    %add3A_484 = arith.constant 32 : i32
    %add3A_485 = vector.broadcast %add3A_484 : i32 to vector<16xi32>
    %add3A_486 = arith.addi %iota3A, %add3A_485 : vector<16xi32>
    %gt3A_487 = arith.cmpf ogt, %select_n3A_468, %select_n3A_483 : vector<16xf32>
    %select_n3A_488 = arith.select %gt3A_487, %add3A_486, %select_n3A_481 : vector<16xi1>, vector<16xi32>
    %gt3A_489 = arith.cmpf ogt, %select_n3A_468, %select_n3A_483 : vector<16xf32>
    %select_n3A_490 = arith.select %gt3A_489, %select_n3A_468, %select_n3A_483 : vector<16xi1>, vector<16xf32>
    %add3A_491 = arith.constant 48 : i32
    %add3A_492 = vector.broadcast %add3A_491 : i32 to vector<16xi32>
    %add3A_493 = arith.addi %iota3A, %add3A_492 : vector<16xi32>
    %gt3A_494 = arith.cmpf ogt, %select_n3A_476, %select_n3A_490 : vector<16xf32>
    %select_n3A_495 = arith.select %gt3A_494, %add3A_493, %select_n3A_488 : vector<16xi1>, vector<16xi32>
    %gt3A_496 = arith.cmpf ogt, %select_n3A_476, %select_n3A_490 : vector<16xf32>
    %select_n3A_497 = arith.select %gt3A_496, %select_n3A_476, %select_n3A_490 : vector<16xi1>, vector<16xf32>
    %xor3A_498 = arith.constant 1 : i32
    %xor3A_499 = vector.broadcast %xor3A_498 : i32 to vector<16xi32>
    %xor3A_500 = arith.xori %iota3A, %xor3A_499 : vector<16xi32>
    %broadcast_in_dim3A_501 = vector.shape_cast %xor3A_500 : vector<16xi32> to vector<16x1xi32>
    %gather3A_502 = vector.shape_cast %broadcast_in_dim3A_501 : vector<16x1xi32> to vector<16xi32>
    %gather3A_503 = tpu.dynamic_gather %select_n3A_497[%gather3A_502] in [0] : vector<16xf32>, vector<16xi32> -> vector<16xf32>
    %xor3A_504 = arith.constant 1 : i32
    %xor3A_505 = vector.broadcast %xor3A_504 : i32 to vector<16xi32>
    %xor3A_506 = arith.xori %iota3A, %xor3A_505 : vector<16xi32>
    %broadcast_in_dim3A_507 = vector.shape_cast %xor3A_506 : vector<16xi32> to vector<16x1xi32>
    %gather3A_508 = vector.shape_cast %broadcast_in_dim3A_507 : vector<16x1xi32> to vector<16xi32>
    %gather3A_509 = tpu.dynamic_gather %select_n3A_495[%gather3A_508] in [0] : vector<16xi32>, vector<16xi32> -> vector<16xi32>
    %gt3A_510 = arith.cmpf ogt, %gather3A_503, %select_n3A_497 : vector<16xf32>
    %jit3A_511 = arith.constant 1 : i32
    %jit3A_512 = arith.constant 0 : i32
    %broadcast_in_dim3A_513 = vector.broadcast %jit3A_511 : i32 to vector<16xi32>
    %broadcast_in_dim3A_514 = vector.broadcast %jit3A_512 : i32 to vector<16xi32>
    %select_n3A_515 = arith.select %gt3A_510, %broadcast_in_dim3A_513, %broadcast_in_dim3A_514 : vector<16xi1>, vector<16xi32>
    %eq3A_516 = arith.cmpf oeq, %gather3A_503, %select_n3A_497 : vector<16xf32>
    %jit3A_517 = arith.constant 1 : i32
    %jit3A_518 = arith.constant 0 : i32
    %broadcast_in_dim3A_519 = vector.broadcast %jit3A_517 : i32 to vector<16xi32>
    %broadcast_in_dim3A_520 = vector.broadcast %jit3A_518 : i32 to vector<16xi32>
    %select_n3A_521 = arith.select %eq3A_516, %broadcast_in_dim3A_519, %broadcast_in_dim3A_520 : vector<16xi1>, vector<16xi32>
    %lt3A_522 = arith.cmpi slt, %gather3A_509, %select_n3A_495 : vector<16xi32>
    %jit3A_523 = arith.constant 1 : i32
    %jit3A_524 = arith.constant 0 : i32
    %broadcast_in_dim3A_525 = vector.broadcast %jit3A_523 : i32 to vector<16xi32>
    %broadcast_in_dim3A_526 = vector.broadcast %jit3A_524 : i32 to vector<16xi32>
    %select_n3A_527 = arith.select %lt3A_522, %broadcast_in_dim3A_525, %broadcast_in_dim3A_526 : vector<16xi1>, vector<16xi32>
    %mul3A_528 = arith.muli %select_n3A_521, %select_n3A_527 : vector<16xi32>
    %add3A_529 = arith.addi %select_n3A_515, %mul3A_528 : vector<16xi32>
    %gt3A_530 = arith.constant 0 : i32
    %gt3A_531 = vector.broadcast %gt3A_530 : i32 to vector<16xi32>
    %gt3A_532 = arith.cmpi sgt, %add3A_529, %gt3A_531 : vector<16xi32>
    %select_n3A_533 = arith.select %gt3A_532, %gather3A_509, %select_n3A_495 : vector<16xi1>, vector<16xi32>
    %gt3A_534 = arith.constant 0 : i32
    %gt3A_535 = vector.broadcast %gt3A_534 : i32 to vector<16xi32>
    %gt3A_536 = arith.cmpi sgt, %add3A_529, %gt3A_535 : vector<16xi32>
    %select_n3A_537 = arith.select %gt3A_536, %gather3A_503, %select_n3A_497 : vector<16xi1>, vector<16xf32>
    %xor3A_538 = arith.constant 2 : i32
    %xor3A_539 = vector.broadcast %xor3A_538 : i32 to vector<16xi32>
    %xor3A_540 = arith.xori %iota3A, %xor3A_539 : vector<16xi32>
    %broadcast_in_dim3A_541 = vector.shape_cast %xor3A_540 : vector<16xi32> to vector<16x1xi32>
    %gather3A_542 = vector.shape_cast %broadcast_in_dim3A_541 : vector<16x1xi32> to vector<16xi32>
    %gather3A_543 = tpu.dynamic_gather %select_n3A_537[%gather3A_542] in [0] : vector<16xf32>, vector<16xi32> -> vector<16xf32>
    %xor3A_544 = arith.constant 2 : i32
    %xor3A_545 = vector.broadcast %xor3A_544 : i32 to vector<16xi32>
    %xor3A_546 = arith.xori %iota3A, %xor3A_545 : vector<16xi32>
    %broadcast_in_dim3A_547 = vector.shape_cast %xor3A_546 : vector<16xi32> to vector<16x1xi32>
    %gather3A_548 = vector.shape_cast %broadcast_in_dim3A_547 : vector<16x1xi32> to vector<16xi32>
    %gather3A_549 = tpu.dynamic_gather %select_n3A_533[%gather3A_548] in [0] : vector<16xi32>, vector<16xi32> -> vector<16xi32>
    %gt3A_550 = arith.cmpf ogt, %gather3A_543, %select_n3A_537 : vector<16xf32>
    %jit3A_551 = arith.constant 1 : i32
    %jit3A_552 = arith.constant 0 : i32
    %broadcast_in_dim3A_553 = vector.broadcast %jit3A_551 : i32 to vector<16xi32>
    %broadcast_in_dim3A_554 = vector.broadcast %jit3A_552 : i32 to vector<16xi32>
    %select_n3A_555 = arith.select %gt3A_550, %broadcast_in_dim3A_553, %broadcast_in_dim3A_554 : vector<16xi1>, vector<16xi32>
    %eq3A_556 = arith.cmpf oeq, %gather3A_543, %select_n3A_537 : vector<16xf32>
    %jit3A_557 = arith.constant 1 : i32
    %jit3A_558 = arith.constant 0 : i32
    %broadcast_in_dim3A_559 = vector.broadcast %jit3A_557 : i32 to vector<16xi32>
    %broadcast_in_dim3A_560 = vector.broadcast %jit3A_558 : i32 to vector<16xi32>
    %select_n3A_561 = arith.select %eq3A_556, %broadcast_in_dim3A_559, %broadcast_in_dim3A_560 : vector<16xi1>, vector<16xi32>
    %lt3A_562 = arith.cmpi slt, %gather3A_549, %select_n3A_533 : vector<16xi32>
    %jit3A_563 = arith.constant 1 : i32
    %jit3A_564 = arith.constant 0 : i32
    %broadcast_in_dim3A_565 = vector.broadcast %jit3A_563 : i32 to vector<16xi32>
    %broadcast_in_dim3A_566 = vector.broadcast %jit3A_564 : i32 to vector<16xi32>
    %select_n3A_567 = arith.select %lt3A_562, %broadcast_in_dim3A_565, %broadcast_in_dim3A_566 : vector<16xi1>, vector<16xi32>
    %mul3A_568 = arith.muli %select_n3A_561, %select_n3A_567 : vector<16xi32>
    %add3A_569 = arith.addi %select_n3A_555, %mul3A_568 : vector<16xi32>
    %gt3A_570 = arith.constant 0 : i32
    %gt3A_571 = vector.broadcast %gt3A_570 : i32 to vector<16xi32>
    %gt3A_572 = arith.cmpi sgt, %add3A_569, %gt3A_571 : vector<16xi32>
    %select_n3A_573 = arith.select %gt3A_572, %gather3A_549, %select_n3A_533 : vector<16xi1>, vector<16xi32>
    %gt3A_574 = arith.constant 0 : i32
    %gt3A_575 = vector.broadcast %gt3A_574 : i32 to vector<16xi32>
    %gt3A_576 = arith.cmpi sgt, %add3A_569, %gt3A_575 : vector<16xi32>
    %select_n3A_577 = arith.select %gt3A_576, %gather3A_543, %select_n3A_537 : vector<16xi1>, vector<16xf32>
    %xor3A_578 = arith.constant 4 : i32
    %xor3A_579 = vector.broadcast %xor3A_578 : i32 to vector<16xi32>
    %xor3A_580 = arith.xori %iota3A, %xor3A_579 : vector<16xi32>
    %broadcast_in_dim3A_581 = vector.shape_cast %xor3A_580 : vector<16xi32> to vector<16x1xi32>
    %gather3A_582 = vector.shape_cast %broadcast_in_dim3A_581 : vector<16x1xi32> to vector<16xi32>
    %gather3A_583 = tpu.dynamic_gather %select_n3A_577[%gather3A_582] in [0] : vector<16xf32>, vector<16xi32> -> vector<16xf32>
    %xor3A_584 = arith.constant 4 : i32
    %xor3A_585 = vector.broadcast %xor3A_584 : i32 to vector<16xi32>
    %xor3A_586 = arith.xori %iota3A, %xor3A_585 : vector<16xi32>
    %broadcast_in_dim3A_587 = vector.shape_cast %xor3A_586 : vector<16xi32> to vector<16x1xi32>
    %gather3A_588 = vector.shape_cast %broadcast_in_dim3A_587 : vector<16x1xi32> to vector<16xi32>
    %gather3A_589 = tpu.dynamic_gather %select_n3A_573[%gather3A_588] in [0] : vector<16xi32>, vector<16xi32> -> vector<16xi32>
    %gt3A_590 = arith.cmpf ogt, %gather3A_583, %select_n3A_577 : vector<16xf32>
    %jit3A_591 = arith.constant 1 : i32
    %jit3A_592 = arith.constant 0 : i32
    %broadcast_in_dim3A_593 = vector.broadcast %jit3A_591 : i32 to vector<16xi32>
    %broadcast_in_dim3A_594 = vector.broadcast %jit3A_592 : i32 to vector<16xi32>
    %select_n3A_595 = arith.select %gt3A_590, %broadcast_in_dim3A_593, %broadcast_in_dim3A_594 : vector<16xi1>, vector<16xi32>
    %eq3A_596 = arith.cmpf oeq, %gather3A_583, %select_n3A_577 : vector<16xf32>
    %jit3A_597 = arith.constant 1 : i32
    %jit3A_598 = arith.constant 0 : i32
    %broadcast_in_dim3A_599 = vector.broadcast %jit3A_597 : i32 to vector<16xi32>
    %broadcast_in_dim3A_600 = vector.broadcast %jit3A_598 : i32 to vector<16xi32>
    %select_n3A_601 = arith.select %eq3A_596, %broadcast_in_dim3A_599, %broadcast_in_dim3A_600 : vector<16xi1>, vector<16xi32>
    %lt3A_602 = arith.cmpi slt, %gather3A_589, %select_n3A_573 : vector<16xi32>
    %jit3A_603 = arith.constant 1 : i32
    %jit3A_604 = arith.constant 0 : i32
    %broadcast_in_dim3A_605 = vector.broadcast %jit3A_603 : i32 to vector<16xi32>
    %broadcast_in_dim3A_606 = vector.broadcast %jit3A_604 : i32 to vector<16xi32>
    %select_n3A_607 = arith.select %lt3A_602, %broadcast_in_dim3A_605, %broadcast_in_dim3A_606 : vector<16xi1>, vector<16xi32>
    %mul3A_608 = arith.muli %select_n3A_601, %select_n3A_607 : vector<16xi32>
    %add3A_609 = arith.addi %select_n3A_595, %mul3A_608 : vector<16xi32>
    %gt3A_610 = arith.constant 0 : i32
    %gt3A_611 = vector.broadcast %gt3A_610 : i32 to vector<16xi32>
    %gt3A_612 = arith.cmpi sgt, %add3A_609, %gt3A_611 : vector<16xi32>
    %select_n3A_613 = arith.select %gt3A_612, %gather3A_589, %select_n3A_573 : vector<16xi1>, vector<16xi32>
    %gt3A_614 = arith.constant 0 : i32
    %gt3A_615 = vector.broadcast %gt3A_614 : i32 to vector<16xi32>
    %gt3A_616 = arith.cmpi sgt, %add3A_609, %gt3A_615 : vector<16xi32>
    %select_n3A_617 = arith.select %gt3A_616, %gather3A_583, %select_n3A_577 : vector<16xi1>, vector<16xf32>
    %xor3A_618 = arith.constant 8 : i32
    %xor3A_619 = vector.broadcast %xor3A_618 : i32 to vector<16xi32>
    %xor3A_620 = arith.xori %iota3A, %xor3A_619 : vector<16xi32>
    %broadcast_in_dim3A_621 = vector.shape_cast %xor3A_620 : vector<16xi32> to vector<16x1xi32>
    %gather3A_622 = vector.shape_cast %broadcast_in_dim3A_621 : vector<16x1xi32> to vector<16xi32>
    %gather3A_623 = tpu.dynamic_gather %select_n3A_617[%gather3A_622] in [0] : vector<16xf32>, vector<16xi32> -> vector<16xf32>
    %xor3A_624 = arith.constant 8 : i32
    %xor3A_625 = vector.broadcast %xor3A_624 : i32 to vector<16xi32>
    %xor3A_626 = arith.xori %iota3A, %xor3A_625 : vector<16xi32>
    %broadcast_in_dim3A_627 = vector.shape_cast %xor3A_626 : vector<16xi32> to vector<16x1xi32>
    %gather3A_628 = vector.shape_cast %broadcast_in_dim3A_627 : vector<16x1xi32> to vector<16xi32>
    %gather3A_629 = tpu.dynamic_gather %select_n3A_613[%gather3A_628] in [0] : vector<16xi32>, vector<16xi32> -> vector<16xi32>
    %gt3A_630 = arith.cmpf ogt, %gather3A_623, %select_n3A_617 : vector<16xf32>
    %jit3A_631 = arith.constant 1 : i32
    %jit3A_632 = arith.constant 0 : i32
    %broadcast_in_dim3A_633 = vector.broadcast %jit3A_631 : i32 to vector<16xi32>
    %broadcast_in_dim3A_634 = vector.broadcast %jit3A_632 : i32 to vector<16xi32>
    %select_n3A_635 = arith.select %gt3A_630, %broadcast_in_dim3A_633, %broadcast_in_dim3A_634 : vector<16xi1>, vector<16xi32>
    %eq3A_636 = arith.cmpf oeq, %gather3A_623, %select_n3A_617 : vector<16xf32>
    %jit3A_637 = arith.constant 1 : i32
    %jit3A_638 = arith.constant 0 : i32
    %broadcast_in_dim3A_639 = vector.broadcast %jit3A_637 : i32 to vector<16xi32>
    %broadcast_in_dim3A_640 = vector.broadcast %jit3A_638 : i32 to vector<16xi32>
    %select_n3A_641 = arith.select %eq3A_636, %broadcast_in_dim3A_639, %broadcast_in_dim3A_640 : vector<16xi1>, vector<16xi32>
    %lt3A_642 = arith.cmpi slt, %gather3A_629, %select_n3A_613 : vector<16xi32>
    %jit3A_643 = arith.constant 1 : i32
    %jit3A_644 = arith.constant 0 : i32
    %broadcast_in_dim3A_645 = vector.broadcast %jit3A_643 : i32 to vector<16xi32>
    %broadcast_in_dim3A_646 = vector.broadcast %jit3A_644 : i32 to vector<16xi32>
    %select_n3A_647 = arith.select %lt3A_642, %broadcast_in_dim3A_645, %broadcast_in_dim3A_646 : vector<16xi1>, vector<16xi32>
    %mul3A_648 = arith.muli %select_n3A_641, %select_n3A_647 : vector<16xi32>
    %add3A_649 = arith.addi %select_n3A_635, %mul3A_648 : vector<16xi32>
    %gt3A_650 = arith.constant 0 : i32
    %gt3A_651 = vector.broadcast %gt3A_650 : i32 to vector<16xi32>
    %gt3A_652 = arith.cmpi sgt, %add3A_649, %gt3A_651 : vector<16xi32>
    %select_n3A_653 = arith.select %gt3A_652, %gather3A_629, %select_n3A_613 : vector<16xi1>, vector<16xi32>
    %gt3A_654 = arith.constant 0 : i32
    %gt3A_655 = vector.broadcast %gt3A_654 : i32 to vector<16xi32>
    %gt3A_656 = arith.cmpi sgt, %add3A_649, %gt3A_655 : vector<16xi32>
    %select_n3A_657 = arith.select %gt3A_656, %gather3A_623, %select_n3A_617 : vector<16xi1>, vector<16xf32>
    %gt3A_658 = arith.constant 2 : i32
    %gt3A_659 = arith.cmpi sgt, %select_n3A_21, %gt3A_658 : i32
    %jit3A_660 = arith.constant 0 : i32
    %jit3A_661 = arith.constant 1000 : i32
    %select_n3A_662 = arith.select %gt3A_659, %jit3A_660, %jit3A_661 : i32
    %add3A_663 = vector.broadcast %select_n3A_662 : i32 to vector<16xi32>
    %add3A_664 = arith.addi %select_n3A_653, %add3A_663 : vector<16xi32>
    %add3A_665 = arith.constant 0 : i32
    %add3A_666 = vector.broadcast %add3A_665 : i32 to vector<16xi32>
    %add3A_667 = arith.addi %iota3A, %add3A_666 : vector<16xi32>
    %eq3A_668 = arith.cmpi eq, %add3A_667, %add3A_664 : vector<16xi32>
    %select_n3A_669 = arith.select %eq3A_668, %select_n3A_452, %select_n3A_449 : vector<16xi1>, vector<16xf32>
    %jit3A_670 = arith.constant -3.000000e+38 : f32
    %broadcast_in_dim3A_671 = vector.broadcast %jit3A_670 : f32 to vector<16xf32>
    %select_n3A_672 = arith.select %eq3A_668, %broadcast_in_dim3A_671, %select_n3A_452 : vector<16xi1>, vector<16xf32>
    %add3A_673 = arith.constant 16 : i32
    %add3A_674 = vector.broadcast %add3A_673 : i32 to vector<16xi32>
    %add3A_675 = arith.addi %iota3A, %add3A_674 : vector<16xi32>
    %eq3A_676 = arith.cmpi eq, %add3A_675, %add3A_664 : vector<16xi32>
    %select_n3A_677 = arith.select %eq3A_676, %select_n3A_460, %select_n3A_457 : vector<16xi1>, vector<16xf32>
    %jit3A_678 = arith.constant -3.000000e+38 : f32
    %broadcast_in_dim3A_679 = vector.broadcast %jit3A_678 : f32 to vector<16xf32>
    %select_n3A_680 = arith.select %eq3A_676, %broadcast_in_dim3A_679, %select_n3A_460 : vector<16xi1>, vector<16xf32>
    %add3A_681 = arith.constant 32 : i32
    %add3A_682 = vector.broadcast %add3A_681 : i32 to vector<16xi32>
    %add3A_683 = arith.addi %iota3A, %add3A_682 : vector<16xi32>
    %eq3A_684 = arith.cmpi eq, %add3A_683, %add3A_664 : vector<16xi32>
    %select_n3A_685 = arith.select %eq3A_684, %select_n3A_468, %select_n3A_465 : vector<16xi1>, vector<16xf32>
    %jit3A_686 = arith.constant -3.000000e+38 : f32
    %broadcast_in_dim3A_687 = vector.broadcast %jit3A_686 : f32 to vector<16xf32>
    %select_n3A_688 = arith.select %eq3A_684, %broadcast_in_dim3A_687, %select_n3A_468 : vector<16xi1>, vector<16xf32>
    %add3A_689 = arith.constant 48 : i32
    %add3A_690 = vector.broadcast %add3A_689 : i32 to vector<16xi32>
    %add3A_691 = arith.addi %iota3A, %add3A_690 : vector<16xi32>
    %eq3A_692 = arith.cmpi eq, %add3A_691, %add3A_664 : vector<16xi32>
    %select_n3A_693 = arith.select %eq3A_692, %select_n3A_476, %select_n3A_473 : vector<16xi1>, vector<16xf32>
    %jit3A_694 = arith.constant -3.000000e+38 : f32
    %broadcast_in_dim3A_695 = vector.broadcast %jit3A_694 : f32 to vector<16xf32>
    %select_n3A_696 = arith.select %eq3A_692, %broadcast_in_dim3A_695, %select_n3A_476 : vector<16xi1>, vector<16xf32>
    %add3A_697 = arith.constant 16 : i32
    %add3A_698 = vector.broadcast %add3A_697 : i32 to vector<16xi32>
    %add3A_699 = arith.addi %iota3A, %add3A_698 : vector<16xi32>
    %gt3A_700 = arith.cmpf ogt, %select_n3A_680, %select_n3A_672 : vector<16xf32>
    %select_n3A_701 = arith.select %gt3A_700, %add3A_699, %iota3A : vector<16xi1>, vector<16xi32>
    %gt3A_702 = arith.cmpf ogt, %select_n3A_680, %select_n3A_672 : vector<16xf32>
    %select_n3A_703 = arith.select %gt3A_702, %select_n3A_680, %select_n3A_672 : vector<16xi1>, vector<16xf32>
    %add3A_704 = arith.constant 32 : i32
    %add3A_705 = vector.broadcast %add3A_704 : i32 to vector<16xi32>
    %add3A_706 = arith.addi %iota3A, %add3A_705 : vector<16xi32>
    %gt3A_707 = arith.cmpf ogt, %select_n3A_688, %select_n3A_703 : vector<16xf32>
    %select_n3A_708 = arith.select %gt3A_707, %add3A_706, %select_n3A_701 : vector<16xi1>, vector<16xi32>
    %gt3A_709 = arith.cmpf ogt, %select_n3A_688, %select_n3A_703 : vector<16xf32>
    %select_n3A_710 = arith.select %gt3A_709, %select_n3A_688, %select_n3A_703 : vector<16xi1>, vector<16xf32>
    %add3A_711 = arith.constant 48 : i32
    %add3A_712 = vector.broadcast %add3A_711 : i32 to vector<16xi32>
    %add3A_713 = arith.addi %iota3A, %add3A_712 : vector<16xi32>
    %gt3A_714 = arith.cmpf ogt, %select_n3A_696, %select_n3A_710 : vector<16xf32>
    %select_n3A_715 = arith.select %gt3A_714, %add3A_713, %select_n3A_708 : vector<16xi1>, vector<16xi32>
    %gt3A_716 = arith.cmpf ogt, %select_n3A_696, %select_n3A_710 : vector<16xf32>
    %select_n3A_717 = arith.select %gt3A_716, %select_n3A_696, %select_n3A_710 : vector<16xi1>, vector<16xf32>
    %xor3A_718 = arith.constant 1 : i32
    %xor3A_719 = vector.broadcast %xor3A_718 : i32 to vector<16xi32>
    %xor3A_720 = arith.xori %iota3A, %xor3A_719 : vector<16xi32>
    %broadcast_in_dim3A_721 = vector.shape_cast %xor3A_720 : vector<16xi32> to vector<16x1xi32>
    %gather3A_722 = vector.shape_cast %broadcast_in_dim3A_721 : vector<16x1xi32> to vector<16xi32>
    %gather3A_723 = tpu.dynamic_gather %select_n3A_717[%gather3A_722] in [0] : vector<16xf32>, vector<16xi32> -> vector<16xf32>
    %xor3A_724 = arith.constant 1 : i32
    %xor3A_725 = vector.broadcast %xor3A_724 : i32 to vector<16xi32>
    %xor3A_726 = arith.xori %iota3A, %xor3A_725 : vector<16xi32>
    %broadcast_in_dim3A_727 = vector.shape_cast %xor3A_726 : vector<16xi32> to vector<16x1xi32>
    %gather3A_728 = vector.shape_cast %broadcast_in_dim3A_727 : vector<16x1xi32> to vector<16xi32>
    %gather3A_729 = tpu.dynamic_gather %select_n3A_715[%gather3A_728] in [0] : vector<16xi32>, vector<16xi32> -> vector<16xi32>
    %gt3A_730 = arith.cmpf ogt, %gather3A_723, %select_n3A_717 : vector<16xf32>
    %jit3A_731 = arith.constant 1 : i32
    %jit3A_732 = arith.constant 0 : i32
    %broadcast_in_dim3A_733 = vector.broadcast %jit3A_731 : i32 to vector<16xi32>
    %broadcast_in_dim3A_734 = vector.broadcast %jit3A_732 : i32 to vector<16xi32>
    %select_n3A_735 = arith.select %gt3A_730, %broadcast_in_dim3A_733, %broadcast_in_dim3A_734 : vector<16xi1>, vector<16xi32>
    %eq3A_736 = arith.cmpf oeq, %gather3A_723, %select_n3A_717 : vector<16xf32>
    %jit3A_737 = arith.constant 1 : i32
    %jit3A_738 = arith.constant 0 : i32
    %broadcast_in_dim3A_739 = vector.broadcast %jit3A_737 : i32 to vector<16xi32>
    %broadcast_in_dim3A_740 = vector.broadcast %jit3A_738 : i32 to vector<16xi32>
    %select_n3A_741 = arith.select %eq3A_736, %broadcast_in_dim3A_739, %broadcast_in_dim3A_740 : vector<16xi1>, vector<16xi32>
    %lt3A_742 = arith.cmpi slt, %gather3A_729, %select_n3A_715 : vector<16xi32>
    %jit3A_743 = arith.constant 1 : i32
    %jit3A_744 = arith.constant 0 : i32
    %broadcast_in_dim3A_745 = vector.broadcast %jit3A_743 : i32 to vector<16xi32>
    %broadcast_in_dim3A_746 = vector.broadcast %jit3A_744 : i32 to vector<16xi32>
    %select_n3A_747 = arith.select %lt3A_742, %broadcast_in_dim3A_745, %broadcast_in_dim3A_746 : vector<16xi1>, vector<16xi32>
    %mul3A_748 = arith.muli %select_n3A_741, %select_n3A_747 : vector<16xi32>
    %add3A_749 = arith.addi %select_n3A_735, %mul3A_748 : vector<16xi32>
    %gt3A_750 = arith.constant 0 : i32
    %gt3A_751 = vector.broadcast %gt3A_750 : i32 to vector<16xi32>
    %gt3A_752 = arith.cmpi sgt, %add3A_749, %gt3A_751 : vector<16xi32>
    %select_n3A_753 = arith.select %gt3A_752, %gather3A_729, %select_n3A_715 : vector<16xi1>, vector<16xi32>
    %gt3A_754 = arith.constant 0 : i32
    %gt3A_755 = vector.broadcast %gt3A_754 : i32 to vector<16xi32>
    %gt3A_756 = arith.cmpi sgt, %add3A_749, %gt3A_755 : vector<16xi32>
    %select_n3A_757 = arith.select %gt3A_756, %gather3A_723, %select_n3A_717 : vector<16xi1>, vector<16xf32>
    %xor3A_758 = arith.constant 2 : i32
    %xor3A_759 = vector.broadcast %xor3A_758 : i32 to vector<16xi32>
    %xor3A_760 = arith.xori %iota3A, %xor3A_759 : vector<16xi32>
    %broadcast_in_dim3A_761 = vector.shape_cast %xor3A_760 : vector<16xi32> to vector<16x1xi32>
    %gather3A_762 = vector.shape_cast %broadcast_in_dim3A_761 : vector<16x1xi32> to vector<16xi32>
    %gather3A_763 = tpu.dynamic_gather %select_n3A_757[%gather3A_762] in [0] : vector<16xf32>, vector<16xi32> -> vector<16xf32>
    %xor3A_764 = arith.constant 2 : i32
    %xor3A_765 = vector.broadcast %xor3A_764 : i32 to vector<16xi32>
    %xor3A_766 = arith.xori %iota3A, %xor3A_765 : vector<16xi32>
    %broadcast_in_dim3A_767 = vector.shape_cast %xor3A_766 : vector<16xi32> to vector<16x1xi32>
    %gather3A_768 = vector.shape_cast %broadcast_in_dim3A_767 : vector<16x1xi32> to vector<16xi32>
    %gather3A_769 = tpu.dynamic_gather %select_n3A_753[%gather3A_768] in [0] : vector<16xi32>, vector<16xi32> -> vector<16xi32>
    %gt3A_770 = arith.cmpf ogt, %gather3A_763, %select_n3A_757 : vector<16xf32>
    %jit3A_771 = arith.constant 1 : i32
    %jit3A_772 = arith.constant 0 : i32
    %broadcast_in_dim3A_773 = vector.broadcast %jit3A_771 : i32 to vector<16xi32>
    %broadcast_in_dim3A_774 = vector.broadcast %jit3A_772 : i32 to vector<16xi32>
    %select_n3A_775 = arith.select %gt3A_770, %broadcast_in_dim3A_773, %broadcast_in_dim3A_774 : vector<16xi1>, vector<16xi32>
    %eq3A_776 = arith.cmpf oeq, %gather3A_763, %select_n3A_757 : vector<16xf32>
    %jit3A_777 = arith.constant 1 : i32
    %jit3A_778 = arith.constant 0 : i32
    %broadcast_in_dim3A_779 = vector.broadcast %jit3A_777 : i32 to vector<16xi32>
    %broadcast_in_dim3A_780 = vector.broadcast %jit3A_778 : i32 to vector<16xi32>
    %select_n3A_781 = arith.select %eq3A_776, %broadcast_in_dim3A_779, %broadcast_in_dim3A_780 : vector<16xi1>, vector<16xi32>
    %lt3A_782 = arith.cmpi slt, %gather3A_769, %select_n3A_753 : vector<16xi32>
    %jit3A_783 = arith.constant 1 : i32
    %jit3A_784 = arith.constant 0 : i32
    %broadcast_in_dim3A_785 = vector.broadcast %jit3A_783 : i32 to vector<16xi32>
    %broadcast_in_dim3A_786 = vector.broadcast %jit3A_784 : i32 to vector<16xi32>
    %select_n3A_787 = arith.select %lt3A_782, %broadcast_in_dim3A_785, %broadcast_in_dim3A_786 : vector<16xi1>, vector<16xi32>
    %mul3A_788 = arith.muli %select_n3A_781, %select_n3A_787 : vector<16xi32>
    %add3A_789 = arith.addi %select_n3A_775, %mul3A_788 : vector<16xi32>
    %gt3A_790 = arith.constant 0 : i32
    %gt3A_791 = vector.broadcast %gt3A_790 : i32 to vector<16xi32>
    %gt3A_792 = arith.cmpi sgt, %add3A_789, %gt3A_791 : vector<16xi32>
    %select_n3A_793 = arith.select %gt3A_792, %gather3A_769, %select_n3A_753 : vector<16xi1>, vector<16xi32>
    %gt3A_794 = arith.constant 0 : i32
    %gt3A_795 = vector.broadcast %gt3A_794 : i32 to vector<16xi32>
    %gt3A_796 = arith.cmpi sgt, %add3A_789, %gt3A_795 : vector<16xi32>
    %select_n3A_797 = arith.select %gt3A_796, %gather3A_763, %select_n3A_757 : vector<16xi1>, vector<16xf32>
    %xor3A_798 = arith.constant 4 : i32
    %xor3A_799 = vector.broadcast %xor3A_798 : i32 to vector<16xi32>
    %xor3A_800 = arith.xori %iota3A, %xor3A_799 : vector<16xi32>
    %broadcast_in_dim3A_801 = vector.shape_cast %xor3A_800 : vector<16xi32> to vector<16x1xi32>
    %gather3A_802 = vector.shape_cast %broadcast_in_dim3A_801 : vector<16x1xi32> to vector<16xi32>
    %gather3A_803 = tpu.dynamic_gather %select_n3A_797[%gather3A_802] in [0] : vector<16xf32>, vector<16xi32> -> vector<16xf32>
    %xor3A_804 = arith.constant 4 : i32
    %xor3A_805 = vector.broadcast %xor3A_804 : i32 to vector<16xi32>
    %xor3A_806 = arith.xori %iota3A, %xor3A_805 : vector<16xi32>
    %broadcast_in_dim3A_807 = vector.shape_cast %xor3A_806 : vector<16xi32> to vector<16x1xi32>
    %gather3A_808 = vector.shape_cast %broadcast_in_dim3A_807 : vector<16x1xi32> to vector<16xi32>
    %gather3A_809 = tpu.dynamic_gather %select_n3A_793[%gather3A_808] in [0] : vector<16xi32>, vector<16xi32> -> vector<16xi32>
    %gt3A_810 = arith.cmpf ogt, %gather3A_803, %select_n3A_797 : vector<16xf32>
    %jit3A_811 = arith.constant 1 : i32
    %jit3A_812 = arith.constant 0 : i32
    %broadcast_in_dim3A_813 = vector.broadcast %jit3A_811 : i32 to vector<16xi32>
    %broadcast_in_dim3A_814 = vector.broadcast %jit3A_812 : i32 to vector<16xi32>
    %select_n3A_815 = arith.select %gt3A_810, %broadcast_in_dim3A_813, %broadcast_in_dim3A_814 : vector<16xi1>, vector<16xi32>
    %eq3A_816 = arith.cmpf oeq, %gather3A_803, %select_n3A_797 : vector<16xf32>
    %jit3A_817 = arith.constant 1 : i32
    %jit3A_818 = arith.constant 0 : i32
    %broadcast_in_dim3A_819 = vector.broadcast %jit3A_817 : i32 to vector<16xi32>
    %broadcast_in_dim3A_820 = vector.broadcast %jit3A_818 : i32 to vector<16xi32>
    %select_n3A_821 = arith.select %eq3A_816, %broadcast_in_dim3A_819, %broadcast_in_dim3A_820 : vector<16xi1>, vector<16xi32>
    %lt3A_822 = arith.cmpi slt, %gather3A_809, %select_n3A_793 : vector<16xi32>
    %jit3A_823 = arith.constant 1 : i32
    %jit3A_824 = arith.constant 0 : i32
    %broadcast_in_dim3A_825 = vector.broadcast %jit3A_823 : i32 to vector<16xi32>
    %broadcast_in_dim3A_826 = vector.broadcast %jit3A_824 : i32 to vector<16xi32>
    %select_n3A_827 = arith.select %lt3A_822, %broadcast_in_dim3A_825, %broadcast_in_dim3A_826 : vector<16xi1>, vector<16xi32>
    %mul3A_828 = arith.muli %select_n3A_821, %select_n3A_827 : vector<16xi32>
    %add3A_829 = arith.addi %select_n3A_815, %mul3A_828 : vector<16xi32>
    %gt3A_830 = arith.constant 0 : i32
    %gt3A_831 = vector.broadcast %gt3A_830 : i32 to vector<16xi32>
    %gt3A_832 = arith.cmpi sgt, %add3A_829, %gt3A_831 : vector<16xi32>
    %select_n3A_833 = arith.select %gt3A_832, %gather3A_809, %select_n3A_793 : vector<16xi1>, vector<16xi32>
    %gt3A_834 = arith.constant 0 : i32
    %gt3A_835 = vector.broadcast %gt3A_834 : i32 to vector<16xi32>
    %gt3A_836 = arith.cmpi sgt, %add3A_829, %gt3A_835 : vector<16xi32>
    %select_n3A_837 = arith.select %gt3A_836, %gather3A_803, %select_n3A_797 : vector<16xi1>, vector<16xf32>
    %xor3A_838 = arith.constant 8 : i32
    %xor3A_839 = vector.broadcast %xor3A_838 : i32 to vector<16xi32>
    %xor3A_840 = arith.xori %iota3A, %xor3A_839 : vector<16xi32>
    %broadcast_in_dim3A_841 = vector.shape_cast %xor3A_840 : vector<16xi32> to vector<16x1xi32>
    %gather3A_842 = vector.shape_cast %broadcast_in_dim3A_841 : vector<16x1xi32> to vector<16xi32>
    %gather3A_843 = tpu.dynamic_gather %select_n3A_837[%gather3A_842] in [0] : vector<16xf32>, vector<16xi32> -> vector<16xf32>
    %xor3A_844 = arith.constant 8 : i32
    %xor3A_845 = vector.broadcast %xor3A_844 : i32 to vector<16xi32>
    %xor3A_846 = arith.xori %iota3A, %xor3A_845 : vector<16xi32>
    %broadcast_in_dim3A_847 = vector.shape_cast %xor3A_846 : vector<16xi32> to vector<16x1xi32>
    %gather3A_848 = vector.shape_cast %broadcast_in_dim3A_847 : vector<16x1xi32> to vector<16xi32>
    %gather3A_849 = tpu.dynamic_gather %select_n3A_833[%gather3A_848] in [0] : vector<16xi32>, vector<16xi32> -> vector<16xi32>
    %gt3A_850 = arith.cmpf ogt, %gather3A_843, %select_n3A_837 : vector<16xf32>
    %jit3A_851 = arith.constant 1 : i32
    %jit3A_852 = arith.constant 0 : i32
    %broadcast_in_dim3A_853 = vector.broadcast %jit3A_851 : i32 to vector<16xi32>
    %broadcast_in_dim3A_854 = vector.broadcast %jit3A_852 : i32 to vector<16xi32>
    %select_n3A_855 = arith.select %gt3A_850, %broadcast_in_dim3A_853, %broadcast_in_dim3A_854 : vector<16xi1>, vector<16xi32>
    %eq3A_856 = arith.cmpf oeq, %gather3A_843, %select_n3A_837 : vector<16xf32>
    %jit3A_857 = arith.constant 1 : i32
    %jit3A_858 = arith.constant 0 : i32
    %broadcast_in_dim3A_859 = vector.broadcast %jit3A_857 : i32 to vector<16xi32>
    %broadcast_in_dim3A_860 = vector.broadcast %jit3A_858 : i32 to vector<16xi32>
    %select_n3A_861 = arith.select %eq3A_856, %broadcast_in_dim3A_859, %broadcast_in_dim3A_860 : vector<16xi1>, vector<16xi32>
    %lt3A_862 = arith.cmpi slt, %gather3A_849, %select_n3A_833 : vector<16xi32>
    %jit3A_863 = arith.constant 1 : i32
    %jit3A_864 = arith.constant 0 : i32
    %broadcast_in_dim3A_865 = vector.broadcast %jit3A_863 : i32 to vector<16xi32>
    %broadcast_in_dim3A_866 = vector.broadcast %jit3A_864 : i32 to vector<16xi32>
    %select_n3A_867 = arith.select %lt3A_862, %broadcast_in_dim3A_865, %broadcast_in_dim3A_866 : vector<16xi1>, vector<16xi32>
    %mul3A_868 = arith.muli %select_n3A_861, %select_n3A_867 : vector<16xi32>
    %add3A_869 = arith.addi %select_n3A_855, %mul3A_868 : vector<16xi32>
    %gt3A_870 = arith.constant 0 : i32
    %gt3A_871 = vector.broadcast %gt3A_870 : i32 to vector<16xi32>
    %gt3A_872 = arith.cmpi sgt, %add3A_869, %gt3A_871 : vector<16xi32>
    %select_n3A_873 = arith.select %gt3A_872, %gather3A_849, %select_n3A_833 : vector<16xi1>, vector<16xi32>
    %gt3A_874 = arith.constant 0 : i32
    %gt3A_875 = vector.broadcast %gt3A_874 : i32 to vector<16xi32>
    %gt3A_876 = arith.cmpi sgt, %add3A_869, %gt3A_875 : vector<16xi32>
    %select_n3A_877 = arith.select %gt3A_876, %gather3A_843, %select_n3A_837 : vector<16xi1>, vector<16xf32>
    %gt3A_878 = arith.constant 3 : i32
    %gt3A_879 = arith.cmpi sgt, %select_n3A_21, %gt3A_878 : i32
    %jit3A_880 = arith.constant 0 : i32
    %jit3A_881 = arith.constant 1000 : i32
    %select_n3A_882 = arith.select %gt3A_879, %jit3A_880, %jit3A_881 : i32
    %add3A_883 = vector.broadcast %select_n3A_882 : i32 to vector<16xi32>
    %add3A_884 = arith.addi %select_n3A_873, %add3A_883 : vector<16xi32>
    %add3A_885 = arith.constant 0 : i32
    %add3A_886 = vector.broadcast %add3A_885 : i32 to vector<16xi32>
    %add3A_887 = arith.addi %iota3A, %add3A_886 : vector<16xi32>
    %eq3A_888 = arith.cmpi eq, %add3A_887, %add3A_884 : vector<16xi32>
    %select_n3A_889 = arith.select %eq3A_888, %select_n3A_672, %select_n3A_669 : vector<16xi1>, vector<16xf32>
    %jit3A_890 = arith.constant -3.000000e+38 : f32
    %broadcast_in_dim3A_891 = vector.broadcast %jit3A_890 : f32 to vector<16xf32>
    %select_n3A_892 = arith.select %eq3A_888, %broadcast_in_dim3A_891, %select_n3A_672 : vector<16xi1>, vector<16xf32>
    %add3A_893 = arith.constant 16 : i32
    %add3A_894 = vector.broadcast %add3A_893 : i32 to vector<16xi32>
    %add3A_895 = arith.addi %iota3A, %add3A_894 : vector<16xi32>
    %eq3A_896 = arith.cmpi eq, %add3A_895, %add3A_884 : vector<16xi32>
    %select_n3A_897 = arith.select %eq3A_896, %select_n3A_680, %select_n3A_677 : vector<16xi1>, vector<16xf32>
    %jit3A_898 = arith.constant -3.000000e+38 : f32
    %broadcast_in_dim3A_899 = vector.broadcast %jit3A_898 : f32 to vector<16xf32>
    %select_n3A_900 = arith.select %eq3A_896, %broadcast_in_dim3A_899, %select_n3A_680 : vector<16xi1>, vector<16xf32>
    %add3A_901 = arith.constant 32 : i32
    %add3A_902 = vector.broadcast %add3A_901 : i32 to vector<16xi32>
    %add3A_903 = arith.addi %iota3A, %add3A_902 : vector<16xi32>
    %eq3A_904 = arith.cmpi eq, %add3A_903, %add3A_884 : vector<16xi32>
    %select_n3A_905 = arith.select %eq3A_904, %select_n3A_688, %select_n3A_685 : vector<16xi1>, vector<16xf32>
    %jit3A_906 = arith.constant -3.000000e+38 : f32
    %broadcast_in_dim3A_907 = vector.broadcast %jit3A_906 : f32 to vector<16xf32>
    %select_n3A_908 = arith.select %eq3A_904, %broadcast_in_dim3A_907, %select_n3A_688 : vector<16xi1>, vector<16xf32>
    %add3A_909 = arith.constant 48 : i32
    %add3A_910 = vector.broadcast %add3A_909 : i32 to vector<16xi32>
    %add3A_911 = arith.addi %iota3A, %add3A_910 : vector<16xi32>
    %eq3A_912 = arith.cmpi eq, %add3A_911, %add3A_884 : vector<16xi32>
    %select_n3A_913 = arith.select %eq3A_912, %select_n3A_696, %select_n3A_693 : vector<16xi1>, vector<16xf32>
    %jit3A_914 = arith.constant -3.000000e+38 : f32
    %broadcast_in_dim3A_915 = vector.broadcast %jit3A_914 : f32 to vector<16xf32>
    %select_n3A_916 = arith.select %eq3A_912, %broadcast_in_dim3A_915, %select_n3A_696 : vector<16xi1>, vector<16xf32>
    %add3A_917 = arith.constant 16 : i32
    %add3A_918 = vector.broadcast %add3A_917 : i32 to vector<16xi32>
    %add3A_919 = arith.addi %iota3A, %add3A_918 : vector<16xi32>
    %gt3A_920 = arith.cmpf ogt, %select_n3A_900, %select_n3A_892 : vector<16xf32>
    %select_n3A_921 = arith.select %gt3A_920, %add3A_919, %iota3A : vector<16xi1>, vector<16xi32>
    %gt3A_922 = arith.cmpf ogt, %select_n3A_900, %select_n3A_892 : vector<16xf32>
    %select_n3A_923 = arith.select %gt3A_922, %select_n3A_900, %select_n3A_892 : vector<16xi1>, vector<16xf32>
    %add3A_924 = arith.constant 32 : i32
    %add3A_925 = vector.broadcast %add3A_924 : i32 to vector<16xi32>
    %add3A_926 = arith.addi %iota3A, %add3A_925 : vector<16xi32>
    %gt3A_927 = arith.cmpf ogt, %select_n3A_908, %select_n3A_923 : vector<16xf32>
    %select_n3A_928 = arith.select %gt3A_927, %add3A_926, %select_n3A_921 : vector<16xi1>, vector<16xi32>
    %gt3A_929 = arith.cmpf ogt, %select_n3A_908, %select_n3A_923 : vector<16xf32>
    %select_n3A_930 = arith.select %gt3A_929, %select_n3A_908, %select_n3A_923 : vector<16xi1>, vector<16xf32>
    %add3A_931 = arith.constant 48 : i32
    %add3A_932 = vector.broadcast %add3A_931 : i32 to vector<16xi32>
    %add3A_933 = arith.addi %iota3A, %add3A_932 : vector<16xi32>
    %gt3A_934 = arith.cmpf ogt, %select_n3A_916, %select_n3A_930 : vector<16xf32>
    %select_n3A_935 = arith.select %gt3A_934, %add3A_933, %select_n3A_928 : vector<16xi1>, vector<16xi32>
    %gt3A_936 = arith.cmpf ogt, %select_n3A_916, %select_n3A_930 : vector<16xf32>
    %select_n3A_937 = arith.select %gt3A_936, %select_n3A_916, %select_n3A_930 : vector<16xi1>, vector<16xf32>
    %xor3A_938 = arith.constant 1 : i32
    %xor3A_939 = vector.broadcast %xor3A_938 : i32 to vector<16xi32>
    %xor3A_940 = arith.xori %iota3A, %xor3A_939 : vector<16xi32>
    %broadcast_in_dim3A_941 = vector.shape_cast %xor3A_940 : vector<16xi32> to vector<16x1xi32>
    %gather3A_942 = vector.shape_cast %broadcast_in_dim3A_941 : vector<16x1xi32> to vector<16xi32>
    %gather3A_943 = tpu.dynamic_gather %select_n3A_937[%gather3A_942] in [0] : vector<16xf32>, vector<16xi32> -> vector<16xf32>
    %xor3A_944 = arith.constant 1 : i32
    %xor3A_945 = vector.broadcast %xor3A_944 : i32 to vector<16xi32>
    %xor3A_946 = arith.xori %iota3A, %xor3A_945 : vector<16xi32>
    %broadcast_in_dim3A_947 = vector.shape_cast %xor3A_946 : vector<16xi32> to vector<16x1xi32>
    %gather3A_948 = vector.shape_cast %broadcast_in_dim3A_947 : vector<16x1xi32> to vector<16xi32>
    %gather3A_949 = tpu.dynamic_gather %select_n3A_935[%gather3A_948] in [0] : vector<16xi32>, vector<16xi32> -> vector<16xi32>
    %gt3A_950 = arith.cmpf ogt, %gather3A_943, %select_n3A_937 : vector<16xf32>
    %jit3A_951 = arith.constant 1 : i32
    %jit3A_952 = arith.constant 0 : i32
    %broadcast_in_dim3A_953 = vector.broadcast %jit3A_951 : i32 to vector<16xi32>
    %broadcast_in_dim3A_954 = vector.broadcast %jit3A_952 : i32 to vector<16xi32>
    %select_n3A_955 = arith.select %gt3A_950, %broadcast_in_dim3A_953, %broadcast_in_dim3A_954 : vector<16xi1>, vector<16xi32>
    %eq3A_956 = arith.cmpf oeq, %gather3A_943, %select_n3A_937 : vector<16xf32>
    %jit3A_957 = arith.constant 1 : i32
    %jit3A_958 = arith.constant 0 : i32
    %broadcast_in_dim3A_959 = vector.broadcast %jit3A_957 : i32 to vector<16xi32>
    %broadcast_in_dim3A_960 = vector.broadcast %jit3A_958 : i32 to vector<16xi32>
    %select_n3A_961 = arith.select %eq3A_956, %broadcast_in_dim3A_959, %broadcast_in_dim3A_960 : vector<16xi1>, vector<16xi32>
    %lt3A_962 = arith.cmpi slt, %gather3A_949, %select_n3A_935 : vector<16xi32>
    %jit3A_963 = arith.constant 1 : i32
    %jit3A_964 = arith.constant 0 : i32
    %broadcast_in_dim3A_965 = vector.broadcast %jit3A_963 : i32 to vector<16xi32>
    %broadcast_in_dim3A_966 = vector.broadcast %jit3A_964 : i32 to vector<16xi32>
    %select_n3A_967 = arith.select %lt3A_962, %broadcast_in_dim3A_965, %broadcast_in_dim3A_966 : vector<16xi1>, vector<16xi32>
    %mul3A_968 = arith.muli %select_n3A_961, %select_n3A_967 : vector<16xi32>
    %add3A_969 = arith.addi %select_n3A_955, %mul3A_968 : vector<16xi32>
    %gt3A_970 = arith.constant 0 : i32
    %gt3A_971 = vector.broadcast %gt3A_970 : i32 to vector<16xi32>
    %gt3A_972 = arith.cmpi sgt, %add3A_969, %gt3A_971 : vector<16xi32>
    %select_n3A_973 = arith.select %gt3A_972, %gather3A_949, %select_n3A_935 : vector<16xi1>, vector<16xi32>
    %gt3A_974 = arith.constant 0 : i32
    %gt3A_975 = vector.broadcast %gt3A_974 : i32 to vector<16xi32>
    %gt3A_976 = arith.cmpi sgt, %add3A_969, %gt3A_975 : vector<16xi32>
    %select_n3A_977 = arith.select %gt3A_976, %gather3A_943, %select_n3A_937 : vector<16xi1>, vector<16xf32>
    %xor3A_978 = arith.constant 2 : i32
    %xor3A_979 = vector.broadcast %xor3A_978 : i32 to vector<16xi32>
    %xor3A_980 = arith.xori %iota3A, %xor3A_979 : vector<16xi32>
    %broadcast_in_dim3A_981 = vector.shape_cast %xor3A_980 : vector<16xi32> to vector<16x1xi32>
    %gather3A_982 = vector.shape_cast %broadcast_in_dim3A_981 : vector<16x1xi32> to vector<16xi32>
    %gather3A_983 = tpu.dynamic_gather %select_n3A_977[%gather3A_982] in [0] : vector<16xf32>, vector<16xi32> -> vector<16xf32>
    %xor3A_984 = arith.constant 2 : i32
    %xor3A_985 = vector.broadcast %xor3A_984 : i32 to vector<16xi32>
    %xor3A_986 = arith.xori %iota3A, %xor3A_985 : vector<16xi32>
    %broadcast_in_dim3A_987 = vector.shape_cast %xor3A_986 : vector<16xi32> to vector<16x1xi32>
    %gather3A_988 = vector.shape_cast %broadcast_in_dim3A_987 : vector<16x1xi32> to vector<16xi32>
    %gather3A_989 = tpu.dynamic_gather %select_n3A_973[%gather3A_988] in [0] : vector<16xi32>, vector<16xi32> -> vector<16xi32>
    %gt3A_990 = arith.cmpf ogt, %gather3A_983, %select_n3A_977 : vector<16xf32>
    %jit3A_991 = arith.constant 1 : i32
    %jit3A_992 = arith.constant 0 : i32
    %broadcast_in_dim3A_993 = vector.broadcast %jit3A_991 : i32 to vector<16xi32>
    %broadcast_in_dim3A_994 = vector.broadcast %jit3A_992 : i32 to vector<16xi32>
    %select_n3A_995 = arith.select %gt3A_990, %broadcast_in_dim3A_993, %broadcast_in_dim3A_994 : vector<16xi1>, vector<16xi32>
    %eq3A_996 = arith.cmpf oeq, %gather3A_983, %select_n3A_977 : vector<16xf32>
    %jit3A_997 = arith.constant 1 : i32
    %jit3A_998 = arith.constant 0 : i32
    %broadcast_in_dim3A_999 = vector.broadcast %jit3A_997 : i32 to vector<16xi32>
    %broadcast_in_dim3A_1000 = vector.broadcast %jit3A_998 : i32 to vector<16xi32>
    %select_n3A_1001 = arith.select %eq3A_996, %broadcast_in_dim3A_999, %broadcast_in_dim3A_1000 : vector<16xi1>, vector<16xi32>
    %lt3A_1002 = arith.cmpi slt, %gather3A_989, %select_n3A_973 : vector<16xi32>
    %jit3A_1003 = arith.constant 1 : i32
    %jit3A_1004 = arith.constant 0 : i32
    %broadcast_in_dim3A_1005 = vector.broadcast %jit3A_1003 : i32 to vector<16xi32>
    %broadcast_in_dim3A_1006 = vector.broadcast %jit3A_1004 : i32 to vector<16xi32>
    %select_n3A_1007 = arith.select %lt3A_1002, %broadcast_in_dim3A_1005, %broadcast_in_dim3A_1006 : vector<16xi1>, vector<16xi32>
    %mul3A_1008 = arith.muli %select_n3A_1001, %select_n3A_1007 : vector<16xi32>
    %add3A_1009 = arith.addi %select_n3A_995, %mul3A_1008 : vector<16xi32>
    %gt3A_1010 = arith.constant 0 : i32
    %gt3A_1011 = vector.broadcast %gt3A_1010 : i32 to vector<16xi32>
    %gt3A_1012 = arith.cmpi sgt, %add3A_1009, %gt3A_1011 : vector<16xi32>
    %select_n3A_1013 = arith.select %gt3A_1012, %gather3A_989, %select_n3A_973 : vector<16xi1>, vector<16xi32>
    %gt3A_1014 = arith.constant 0 : i32
    %gt3A_1015 = vector.broadcast %gt3A_1014 : i32 to vector<16xi32>
    %gt3A_1016 = arith.cmpi sgt, %add3A_1009, %gt3A_1015 : vector<16xi32>
    %select_n3A_1017 = arith.select %gt3A_1016, %gather3A_983, %select_n3A_977 : vector<16xi1>, vector<16xf32>
    %xor3A_1018 = arith.constant 4 : i32
    %xor3A_1019 = vector.broadcast %xor3A_1018 : i32 to vector<16xi32>
    %xor3A_1020 = arith.xori %iota3A, %xor3A_1019 : vector<16xi32>
    %broadcast_in_dim3A_1021 = vector.shape_cast %xor3A_1020 : vector<16xi32> to vector<16x1xi32>
    %gather3A_1022 = vector.shape_cast %broadcast_in_dim3A_1021 : vector<16x1xi32> to vector<16xi32>
    %gather3A_1023 = tpu.dynamic_gather %select_n3A_1017[%gather3A_1022] in [0] : vector<16xf32>, vector<16xi32> -> vector<16xf32>
    %xor3A_1024 = arith.constant 4 : i32
    %xor3A_1025 = vector.broadcast %xor3A_1024 : i32 to vector<16xi32>
    %xor3A_1026 = arith.xori %iota3A, %xor3A_1025 : vector<16xi32>
    %broadcast_in_dim3A_1027 = vector.shape_cast %xor3A_1026 : vector<16xi32> to vector<16x1xi32>
    %gather3A_1028 = vector.shape_cast %broadcast_in_dim3A_1027 : vector<16x1xi32> to vector<16xi32>
    %gather3A_1029 = tpu.dynamic_gather %select_n3A_1013[%gather3A_1028] in [0] : vector<16xi32>, vector<16xi32> -> vector<16xi32>
    %gt3A_1030 = arith.cmpf ogt, %gather3A_1023, %select_n3A_1017 : vector<16xf32>
    %jit3A_1031 = arith.constant 1 : i32
    %jit3A_1032 = arith.constant 0 : i32
    %broadcast_in_dim3A_1033 = vector.broadcast %jit3A_1031 : i32 to vector<16xi32>
    %broadcast_in_dim3A_1034 = vector.broadcast %jit3A_1032 : i32 to vector<16xi32>
    %select_n3A_1035 = arith.select %gt3A_1030, %broadcast_in_dim3A_1033, %broadcast_in_dim3A_1034 : vector<16xi1>, vector<16xi32>
    %eq3A_1036 = arith.cmpf oeq, %gather3A_1023, %select_n3A_1017 : vector<16xf32>
    %jit3A_1037 = arith.constant 1 : i32
    %jit3A_1038 = arith.constant 0 : i32
    %broadcast_in_dim3A_1039 = vector.broadcast %jit3A_1037 : i32 to vector<16xi32>
    %broadcast_in_dim3A_1040 = vector.broadcast %jit3A_1038 : i32 to vector<16xi32>
    %select_n3A_1041 = arith.select %eq3A_1036, %broadcast_in_dim3A_1039, %broadcast_in_dim3A_1040 : vector<16xi1>, vector<16xi32>
    %lt3A_1042 = arith.cmpi slt, %gather3A_1029, %select_n3A_1013 : vector<16xi32>
    %jit3A_1043 = arith.constant 1 : i32
    %jit3A_1044 = arith.constant 0 : i32
    %broadcast_in_dim3A_1045 = vector.broadcast %jit3A_1043 : i32 to vector<16xi32>
    %broadcast_in_dim3A_1046 = vector.broadcast %jit3A_1044 : i32 to vector<16xi32>
    %select_n3A_1047 = arith.select %lt3A_1042, %broadcast_in_dim3A_1045, %broadcast_in_dim3A_1046 : vector<16xi1>, vector<16xi32>
    %mul3A_1048 = arith.muli %select_n3A_1041, %select_n3A_1047 : vector<16xi32>
    %add3A_1049 = arith.addi %select_n3A_1035, %mul3A_1048 : vector<16xi32>
    %gt3A_1050 = arith.constant 0 : i32
    %gt3A_1051 = vector.broadcast %gt3A_1050 : i32 to vector<16xi32>
    %gt3A_1052 = arith.cmpi sgt, %add3A_1049, %gt3A_1051 : vector<16xi32>
    %select_n3A_1053 = arith.select %gt3A_1052, %gather3A_1029, %select_n3A_1013 : vector<16xi1>, vector<16xi32>
    %gt3A_1054 = arith.constant 0 : i32
    %gt3A_1055 = vector.broadcast %gt3A_1054 : i32 to vector<16xi32>
    %gt3A_1056 = arith.cmpi sgt, %add3A_1049, %gt3A_1055 : vector<16xi32>
    %select_n3A_1057 = arith.select %gt3A_1056, %gather3A_1023, %select_n3A_1017 : vector<16xi1>, vector<16xf32>
    %xor3A_1058 = arith.constant 8 : i32
    %xor3A_1059 = vector.broadcast %xor3A_1058 : i32 to vector<16xi32>
    %xor3A_1060 = arith.xori %iota3A, %xor3A_1059 : vector<16xi32>
    %broadcast_in_dim3A_1061 = vector.shape_cast %xor3A_1060 : vector<16xi32> to vector<16x1xi32>
    %gather3A_1062 = vector.shape_cast %broadcast_in_dim3A_1061 : vector<16x1xi32> to vector<16xi32>
    %gather3A_1063 = tpu.dynamic_gather %select_n3A_1057[%gather3A_1062] in [0] : vector<16xf32>, vector<16xi32> -> vector<16xf32>
    %xor3A_1064 = arith.constant 8 : i32
    %xor3A_1065 = vector.broadcast %xor3A_1064 : i32 to vector<16xi32>
    %xor3A_1066 = arith.xori %iota3A, %xor3A_1065 : vector<16xi32>
    %broadcast_in_dim3A_1067 = vector.shape_cast %xor3A_1066 : vector<16xi32> to vector<16x1xi32>
    %gather3A_1068 = vector.shape_cast %broadcast_in_dim3A_1067 : vector<16x1xi32> to vector<16xi32>
    %gather3A_1069 = tpu.dynamic_gather %select_n3A_1053[%gather3A_1068] in [0] : vector<16xi32>, vector<16xi32> -> vector<16xi32>
    %gt3A_1070 = arith.cmpf ogt, %gather3A_1063, %select_n3A_1057 : vector<16xf32>
    %jit3A_1071 = arith.constant 1 : i32
    %jit3A_1072 = arith.constant 0 : i32
    %broadcast_in_dim3A_1073 = vector.broadcast %jit3A_1071 : i32 to vector<16xi32>
    %broadcast_in_dim3A_1074 = vector.broadcast %jit3A_1072 : i32 to vector<16xi32>
    %select_n3A_1075 = arith.select %gt3A_1070, %broadcast_in_dim3A_1073, %broadcast_in_dim3A_1074 : vector<16xi1>, vector<16xi32>
    %eq3A_1076 = arith.cmpf oeq, %gather3A_1063, %select_n3A_1057 : vector<16xf32>
    %jit3A_1077 = arith.constant 1 : i32
    %jit3A_1078 = arith.constant 0 : i32
    %broadcast_in_dim3A_1079 = vector.broadcast %jit3A_1077 : i32 to vector<16xi32>
    %broadcast_in_dim3A_1080 = vector.broadcast %jit3A_1078 : i32 to vector<16xi32>
    %select_n3A_1081 = arith.select %eq3A_1076, %broadcast_in_dim3A_1079, %broadcast_in_dim3A_1080 : vector<16xi1>, vector<16xi32>
    %lt3A_1082 = arith.cmpi slt, %gather3A_1069, %select_n3A_1053 : vector<16xi32>
    %jit3A_1083 = arith.constant 1 : i32
    %jit3A_1084 = arith.constant 0 : i32
    %broadcast_in_dim3A_1085 = vector.broadcast %jit3A_1083 : i32 to vector<16xi32>
    %broadcast_in_dim3A_1086 = vector.broadcast %jit3A_1084 : i32 to vector<16xi32>
    %select_n3A_1087 = arith.select %lt3A_1082, %broadcast_in_dim3A_1085, %broadcast_in_dim3A_1086 : vector<16xi1>, vector<16xi32>
    %mul3A_1088 = arith.muli %select_n3A_1081, %select_n3A_1087 : vector<16xi32>
    %add3A_1089 = arith.addi %select_n3A_1075, %mul3A_1088 : vector<16xi32>
    %gt3A_1090 = arith.constant 0 : i32
    %gt3A_1091 = vector.broadcast %gt3A_1090 : i32 to vector<16xi32>
    %gt3A_1092 = arith.cmpi sgt, %add3A_1089, %gt3A_1091 : vector<16xi32>
    %select_n3A_1093 = arith.select %gt3A_1092, %gather3A_1069, %select_n3A_1053 : vector<16xi1>, vector<16xi32>
    %gt3A_1094 = arith.constant 0 : i32
    %gt3A_1095 = vector.broadcast %gt3A_1094 : i32 to vector<16xi32>
    %gt3A_1096 = arith.cmpi sgt, %add3A_1089, %gt3A_1095 : vector<16xi32>
    %select_n3A_1097 = arith.select %gt3A_1096, %gather3A_1063, %select_n3A_1057 : vector<16xi1>, vector<16xf32>
    %gt3A_1098 = arith.constant 4 : i32
    %gt3A_1099 = arith.cmpi sgt, %select_n3A_21, %gt3A_1098 : i32
    %jit3A_1100 = arith.constant 0 : i32
    %jit3A_1101 = arith.constant 1000 : i32
    %select_n3A_1102 = arith.select %gt3A_1099, %jit3A_1100, %jit3A_1101 : i32
    %add3A_1103 = vector.broadcast %select_n3A_1102 : i32 to vector<16xi32>
    %add3A_1104 = arith.addi %select_n3A_1093, %add3A_1103 : vector<16xi32>
    %add3A_1105 = arith.constant 0 : i32
    %add3A_1106 = vector.broadcast %add3A_1105 : i32 to vector<16xi32>
    %add3A_1107 = arith.addi %iota3A, %add3A_1106 : vector<16xi32>
    %eq3A_1108 = arith.cmpi eq, %add3A_1107, %add3A_1104 : vector<16xi32>
    %select_n3A_1109 = arith.select %eq3A_1108, %select_n3A_892, %select_n3A_889 : vector<16xi1>, vector<16xf32>
    %jit3A_1110 = arith.constant -3.000000e+38 : f32
    %broadcast_in_dim3A_1111 = vector.broadcast %jit3A_1110 : f32 to vector<16xf32>
    %select_n3A_1112 = arith.select %eq3A_1108, %broadcast_in_dim3A_1111, %select_n3A_892 : vector<16xi1>, vector<16xf32>
    %add3A_1113 = arith.constant 16 : i32
    %add3A_1114 = vector.broadcast %add3A_1113 : i32 to vector<16xi32>
    %add3A_1115 = arith.addi %iota3A, %add3A_1114 : vector<16xi32>
    %eq3A_1116 = arith.cmpi eq, %add3A_1115, %add3A_1104 : vector<16xi32>
    %select_n3A_1117 = arith.select %eq3A_1116, %select_n3A_900, %select_n3A_897 : vector<16xi1>, vector<16xf32>
    %jit3A_1118 = arith.constant -3.000000e+38 : f32
    %broadcast_in_dim3A_1119 = vector.broadcast %jit3A_1118 : f32 to vector<16xf32>
    %select_n3A_1120 = arith.select %eq3A_1116, %broadcast_in_dim3A_1119, %select_n3A_900 : vector<16xi1>, vector<16xf32>
    %add3A_1121 = arith.constant 32 : i32
    %add3A_1122 = vector.broadcast %add3A_1121 : i32 to vector<16xi32>
    %add3A_1123 = arith.addi %iota3A, %add3A_1122 : vector<16xi32>
    %eq3A_1124 = arith.cmpi eq, %add3A_1123, %add3A_1104 : vector<16xi32>
    %select_n3A_1125 = arith.select %eq3A_1124, %select_n3A_908, %select_n3A_905 : vector<16xi1>, vector<16xf32>
    %jit3A_1126 = arith.constant -3.000000e+38 : f32
    %broadcast_in_dim3A_1127 = vector.broadcast %jit3A_1126 : f32 to vector<16xf32>
    %select_n3A_1128 = arith.select %eq3A_1124, %broadcast_in_dim3A_1127, %select_n3A_908 : vector<16xi1>, vector<16xf32>
    %add3A_1129 = arith.constant 48 : i32
    %add3A_1130 = vector.broadcast %add3A_1129 : i32 to vector<16xi32>
    %add3A_1131 = arith.addi %iota3A, %add3A_1130 : vector<16xi32>
    %eq3A_1132 = arith.cmpi eq, %add3A_1131, %add3A_1104 : vector<16xi32>
    %select_n3A_1133 = arith.select %eq3A_1132, %select_n3A_916, %select_n3A_913 : vector<16xi1>, vector<16xf32>
    %jit3A_1134 = arith.constant -3.000000e+38 : f32
    %broadcast_in_dim3A_1135 = vector.broadcast %jit3A_1134 : f32 to vector<16xf32>
    %select_n3A_1136 = arith.select %eq3A_1132, %broadcast_in_dim3A_1135, %select_n3A_916 : vector<16xi1>, vector<16xf32>
    %add3A_1137 = arith.constant 16 : i32
    %add3A_1138 = vector.broadcast %add3A_1137 : i32 to vector<16xi32>
    %add3A_1139 = arith.addi %iota3A, %add3A_1138 : vector<16xi32>
    %gt3A_1140 = arith.cmpf ogt, %select_n3A_1120, %select_n3A_1112 : vector<16xf32>
    %select_n3A_1141 = arith.select %gt3A_1140, %add3A_1139, %iota3A : vector<16xi1>, vector<16xi32>
    %gt3A_1142 = arith.cmpf ogt, %select_n3A_1120, %select_n3A_1112 : vector<16xf32>
    %select_n3A_1143 = arith.select %gt3A_1142, %select_n3A_1120, %select_n3A_1112 : vector<16xi1>, vector<16xf32>
    %add3A_1144 = arith.constant 32 : i32
    %add3A_1145 = vector.broadcast %add3A_1144 : i32 to vector<16xi32>
    %add3A_1146 = arith.addi %iota3A, %add3A_1145 : vector<16xi32>
    %gt3A_1147 = arith.cmpf ogt, %select_n3A_1128, %select_n3A_1143 : vector<16xf32>
    %select_n3A_1148 = arith.select %gt3A_1147, %add3A_1146, %select_n3A_1141 : vector<16xi1>, vector<16xi32>
    %gt3A_1149 = arith.cmpf ogt, %select_n3A_1128, %select_n3A_1143 : vector<16xf32>
    %select_n3A_1150 = arith.select %gt3A_1149, %select_n3A_1128, %select_n3A_1143 : vector<16xi1>, vector<16xf32>
    %add3A_1151 = arith.constant 48 : i32
    %add3A_1152 = vector.broadcast %add3A_1151 : i32 to vector<16xi32>
    %add3A_1153 = arith.addi %iota3A, %add3A_1152 : vector<16xi32>
    %gt3A_1154 = arith.cmpf ogt, %select_n3A_1136, %select_n3A_1150 : vector<16xf32>
    %select_n3A_1155 = arith.select %gt3A_1154, %add3A_1153, %select_n3A_1148 : vector<16xi1>, vector<16xi32>
    %gt3A_1156 = arith.cmpf ogt, %select_n3A_1136, %select_n3A_1150 : vector<16xf32>
    %select_n3A_1157 = arith.select %gt3A_1156, %select_n3A_1136, %select_n3A_1150 : vector<16xi1>, vector<16xf32>
    %xor3A_1158 = arith.constant 1 : i32
    %xor3A_1159 = vector.broadcast %xor3A_1158 : i32 to vector<16xi32>
    %xor3A_1160 = arith.xori %iota3A, %xor3A_1159 : vector<16xi32>
    %broadcast_in_dim3A_1161 = vector.shape_cast %xor3A_1160 : vector<16xi32> to vector<16x1xi32>
    %gather3A_1162 = vector.shape_cast %broadcast_in_dim3A_1161 : vector<16x1xi32> to vector<16xi32>
    %gather3A_1163 = tpu.dynamic_gather %select_n3A_1157[%gather3A_1162] in [0] : vector<16xf32>, vector<16xi32> -> vector<16xf32>
    %xor3A_1164 = arith.constant 1 : i32
    %xor3A_1165 = vector.broadcast %xor3A_1164 : i32 to vector<16xi32>
    %xor3A_1166 = arith.xori %iota3A, %xor3A_1165 : vector<16xi32>
    %broadcast_in_dim3A_1167 = vector.shape_cast %xor3A_1166 : vector<16xi32> to vector<16x1xi32>
    %gather3A_1168 = vector.shape_cast %broadcast_in_dim3A_1167 : vector<16x1xi32> to vector<16xi32>
    %gather3A_1169 = tpu.dynamic_gather %select_n3A_1155[%gather3A_1168] in [0] : vector<16xi32>, vector<16xi32> -> vector<16xi32>
    %gt3A_1170 = arith.cmpf ogt, %gather3A_1163, %select_n3A_1157 : vector<16xf32>
    %jit3A_1171 = arith.constant 1 : i32
    %jit3A_1172 = arith.constant 0 : i32
    %broadcast_in_dim3A_1173 = vector.broadcast %jit3A_1171 : i32 to vector<16xi32>
    %broadcast_in_dim3A_1174 = vector.broadcast %jit3A_1172 : i32 to vector<16xi32>
    %select_n3A_1175 = arith.select %gt3A_1170, %broadcast_in_dim3A_1173, %broadcast_in_dim3A_1174 : vector<16xi1>, vector<16xi32>
    %eq3A_1176 = arith.cmpf oeq, %gather3A_1163, %select_n3A_1157 : vector<16xf32>
    %jit3A_1177 = arith.constant 1 : i32
    %jit3A_1178 = arith.constant 0 : i32
    %broadcast_in_dim3A_1179 = vector.broadcast %jit3A_1177 : i32 to vector<16xi32>
    %broadcast_in_dim3A_1180 = vector.broadcast %jit3A_1178 : i32 to vector<16xi32>
    %select_n3A_1181 = arith.select %eq3A_1176, %broadcast_in_dim3A_1179, %broadcast_in_dim3A_1180 : vector<16xi1>, vector<16xi32>
    %lt3A_1182 = arith.cmpi slt, %gather3A_1169, %select_n3A_1155 : vector<16xi32>
    %jit3A_1183 = arith.constant 1 : i32
    %jit3A_1184 = arith.constant 0 : i32
    %broadcast_in_dim3A_1185 = vector.broadcast %jit3A_1183 : i32 to vector<16xi32>
    %broadcast_in_dim3A_1186 = vector.broadcast %jit3A_1184 : i32 to vector<16xi32>
    %select_n3A_1187 = arith.select %lt3A_1182, %broadcast_in_dim3A_1185, %broadcast_in_dim3A_1186 : vector<16xi1>, vector<16xi32>
    %mul3A_1188 = arith.muli %select_n3A_1181, %select_n3A_1187 : vector<16xi32>
    %add3A_1189 = arith.addi %select_n3A_1175, %mul3A_1188 : vector<16xi32>
    %gt3A_1190 = arith.constant 0 : i32
    %gt3A_1191 = vector.broadcast %gt3A_1190 : i32 to vector<16xi32>
    %gt3A_1192 = arith.cmpi sgt, %add3A_1189, %gt3A_1191 : vector<16xi32>
    %select_n3A_1193 = arith.select %gt3A_1192, %gather3A_1169, %select_n3A_1155 : vector<16xi1>, vector<16xi32>
    %gt3A_1194 = arith.constant 0 : i32
    %gt3A_1195 = vector.broadcast %gt3A_1194 : i32 to vector<16xi32>
    %gt3A_1196 = arith.cmpi sgt, %add3A_1189, %gt3A_1195 : vector<16xi32>
    %select_n3A_1197 = arith.select %gt3A_1196, %gather3A_1163, %select_n3A_1157 : vector<16xi1>, vector<16xf32>
    %xor3A_1198 = arith.constant 2 : i32
    %xor3A_1199 = vector.broadcast %xor3A_1198 : i32 to vector<16xi32>
    %xor3A_1200 = arith.xori %iota3A, %xor3A_1199 : vector<16xi32>
    %broadcast_in_dim3A_1201 = vector.shape_cast %xor3A_1200 : vector<16xi32> to vector<16x1xi32>
    %gather3A_1202 = vector.shape_cast %broadcast_in_dim3A_1201 : vector<16x1xi32> to vector<16xi32>
    %gather3A_1203 = tpu.dynamic_gather %select_n3A_1197[%gather3A_1202] in [0] : vector<16xf32>, vector<16xi32> -> vector<16xf32>
    %xor3A_1204 = arith.constant 2 : i32
    %xor3A_1205 = vector.broadcast %xor3A_1204 : i32 to vector<16xi32>
    %xor3A_1206 = arith.xori %iota3A, %xor3A_1205 : vector<16xi32>
    %broadcast_in_dim3A_1207 = vector.shape_cast %xor3A_1206 : vector<16xi32> to vector<16x1xi32>
    %gather3A_1208 = vector.shape_cast %broadcast_in_dim3A_1207 : vector<16x1xi32> to vector<16xi32>
    %gather3A_1209 = tpu.dynamic_gather %select_n3A_1193[%gather3A_1208] in [0] : vector<16xi32>, vector<16xi32> -> vector<16xi32>
    %gt3A_1210 = arith.cmpf ogt, %gather3A_1203, %select_n3A_1197 : vector<16xf32>
    %jit3A_1211 = arith.constant 1 : i32
    %jit3A_1212 = arith.constant 0 : i32
    %broadcast_in_dim3A_1213 = vector.broadcast %jit3A_1211 : i32 to vector<16xi32>
    %broadcast_in_dim3A_1214 = vector.broadcast %jit3A_1212 : i32 to vector<16xi32>
    %select_n3A_1215 = arith.select %gt3A_1210, %broadcast_in_dim3A_1213, %broadcast_in_dim3A_1214 : vector<16xi1>, vector<16xi32>
    %eq3A_1216 = arith.cmpf oeq, %gather3A_1203, %select_n3A_1197 : vector<16xf32>
    %jit3A_1217 = arith.constant 1 : i32
    %jit3A_1218 = arith.constant 0 : i32
    %broadcast_in_dim3A_1219 = vector.broadcast %jit3A_1217 : i32 to vector<16xi32>
    %broadcast_in_dim3A_1220 = vector.broadcast %jit3A_1218 : i32 to vector<16xi32>
    %select_n3A_1221 = arith.select %eq3A_1216, %broadcast_in_dim3A_1219, %broadcast_in_dim3A_1220 : vector<16xi1>, vector<16xi32>
    %lt3A_1222 = arith.cmpi slt, %gather3A_1209, %select_n3A_1193 : vector<16xi32>
    %jit3A_1223 = arith.constant 1 : i32
    %jit3A_1224 = arith.constant 0 : i32
    %broadcast_in_dim3A_1225 = vector.broadcast %jit3A_1223 : i32 to vector<16xi32>
    %broadcast_in_dim3A_1226 = vector.broadcast %jit3A_1224 : i32 to vector<16xi32>
    %select_n3A_1227 = arith.select %lt3A_1222, %broadcast_in_dim3A_1225, %broadcast_in_dim3A_1226 : vector<16xi1>, vector<16xi32>
    %mul3A_1228 = arith.muli %select_n3A_1221, %select_n3A_1227 : vector<16xi32>
    %add3A_1229 = arith.addi %select_n3A_1215, %mul3A_1228 : vector<16xi32>
    %gt3A_1230 = arith.constant 0 : i32
    %gt3A_1231 = vector.broadcast %gt3A_1230 : i32 to vector<16xi32>
    %gt3A_1232 = arith.cmpi sgt, %add3A_1229, %gt3A_1231 : vector<16xi32>
    %select_n3A_1233 = arith.select %gt3A_1232, %gather3A_1209, %select_n3A_1193 : vector<16xi1>, vector<16xi32>
    %gt3A_1234 = arith.constant 0 : i32
    %gt3A_1235 = vector.broadcast %gt3A_1234 : i32 to vector<16xi32>
    %gt3A_1236 = arith.cmpi sgt, %add3A_1229, %gt3A_1235 : vector<16xi32>
    %select_n3A_1237 = arith.select %gt3A_1236, %gather3A_1203, %select_n3A_1197 : vector<16xi1>, vector<16xf32>
    %xor3A_1238 = arith.constant 4 : i32
    %xor3A_1239 = vector.broadcast %xor3A_1238 : i32 to vector<16xi32>
    %xor3A_1240 = arith.xori %iota3A, %xor3A_1239 : vector<16xi32>
    %broadcast_in_dim3A_1241 = vector.shape_cast %xor3A_1240 : vector<16xi32> to vector<16x1xi32>
    %gather3A_1242 = vector.shape_cast %broadcast_in_dim3A_1241 : vector<16x1xi32> to vector<16xi32>
    %gather3A_1243 = tpu.dynamic_gather %select_n3A_1237[%gather3A_1242] in [0] : vector<16xf32>, vector<16xi32> -> vector<16xf32>
    %xor3A_1244 = arith.constant 4 : i32
    %xor3A_1245 = vector.broadcast %xor3A_1244 : i32 to vector<16xi32>
    %xor3A_1246 = arith.xori %iota3A, %xor3A_1245 : vector<16xi32>
    %broadcast_in_dim3A_1247 = vector.shape_cast %xor3A_1246 : vector<16xi32> to vector<16x1xi32>
    %gather3A_1248 = vector.shape_cast %broadcast_in_dim3A_1247 : vector<16x1xi32> to vector<16xi32>
    %gather3A_1249 = tpu.dynamic_gather %select_n3A_1233[%gather3A_1248] in [0] : vector<16xi32>, vector<16xi32> -> vector<16xi32>
    %gt3A_1250 = arith.cmpf ogt, %gather3A_1243, %select_n3A_1237 : vector<16xf32>
    %jit3A_1251 = arith.constant 1 : i32
    %jit3A_1252 = arith.constant 0 : i32
    %broadcast_in_dim3A_1253 = vector.broadcast %jit3A_1251 : i32 to vector<16xi32>
    %broadcast_in_dim3A_1254 = vector.broadcast %jit3A_1252 : i32 to vector<16xi32>
    %select_n3A_1255 = arith.select %gt3A_1250, %broadcast_in_dim3A_1253, %broadcast_in_dim3A_1254 : vector<16xi1>, vector<16xi32>
    %eq3A_1256 = arith.cmpf oeq, %gather3A_1243, %select_n3A_1237 : vector<16xf32>
    %jit3A_1257 = arith.constant 1 : i32
    %jit3A_1258 = arith.constant 0 : i32
    %broadcast_in_dim3A_1259 = vector.broadcast %jit3A_1257 : i32 to vector<16xi32>
    %broadcast_in_dim3A_1260 = vector.broadcast %jit3A_1258 : i32 to vector<16xi32>
    %select_n3A_1261 = arith.select %eq3A_1256, %broadcast_in_dim3A_1259, %broadcast_in_dim3A_1260 : vector<16xi1>, vector<16xi32>
    %lt3A_1262 = arith.cmpi slt, %gather3A_1249, %select_n3A_1233 : vector<16xi32>
    %jit3A_1263 = arith.constant 1 : i32
    %jit3A_1264 = arith.constant 0 : i32
    %broadcast_in_dim3A_1265 = vector.broadcast %jit3A_1263 : i32 to vector<16xi32>
    %broadcast_in_dim3A_1266 = vector.broadcast %jit3A_1264 : i32 to vector<16xi32>
    %select_n3A_1267 = arith.select %lt3A_1262, %broadcast_in_dim3A_1265, %broadcast_in_dim3A_1266 : vector<16xi1>, vector<16xi32>
    %mul3A_1268 = arith.muli %select_n3A_1261, %select_n3A_1267 : vector<16xi32>
    %add3A_1269 = arith.addi %select_n3A_1255, %mul3A_1268 : vector<16xi32>
    %gt3A_1270 = arith.constant 0 : i32
    %gt3A_1271 = vector.broadcast %gt3A_1270 : i32 to vector<16xi32>
    %gt3A_1272 = arith.cmpi sgt, %add3A_1269, %gt3A_1271 : vector<16xi32>
    %select_n3A_1273 = arith.select %gt3A_1272, %gather3A_1249, %select_n3A_1233 : vector<16xi1>, vector<16xi32>
    %gt3A_1274 = arith.constant 0 : i32
    %gt3A_1275 = vector.broadcast %gt3A_1274 : i32 to vector<16xi32>
    %gt3A_1276 = arith.cmpi sgt, %add3A_1269, %gt3A_1275 : vector<16xi32>
    %select_n3A_1277 = arith.select %gt3A_1276, %gather3A_1243, %select_n3A_1237 : vector<16xi1>, vector<16xf32>
    %xor3A_1278 = arith.constant 8 : i32
    %xor3A_1279 = vector.broadcast %xor3A_1278 : i32 to vector<16xi32>
    %xor3A_1280 = arith.xori %iota3A, %xor3A_1279 : vector<16xi32>
    %broadcast_in_dim3A_1281 = vector.shape_cast %xor3A_1280 : vector<16xi32> to vector<16x1xi32>
    %gather3A_1282 = vector.shape_cast %broadcast_in_dim3A_1281 : vector<16x1xi32> to vector<16xi32>
    %gather3A_1283 = tpu.dynamic_gather %select_n3A_1277[%gather3A_1282] in [0] : vector<16xf32>, vector<16xi32> -> vector<16xf32>
    %xor3A_1284 = arith.constant 8 : i32
    %xor3A_1285 = vector.broadcast %xor3A_1284 : i32 to vector<16xi32>
    %xor3A_1286 = arith.xori %iota3A, %xor3A_1285 : vector<16xi32>
    %broadcast_in_dim3A_1287 = vector.shape_cast %xor3A_1286 : vector<16xi32> to vector<16x1xi32>
    %gather3A_1288 = vector.shape_cast %broadcast_in_dim3A_1287 : vector<16x1xi32> to vector<16xi32>
    %gather3A_1289 = tpu.dynamic_gather %select_n3A_1273[%gather3A_1288] in [0] : vector<16xi32>, vector<16xi32> -> vector<16xi32>
    %gt3A_1290 = arith.cmpf ogt, %gather3A_1283, %select_n3A_1277 : vector<16xf32>
    %jit3A_1291 = arith.constant 1 : i32
    %jit3A_1292 = arith.constant 0 : i32
    %broadcast_in_dim3A_1293 = vector.broadcast %jit3A_1291 : i32 to vector<16xi32>
    %broadcast_in_dim3A_1294 = vector.broadcast %jit3A_1292 : i32 to vector<16xi32>
    %select_n3A_1295 = arith.select %gt3A_1290, %broadcast_in_dim3A_1293, %broadcast_in_dim3A_1294 : vector<16xi1>, vector<16xi32>
    %eq3A_1296 = arith.cmpf oeq, %gather3A_1283, %select_n3A_1277 : vector<16xf32>
    %jit3A_1297 = arith.constant 1 : i32
    %jit3A_1298 = arith.constant 0 : i32
    %broadcast_in_dim3A_1299 = vector.broadcast %jit3A_1297 : i32 to vector<16xi32>
    %broadcast_in_dim3A_1300 = vector.broadcast %jit3A_1298 : i32 to vector<16xi32>
    %select_n3A_1301 = arith.select %eq3A_1296, %broadcast_in_dim3A_1299, %broadcast_in_dim3A_1300 : vector<16xi1>, vector<16xi32>
    %lt3A_1302 = arith.cmpi slt, %gather3A_1289, %select_n3A_1273 : vector<16xi32>
    %jit3A_1303 = arith.constant 1 : i32
    %jit3A_1304 = arith.constant 0 : i32
    %broadcast_in_dim3A_1305 = vector.broadcast %jit3A_1303 : i32 to vector<16xi32>
    %broadcast_in_dim3A_1306 = vector.broadcast %jit3A_1304 : i32 to vector<16xi32>
    %select_n3A_1307 = arith.select %lt3A_1302, %broadcast_in_dim3A_1305, %broadcast_in_dim3A_1306 : vector<16xi1>, vector<16xi32>
    %mul3A_1308 = arith.muli %select_n3A_1301, %select_n3A_1307 : vector<16xi32>
    %add3A_1309 = arith.addi %select_n3A_1295, %mul3A_1308 : vector<16xi32>
    %gt3A_1310 = arith.constant 0 : i32
    %gt3A_1311 = vector.broadcast %gt3A_1310 : i32 to vector<16xi32>
    %gt3A_1312 = arith.cmpi sgt, %add3A_1309, %gt3A_1311 : vector<16xi32>
    %select_n3A_1313 = arith.select %gt3A_1312, %gather3A_1289, %select_n3A_1273 : vector<16xi1>, vector<16xi32>
    %gt3A_1314 = arith.constant 0 : i32
    %gt3A_1315 = vector.broadcast %gt3A_1314 : i32 to vector<16xi32>
    %gt3A_1316 = arith.cmpi sgt, %add3A_1309, %gt3A_1315 : vector<16xi32>
    %select_n3A_1317 = arith.select %gt3A_1316, %gather3A_1283, %select_n3A_1277 : vector<16xi1>, vector<16xf32>
    %gt3A_1318 = arith.constant 5 : i32
    %gt3A_1319 = arith.cmpi sgt, %select_n3A_21, %gt3A_1318 : i32
    %jit3A_1320 = arith.constant 0 : i32
    %jit3A_1321 = arith.constant 1000 : i32
    %select_n3A_1322 = arith.select %gt3A_1319, %jit3A_1320, %jit3A_1321 : i32
    %add3A_1323 = vector.broadcast %select_n3A_1322 : i32 to vector<16xi32>
    %add3A_1324 = arith.addi %select_n3A_1313, %add3A_1323 : vector<16xi32>
    %add3A_1325 = arith.constant 0 : i32
    %add3A_1326 = vector.broadcast %add3A_1325 : i32 to vector<16xi32>
    %add3A_1327 = arith.addi %iota3A, %add3A_1326 : vector<16xi32>
    %eq3A_1328 = arith.cmpi eq, %add3A_1327, %add3A_1324 : vector<16xi32>
    %select_n3A_1329 = arith.select %eq3A_1328, %select_n3A_1112, %select_n3A_1109 : vector<16xi1>, vector<16xf32>
    %jit3A_1330 = arith.constant -3.000000e+38 : f32
    %broadcast_in_dim3A_1331 = vector.broadcast %jit3A_1330 : f32 to vector<16xf32>
    %select_n3A_1332 = arith.select %eq3A_1328, %broadcast_in_dim3A_1331, %select_n3A_1112 : vector<16xi1>, vector<16xf32>
    %add3A_1333 = arith.constant 16 : i32
    %add3A_1334 = vector.broadcast %add3A_1333 : i32 to vector<16xi32>
    %add3A_1335 = arith.addi %iota3A, %add3A_1334 : vector<16xi32>
    %eq3A_1336 = arith.cmpi eq, %add3A_1335, %add3A_1324 : vector<16xi32>
    %select_n3A_1337 = arith.select %eq3A_1336, %select_n3A_1120, %select_n3A_1117 : vector<16xi1>, vector<16xf32>
    %jit3A_1338 = arith.constant -3.000000e+38 : f32
    %broadcast_in_dim3A_1339 = vector.broadcast %jit3A_1338 : f32 to vector<16xf32>
    %select_n3A_1340 = arith.select %eq3A_1336, %broadcast_in_dim3A_1339, %select_n3A_1120 : vector<16xi1>, vector<16xf32>
    %add3A_1341 = arith.constant 32 : i32
    %add3A_1342 = vector.broadcast %add3A_1341 : i32 to vector<16xi32>
    %add3A_1343 = arith.addi %iota3A, %add3A_1342 : vector<16xi32>
    %eq3A_1344 = arith.cmpi eq, %add3A_1343, %add3A_1324 : vector<16xi32>
    %select_n3A_1345 = arith.select %eq3A_1344, %select_n3A_1128, %select_n3A_1125 : vector<16xi1>, vector<16xf32>
    %jit3A_1346 = arith.constant -3.000000e+38 : f32
    %broadcast_in_dim3A_1347 = vector.broadcast %jit3A_1346 : f32 to vector<16xf32>
    %select_n3A_1348 = arith.select %eq3A_1344, %broadcast_in_dim3A_1347, %select_n3A_1128 : vector<16xi1>, vector<16xf32>
    %add3A_1349 = arith.constant 48 : i32
    %add3A_1350 = vector.broadcast %add3A_1349 : i32 to vector<16xi32>
    %add3A_1351 = arith.addi %iota3A, %add3A_1350 : vector<16xi32>
    %eq3A_1352 = arith.cmpi eq, %add3A_1351, %add3A_1324 : vector<16xi32>
    %select_n3A_1353 = arith.select %eq3A_1352, %select_n3A_1136, %select_n3A_1133 : vector<16xi1>, vector<16xf32>
    %jit3A_1354 = arith.constant -3.000000e+38 : f32
    %broadcast_in_dim3A_1355 = vector.broadcast %jit3A_1354 : f32 to vector<16xf32>
    %select_n3A_1356 = arith.select %eq3A_1352, %broadcast_in_dim3A_1355, %select_n3A_1136 : vector<16xi1>, vector<16xf32>
    %add3A_1357 = arith.constant 16 : i32
    %add3A_1358 = vector.broadcast %add3A_1357 : i32 to vector<16xi32>
    %add3A_1359 = arith.addi %iota3A, %add3A_1358 : vector<16xi32>
    %gt3A_1360 = arith.cmpf ogt, %select_n3A_1340, %select_n3A_1332 : vector<16xf32>
    %select_n3A_1361 = arith.select %gt3A_1360, %add3A_1359, %iota3A : vector<16xi1>, vector<16xi32>
    %gt3A_1362 = arith.cmpf ogt, %select_n3A_1340, %select_n3A_1332 : vector<16xf32>
    %select_n3A_1363 = arith.select %gt3A_1362, %select_n3A_1340, %select_n3A_1332 : vector<16xi1>, vector<16xf32>
    %add3A_1364 = arith.constant 32 : i32
    %add3A_1365 = vector.broadcast %add3A_1364 : i32 to vector<16xi32>
    %add3A_1366 = arith.addi %iota3A, %add3A_1365 : vector<16xi32>
    %gt3A_1367 = arith.cmpf ogt, %select_n3A_1348, %select_n3A_1363 : vector<16xf32>
    %select_n3A_1368 = arith.select %gt3A_1367, %add3A_1366, %select_n3A_1361 : vector<16xi1>, vector<16xi32>
    %gt3A_1369 = arith.cmpf ogt, %select_n3A_1348, %select_n3A_1363 : vector<16xf32>
    %select_n3A_1370 = arith.select %gt3A_1369, %select_n3A_1348, %select_n3A_1363 : vector<16xi1>, vector<16xf32>
    %add3A_1371 = arith.constant 48 : i32
    %add3A_1372 = vector.broadcast %add3A_1371 : i32 to vector<16xi32>
    %add3A_1373 = arith.addi %iota3A, %add3A_1372 : vector<16xi32>
    %gt3A_1374 = arith.cmpf ogt, %select_n3A_1356, %select_n3A_1370 : vector<16xf32>
    %select_n3A_1375 = arith.select %gt3A_1374, %add3A_1373, %select_n3A_1368 : vector<16xi1>, vector<16xi32>
    %gt3A_1376 = arith.cmpf ogt, %select_n3A_1356, %select_n3A_1370 : vector<16xf32>
    %select_n3A_1377 = arith.select %gt3A_1376, %select_n3A_1356, %select_n3A_1370 : vector<16xi1>, vector<16xf32>
    %xor3A_1378 = arith.constant 1 : i32
    %xor3A_1379 = vector.broadcast %xor3A_1378 : i32 to vector<16xi32>
    %xor3A_1380 = arith.xori %iota3A, %xor3A_1379 : vector<16xi32>
    %broadcast_in_dim3A_1381 = vector.shape_cast %xor3A_1380 : vector<16xi32> to vector<16x1xi32>
    %gather3A_1382 = vector.shape_cast %broadcast_in_dim3A_1381 : vector<16x1xi32> to vector<16xi32>
    %gather3A_1383 = tpu.dynamic_gather %select_n3A_1377[%gather3A_1382] in [0] : vector<16xf32>, vector<16xi32> -> vector<16xf32>
    %xor3A_1384 = arith.constant 1 : i32
    %xor3A_1385 = vector.broadcast %xor3A_1384 : i32 to vector<16xi32>
    %xor3A_1386 = arith.xori %iota3A, %xor3A_1385 : vector<16xi32>
    %broadcast_in_dim3A_1387 = vector.shape_cast %xor3A_1386 : vector<16xi32> to vector<16x1xi32>
    %gather3A_1388 = vector.shape_cast %broadcast_in_dim3A_1387 : vector<16x1xi32> to vector<16xi32>
    %gather3A_1389 = tpu.dynamic_gather %select_n3A_1375[%gather3A_1388] in [0] : vector<16xi32>, vector<16xi32> -> vector<16xi32>
    %gt3A_1390 = arith.cmpf ogt, %gather3A_1383, %select_n3A_1377 : vector<16xf32>
    %jit3A_1391 = arith.constant 1 : i32
    %jit3A_1392 = arith.constant 0 : i32
    %broadcast_in_dim3A_1393 = vector.broadcast %jit3A_1391 : i32 to vector<16xi32>
    %broadcast_in_dim3A_1394 = vector.broadcast %jit3A_1392 : i32 to vector<16xi32>
    %select_n3A_1395 = arith.select %gt3A_1390, %broadcast_in_dim3A_1393, %broadcast_in_dim3A_1394 : vector<16xi1>, vector<16xi32>
    %eq3A_1396 = arith.cmpf oeq, %gather3A_1383, %select_n3A_1377 : vector<16xf32>
    %jit3A_1397 = arith.constant 1 : i32
    %jit3A_1398 = arith.constant 0 : i32
    %broadcast_in_dim3A_1399 = vector.broadcast %jit3A_1397 : i32 to vector<16xi32>
    %broadcast_in_dim3A_1400 = vector.broadcast %jit3A_1398 : i32 to vector<16xi32>
    %select_n3A_1401 = arith.select %eq3A_1396, %broadcast_in_dim3A_1399, %broadcast_in_dim3A_1400 : vector<16xi1>, vector<16xi32>
    %lt3A_1402 = arith.cmpi slt, %gather3A_1389, %select_n3A_1375 : vector<16xi32>
    %jit3A_1403 = arith.constant 1 : i32
    %jit3A_1404 = arith.constant 0 : i32
    %broadcast_in_dim3A_1405 = vector.broadcast %jit3A_1403 : i32 to vector<16xi32>
    %broadcast_in_dim3A_1406 = vector.broadcast %jit3A_1404 : i32 to vector<16xi32>
    %select_n3A_1407 = arith.select %lt3A_1402, %broadcast_in_dim3A_1405, %broadcast_in_dim3A_1406 : vector<16xi1>, vector<16xi32>
    %mul3A_1408 = arith.muli %select_n3A_1401, %select_n3A_1407 : vector<16xi32>
    %add3A_1409 = arith.addi %select_n3A_1395, %mul3A_1408 : vector<16xi32>
    %gt3A_1410 = arith.constant 0 : i32
    %gt3A_1411 = vector.broadcast %gt3A_1410 : i32 to vector<16xi32>
    %gt3A_1412 = arith.cmpi sgt, %add3A_1409, %gt3A_1411 : vector<16xi32>
    %select_n3A_1413 = arith.select %gt3A_1412, %gather3A_1389, %select_n3A_1375 : vector<16xi1>, vector<16xi32>
    %gt3A_1414 = arith.constant 0 : i32
    %gt3A_1415 = vector.broadcast %gt3A_1414 : i32 to vector<16xi32>
    %gt3A_1416 = arith.cmpi sgt, %add3A_1409, %gt3A_1415 : vector<16xi32>
    %select_n3A_1417 = arith.select %gt3A_1416, %gather3A_1383, %select_n3A_1377 : vector<16xi1>, vector<16xf32>
    %xor3A_1418 = arith.constant 2 : i32
    %xor3A_1419 = vector.broadcast %xor3A_1418 : i32 to vector<16xi32>
    %xor3A_1420 = arith.xori %iota3A, %xor3A_1419 : vector<16xi32>
    %broadcast_in_dim3A_1421 = vector.shape_cast %xor3A_1420 : vector<16xi32> to vector<16x1xi32>
    %gather3A_1422 = vector.shape_cast %broadcast_in_dim3A_1421 : vector<16x1xi32> to vector<16xi32>
    %gather3A_1423 = tpu.dynamic_gather %select_n3A_1417[%gather3A_1422] in [0] : vector<16xf32>, vector<16xi32> -> vector<16xf32>
    %xor3A_1424 = arith.constant 2 : i32
    %xor3A_1425 = vector.broadcast %xor3A_1424 : i32 to vector<16xi32>
    %xor3A_1426 = arith.xori %iota3A, %xor3A_1425 : vector<16xi32>
    %broadcast_in_dim3A_1427 = vector.shape_cast %xor3A_1426 : vector<16xi32> to vector<16x1xi32>
    %gather3A_1428 = vector.shape_cast %broadcast_in_dim3A_1427 : vector<16x1xi32> to vector<16xi32>
    %gather3A_1429 = tpu.dynamic_gather %select_n3A_1413[%gather3A_1428] in [0] : vector<16xi32>, vector<16xi32> -> vector<16xi32>
    %gt3A_1430 = arith.cmpf ogt, %gather3A_1423, %select_n3A_1417 : vector<16xf32>
    %jit3A_1431 = arith.constant 1 : i32
    %jit3A_1432 = arith.constant 0 : i32
    %broadcast_in_dim3A_1433 = vector.broadcast %jit3A_1431 : i32 to vector<16xi32>
    %broadcast_in_dim3A_1434 = vector.broadcast %jit3A_1432 : i32 to vector<16xi32>
    %select_n3A_1435 = arith.select %gt3A_1430, %broadcast_in_dim3A_1433, %broadcast_in_dim3A_1434 : vector<16xi1>, vector<16xi32>
    %eq3A_1436 = arith.cmpf oeq, %gather3A_1423, %select_n3A_1417 : vector<16xf32>
    %jit3A_1437 = arith.constant 1 : i32
    %jit3A_1438 = arith.constant 0 : i32
    %broadcast_in_dim3A_1439 = vector.broadcast %jit3A_1437 : i32 to vector<16xi32>
    %broadcast_in_dim3A_1440 = vector.broadcast %jit3A_1438 : i32 to vector<16xi32>
    %select_n3A_1441 = arith.select %eq3A_1436, %broadcast_in_dim3A_1439, %broadcast_in_dim3A_1440 : vector<16xi1>, vector<16xi32>
    %lt3A_1442 = arith.cmpi slt, %gather3A_1429, %select_n3A_1413 : vector<16xi32>
    %jit3A_1443 = arith.constant 1 : i32
    %jit3A_1444 = arith.constant 0 : i32
    %broadcast_in_dim3A_1445 = vector.broadcast %jit3A_1443 : i32 to vector<16xi32>
    %broadcast_in_dim3A_1446 = vector.broadcast %jit3A_1444 : i32 to vector<16xi32>
    %select_n3A_1447 = arith.select %lt3A_1442, %broadcast_in_dim3A_1445, %broadcast_in_dim3A_1446 : vector<16xi1>, vector<16xi32>
    %mul3A_1448 = arith.muli %select_n3A_1441, %select_n3A_1447 : vector<16xi32>
    %add3A_1449 = arith.addi %select_n3A_1435, %mul3A_1448 : vector<16xi32>
    %gt3A_1450 = arith.constant 0 : i32
    %gt3A_1451 = vector.broadcast %gt3A_1450 : i32 to vector<16xi32>
    %gt3A_1452 = arith.cmpi sgt, %add3A_1449, %gt3A_1451 : vector<16xi32>
    %select_n3A_1453 = arith.select %gt3A_1452, %gather3A_1429, %select_n3A_1413 : vector<16xi1>, vector<16xi32>
    %gt3A_1454 = arith.constant 0 : i32
    %gt3A_1455 = vector.broadcast %gt3A_1454 : i32 to vector<16xi32>
    %gt3A_1456 = arith.cmpi sgt, %add3A_1449, %gt3A_1455 : vector<16xi32>
    %select_n3A_1457 = arith.select %gt3A_1456, %gather3A_1423, %select_n3A_1417 : vector<16xi1>, vector<16xf32>
    %xor3A_1458 = arith.constant 4 : i32
    %xor3A_1459 = vector.broadcast %xor3A_1458 : i32 to vector<16xi32>
    %xor3A_1460 = arith.xori %iota3A, %xor3A_1459 : vector<16xi32>
    %broadcast_in_dim3A_1461 = vector.shape_cast %xor3A_1460 : vector<16xi32> to vector<16x1xi32>
    %gather3A_1462 = vector.shape_cast %broadcast_in_dim3A_1461 : vector<16x1xi32> to vector<16xi32>
    %gather3A_1463 = tpu.dynamic_gather %select_n3A_1457[%gather3A_1462] in [0] : vector<16xf32>, vector<16xi32> -> vector<16xf32>
    %xor3A_1464 = arith.constant 4 : i32
    %xor3A_1465 = vector.broadcast %xor3A_1464 : i32 to vector<16xi32>
    %xor3A_1466 = arith.xori %iota3A, %xor3A_1465 : vector<16xi32>
    %broadcast_in_dim3A_1467 = vector.shape_cast %xor3A_1466 : vector<16xi32> to vector<16x1xi32>
    %gather3A_1468 = vector.shape_cast %broadcast_in_dim3A_1467 : vector<16x1xi32> to vector<16xi32>
    %gather3A_1469 = tpu.dynamic_gather %select_n3A_1453[%gather3A_1468] in [0] : vector<16xi32>, vector<16xi32> -> vector<16xi32>
    %gt3A_1470 = arith.cmpf ogt, %gather3A_1463, %select_n3A_1457 : vector<16xf32>
    %jit3A_1471 = arith.constant 1 : i32
    %jit3A_1472 = arith.constant 0 : i32
    %broadcast_in_dim3A_1473 = vector.broadcast %jit3A_1471 : i32 to vector<16xi32>
    %broadcast_in_dim3A_1474 = vector.broadcast %jit3A_1472 : i32 to vector<16xi32>
    %select_n3A_1475 = arith.select %gt3A_1470, %broadcast_in_dim3A_1473, %broadcast_in_dim3A_1474 : vector<16xi1>, vector<16xi32>
    %eq3A_1476 = arith.cmpf oeq, %gather3A_1463, %select_n3A_1457 : vector<16xf32>
    %jit3A_1477 = arith.constant 1 : i32
    %jit3A_1478 = arith.constant 0 : i32
    %broadcast_in_dim3A_1479 = vector.broadcast %jit3A_1477 : i32 to vector<16xi32>
    %broadcast_in_dim3A_1480 = vector.broadcast %jit3A_1478 : i32 to vector<16xi32>
    %select_n3A_1481 = arith.select %eq3A_1476, %broadcast_in_dim3A_1479, %broadcast_in_dim3A_1480 : vector<16xi1>, vector<16xi32>
    %lt3A_1482 = arith.cmpi slt, %gather3A_1469, %select_n3A_1453 : vector<16xi32>
    %jit3A_1483 = arith.constant 1 : i32
    %jit3A_1484 = arith.constant 0 : i32
    %broadcast_in_dim3A_1485 = vector.broadcast %jit3A_1483 : i32 to vector<16xi32>
    %broadcast_in_dim3A_1486 = vector.broadcast %jit3A_1484 : i32 to vector<16xi32>
    %select_n3A_1487 = arith.select %lt3A_1482, %broadcast_in_dim3A_1485, %broadcast_in_dim3A_1486 : vector<16xi1>, vector<16xi32>
    %mul3A_1488 = arith.muli %select_n3A_1481, %select_n3A_1487 : vector<16xi32>
    %add3A_1489 = arith.addi %select_n3A_1475, %mul3A_1488 : vector<16xi32>
    %gt3A_1490 = arith.constant 0 : i32
    %gt3A_1491 = vector.broadcast %gt3A_1490 : i32 to vector<16xi32>
    %gt3A_1492 = arith.cmpi sgt, %add3A_1489, %gt3A_1491 : vector<16xi32>
    %select_n3A_1493 = arith.select %gt3A_1492, %gather3A_1469, %select_n3A_1453 : vector<16xi1>, vector<16xi32>
    %gt3A_1494 = arith.constant 0 : i32
    %gt3A_1495 = vector.broadcast %gt3A_1494 : i32 to vector<16xi32>
    %gt3A_1496 = arith.cmpi sgt, %add3A_1489, %gt3A_1495 : vector<16xi32>
    %select_n3A_1497 = arith.select %gt3A_1496, %gather3A_1463, %select_n3A_1457 : vector<16xi1>, vector<16xf32>
    %xor3A_1498 = arith.constant 8 : i32
    %xor3A_1499 = vector.broadcast %xor3A_1498 : i32 to vector<16xi32>
    %xor3A_1500 = arith.xori %iota3A, %xor3A_1499 : vector<16xi32>
    %broadcast_in_dim3A_1501 = vector.shape_cast %xor3A_1500 : vector<16xi32> to vector<16x1xi32>
    %gather3A_1502 = vector.shape_cast %broadcast_in_dim3A_1501 : vector<16x1xi32> to vector<16xi32>
    %gather3A_1503 = tpu.dynamic_gather %select_n3A_1497[%gather3A_1502] in [0] : vector<16xf32>, vector<16xi32> -> vector<16xf32>
    %xor3A_1504 = arith.constant 8 : i32
    %xor3A_1505 = vector.broadcast %xor3A_1504 : i32 to vector<16xi32>
    %xor3A_1506 = arith.xori %iota3A, %xor3A_1505 : vector<16xi32>
    %broadcast_in_dim3A_1507 = vector.shape_cast %xor3A_1506 : vector<16xi32> to vector<16x1xi32>
    %gather3A_1508 = vector.shape_cast %broadcast_in_dim3A_1507 : vector<16x1xi32> to vector<16xi32>
    %gather3A_1509 = tpu.dynamic_gather %select_n3A_1493[%gather3A_1508] in [0] : vector<16xi32>, vector<16xi32> -> vector<16xi32>
    %gt3A_1510 = arith.cmpf ogt, %gather3A_1503, %select_n3A_1497 : vector<16xf32>
    %jit3A_1511 = arith.constant 1 : i32
    %jit3A_1512 = arith.constant 0 : i32
    %broadcast_in_dim3A_1513 = vector.broadcast %jit3A_1511 : i32 to vector<16xi32>
    %broadcast_in_dim3A_1514 = vector.broadcast %jit3A_1512 : i32 to vector<16xi32>
    %select_n3A_1515 = arith.select %gt3A_1510, %broadcast_in_dim3A_1513, %broadcast_in_dim3A_1514 : vector<16xi1>, vector<16xi32>
    %eq3A_1516 = arith.cmpf oeq, %gather3A_1503, %select_n3A_1497 : vector<16xf32>
    %jit3A_1517 = arith.constant 1 : i32
    %jit3A_1518 = arith.constant 0 : i32
    %broadcast_in_dim3A_1519 = vector.broadcast %jit3A_1517 : i32 to vector<16xi32>
    %broadcast_in_dim3A_1520 = vector.broadcast %jit3A_1518 : i32 to vector<16xi32>
    %select_n3A_1521 = arith.select %eq3A_1516, %broadcast_in_dim3A_1519, %broadcast_in_dim3A_1520 : vector<16xi1>, vector<16xi32>
    %lt3A_1522 = arith.cmpi slt, %gather3A_1509, %select_n3A_1493 : vector<16xi32>
    %jit3A_1523 = arith.constant 1 : i32
    %jit3A_1524 = arith.constant 0 : i32
    %broadcast_in_dim3A_1525 = vector.broadcast %jit3A_1523 : i32 to vector<16xi32>
    %broadcast_in_dim3A_1526 = vector.broadcast %jit3A_1524 : i32 to vector<16xi32>
    %select_n3A_1527 = arith.select %lt3A_1522, %broadcast_in_dim3A_1525, %broadcast_in_dim3A_1526 : vector<16xi1>, vector<16xi32>
    %mul3A_1528 = arith.muli %select_n3A_1521, %select_n3A_1527 : vector<16xi32>
    %add3A_1529 = arith.addi %select_n3A_1515, %mul3A_1528 : vector<16xi32>
    %gt3A_1530 = arith.constant 0 : i32
    %gt3A_1531 = vector.broadcast %gt3A_1530 : i32 to vector<16xi32>
    %gt3A_1532 = arith.cmpi sgt, %add3A_1529, %gt3A_1531 : vector<16xi32>
    %select_n3A_1533 = arith.select %gt3A_1532, %gather3A_1509, %select_n3A_1493 : vector<16xi1>, vector<16xi32>
    %gt3A_1534 = arith.constant 0 : i32
    %gt3A_1535 = vector.broadcast %gt3A_1534 : i32 to vector<16xi32>
    %gt3A_1536 = arith.cmpi sgt, %add3A_1529, %gt3A_1535 : vector<16xi32>
    %select_n3A_1537 = arith.select %gt3A_1536, %gather3A_1503, %select_n3A_1497 : vector<16xi1>, vector<16xf32>
    %gt3A_1538 = arith.constant 6 : i32
    %gt3A_1539 = arith.cmpi sgt, %select_n3A_21, %gt3A_1538 : i32
    %jit3A_1540 = arith.constant 0 : i32
    %jit3A_1541 = arith.constant 1000 : i32
    %select_n3A_1542 = arith.select %gt3A_1539, %jit3A_1540, %jit3A_1541 : i32
    %add3A_1543 = vector.broadcast %select_n3A_1542 : i32 to vector<16xi32>
    %add3A_1544 = arith.addi %select_n3A_1533, %add3A_1543 : vector<16xi32>
    %add3A_1545 = arith.constant 0 : i32
    %add3A_1546 = vector.broadcast %add3A_1545 : i32 to vector<16xi32>
    %add3A_1547 = arith.addi %iota3A, %add3A_1546 : vector<16xi32>
    %eq3A_1548 = arith.cmpi eq, %add3A_1547, %add3A_1544 : vector<16xi32>
    %select_n3A_1549 = arith.select %eq3A_1548, %select_n3A_1332, %select_n3A_1329 : vector<16xi1>, vector<16xf32>
    %jit3A_1550 = arith.constant -3.000000e+38 : f32
    %broadcast_in_dim3A_1551 = vector.broadcast %jit3A_1550 : f32 to vector<16xf32>
    %select_n3A_1552 = arith.select %eq3A_1548, %broadcast_in_dim3A_1551, %select_n3A_1332 : vector<16xi1>, vector<16xf32>
    %add3A_1553 = arith.constant 16 : i32
    %add3A_1554 = vector.broadcast %add3A_1553 : i32 to vector<16xi32>
    %add3A_1555 = arith.addi %iota3A, %add3A_1554 : vector<16xi32>
    %eq3A_1556 = arith.cmpi eq, %add3A_1555, %add3A_1544 : vector<16xi32>
    %select_n3A_1557 = arith.select %eq3A_1556, %select_n3A_1340, %select_n3A_1337 : vector<16xi1>, vector<16xf32>
    %jit3A_1558 = arith.constant -3.000000e+38 : f32
    %broadcast_in_dim3A_1559 = vector.broadcast %jit3A_1558 : f32 to vector<16xf32>
    %select_n3A_1560 = arith.select %eq3A_1556, %broadcast_in_dim3A_1559, %select_n3A_1340 : vector<16xi1>, vector<16xf32>
    %add3A_1561 = arith.constant 32 : i32
    %add3A_1562 = vector.broadcast %add3A_1561 : i32 to vector<16xi32>
    %add3A_1563 = arith.addi %iota3A, %add3A_1562 : vector<16xi32>
    %eq3A_1564 = arith.cmpi eq, %add3A_1563, %add3A_1544 : vector<16xi32>
    %select_n3A_1565 = arith.select %eq3A_1564, %select_n3A_1348, %select_n3A_1345 : vector<16xi1>, vector<16xf32>
    %jit3A_1566 = arith.constant -3.000000e+38 : f32
    %broadcast_in_dim3A_1567 = vector.broadcast %jit3A_1566 : f32 to vector<16xf32>
    %select_n3A_1568 = arith.select %eq3A_1564, %broadcast_in_dim3A_1567, %select_n3A_1348 : vector<16xi1>, vector<16xf32>
    %add3A_1569 = arith.constant 48 : i32
    %add3A_1570 = vector.broadcast %add3A_1569 : i32 to vector<16xi32>
    %add3A_1571 = arith.addi %iota3A, %add3A_1570 : vector<16xi32>
    %eq3A_1572 = arith.cmpi eq, %add3A_1571, %add3A_1544 : vector<16xi32>
    %select_n3A_1573 = arith.select %eq3A_1572, %select_n3A_1356, %select_n3A_1353 : vector<16xi1>, vector<16xf32>
    %jit3A_1574 = arith.constant -3.000000e+38 : f32
    %broadcast_in_dim3A_1575 = vector.broadcast %jit3A_1574 : f32 to vector<16xf32>
    %select_n3A_1576 = arith.select %eq3A_1572, %broadcast_in_dim3A_1575, %select_n3A_1356 : vector<16xi1>, vector<16xf32>
    %add3A_1577 = arith.constant 16 : i32
    %add3A_1578 = vector.broadcast %add3A_1577 : i32 to vector<16xi32>
    %add3A_1579 = arith.addi %iota3A, %add3A_1578 : vector<16xi32>
    %gt3A_1580 = arith.cmpf ogt, %select_n3A_1560, %select_n3A_1552 : vector<16xf32>
    %select_n3A_1581 = arith.select %gt3A_1580, %add3A_1579, %iota3A : vector<16xi1>, vector<16xi32>
    %gt3A_1582 = arith.cmpf ogt, %select_n3A_1560, %select_n3A_1552 : vector<16xf32>
    %select_n3A_1583 = arith.select %gt3A_1582, %select_n3A_1560, %select_n3A_1552 : vector<16xi1>, vector<16xf32>
    %add3A_1584 = arith.constant 32 : i32
    %add3A_1585 = vector.broadcast %add3A_1584 : i32 to vector<16xi32>
    %add3A_1586 = arith.addi %iota3A, %add3A_1585 : vector<16xi32>
    %gt3A_1587 = arith.cmpf ogt, %select_n3A_1568, %select_n3A_1583 : vector<16xf32>
    %select_n3A_1588 = arith.select %gt3A_1587, %add3A_1586, %select_n3A_1581 : vector<16xi1>, vector<16xi32>
    %gt3A_1589 = arith.cmpf ogt, %select_n3A_1568, %select_n3A_1583 : vector<16xf32>
    %select_n3A_1590 = arith.select %gt3A_1589, %select_n3A_1568, %select_n3A_1583 : vector<16xi1>, vector<16xf32>
    %add3A_1591 = arith.constant 48 : i32
    %add3A_1592 = vector.broadcast %add3A_1591 : i32 to vector<16xi32>
    %add3A_1593 = arith.addi %iota3A, %add3A_1592 : vector<16xi32>
    %gt3A_1594 = arith.cmpf ogt, %select_n3A_1576, %select_n3A_1590 : vector<16xf32>
    %select_n3A_1595 = arith.select %gt3A_1594, %add3A_1593, %select_n3A_1588 : vector<16xi1>, vector<16xi32>
    %gt3A_1596 = arith.cmpf ogt, %select_n3A_1576, %select_n3A_1590 : vector<16xf32>
    %select_n3A_1597 = arith.select %gt3A_1596, %select_n3A_1576, %select_n3A_1590 : vector<16xi1>, vector<16xf32>
    %xor3A_1598 = arith.constant 1 : i32
    %xor3A_1599 = vector.broadcast %xor3A_1598 : i32 to vector<16xi32>
    %xor3A_1600 = arith.xori %iota3A, %xor3A_1599 : vector<16xi32>
    %broadcast_in_dim3A_1601 = vector.shape_cast %xor3A_1600 : vector<16xi32> to vector<16x1xi32>
    %gather3A_1602 = vector.shape_cast %broadcast_in_dim3A_1601 : vector<16x1xi32> to vector<16xi32>
    %gather3A_1603 = tpu.dynamic_gather %select_n3A_1597[%gather3A_1602] in [0] : vector<16xf32>, vector<16xi32> -> vector<16xf32>
    %xor3A_1604 = arith.constant 1 : i32
    %xor3A_1605 = vector.broadcast %xor3A_1604 : i32 to vector<16xi32>
    %xor3A_1606 = arith.xori %iota3A, %xor3A_1605 : vector<16xi32>
    %broadcast_in_dim3A_1607 = vector.shape_cast %xor3A_1606 : vector<16xi32> to vector<16x1xi32>
    %gather3A_1608 = vector.shape_cast %broadcast_in_dim3A_1607 : vector<16x1xi32> to vector<16xi32>
    %gather3A_1609 = tpu.dynamic_gather %select_n3A_1595[%gather3A_1608] in [0] : vector<16xi32>, vector<16xi32> -> vector<16xi32>
    %gt3A_1610 = arith.cmpf ogt, %gather3A_1603, %select_n3A_1597 : vector<16xf32>
    %jit3A_1611 = arith.constant 1 : i32
    %jit3A_1612 = arith.constant 0 : i32
    %broadcast_in_dim3A_1613 = vector.broadcast %jit3A_1611 : i32 to vector<16xi32>
    %broadcast_in_dim3A_1614 = vector.broadcast %jit3A_1612 : i32 to vector<16xi32>
    %select_n3A_1615 = arith.select %gt3A_1610, %broadcast_in_dim3A_1613, %broadcast_in_dim3A_1614 : vector<16xi1>, vector<16xi32>
    %eq3A_1616 = arith.cmpf oeq, %gather3A_1603, %select_n3A_1597 : vector<16xf32>
    %jit3A_1617 = arith.constant 1 : i32
    %jit3A_1618 = arith.constant 0 : i32
    %broadcast_in_dim3A_1619 = vector.broadcast %jit3A_1617 : i32 to vector<16xi32>
    %broadcast_in_dim3A_1620 = vector.broadcast %jit3A_1618 : i32 to vector<16xi32>
    %select_n3A_1621 = arith.select %eq3A_1616, %broadcast_in_dim3A_1619, %broadcast_in_dim3A_1620 : vector<16xi1>, vector<16xi32>
    %lt3A_1622 = arith.cmpi slt, %gather3A_1609, %select_n3A_1595 : vector<16xi32>
    %jit3A_1623 = arith.constant 1 : i32
    %jit3A_1624 = arith.constant 0 : i32
    %broadcast_in_dim3A_1625 = vector.broadcast %jit3A_1623 : i32 to vector<16xi32>
    %broadcast_in_dim3A_1626 = vector.broadcast %jit3A_1624 : i32 to vector<16xi32>
    %select_n3A_1627 = arith.select %lt3A_1622, %broadcast_in_dim3A_1625, %broadcast_in_dim3A_1626 : vector<16xi1>, vector<16xi32>
    %mul3A_1628 = arith.muli %select_n3A_1621, %select_n3A_1627 : vector<16xi32>
    %add3A_1629 = arith.addi %select_n3A_1615, %mul3A_1628 : vector<16xi32>
    %gt3A_1630 = arith.constant 0 : i32
    %gt3A_1631 = vector.broadcast %gt3A_1630 : i32 to vector<16xi32>
    %gt3A_1632 = arith.cmpi sgt, %add3A_1629, %gt3A_1631 : vector<16xi32>
    %select_n3A_1633 = arith.select %gt3A_1632, %gather3A_1609, %select_n3A_1595 : vector<16xi1>, vector<16xi32>
    %gt3A_1634 = arith.constant 0 : i32
    %gt3A_1635 = vector.broadcast %gt3A_1634 : i32 to vector<16xi32>
    %gt3A_1636 = arith.cmpi sgt, %add3A_1629, %gt3A_1635 : vector<16xi32>
    %select_n3A_1637 = arith.select %gt3A_1636, %gather3A_1603, %select_n3A_1597 : vector<16xi1>, vector<16xf32>
    %xor3A_1638 = arith.constant 2 : i32
    %xor3A_1639 = vector.broadcast %xor3A_1638 : i32 to vector<16xi32>
    %xor3A_1640 = arith.xori %iota3A, %xor3A_1639 : vector<16xi32>
    %broadcast_in_dim3A_1641 = vector.shape_cast %xor3A_1640 : vector<16xi32> to vector<16x1xi32>
    %gather3A_1642 = vector.shape_cast %broadcast_in_dim3A_1641 : vector<16x1xi32> to vector<16xi32>
    %gather3A_1643 = tpu.dynamic_gather %select_n3A_1637[%gather3A_1642] in [0] : vector<16xf32>, vector<16xi32> -> vector<16xf32>
    %xor3A_1644 = arith.constant 2 : i32
    %xor3A_1645 = vector.broadcast %xor3A_1644 : i32 to vector<16xi32>
    %xor3A_1646 = arith.xori %iota3A, %xor3A_1645 : vector<16xi32>
    %broadcast_in_dim3A_1647 = vector.shape_cast %xor3A_1646 : vector<16xi32> to vector<16x1xi32>
    %gather3A_1648 = vector.shape_cast %broadcast_in_dim3A_1647 : vector<16x1xi32> to vector<16xi32>
    %gather3A_1649 = tpu.dynamic_gather %select_n3A_1633[%gather3A_1648] in [0] : vector<16xi32>, vector<16xi32> -> vector<16xi32>
    %gt3A_1650 = arith.cmpf ogt, %gather3A_1643, %select_n3A_1637 : vector<16xf32>
    %jit3A_1651 = arith.constant 1 : i32
    %jit3A_1652 = arith.constant 0 : i32
    %broadcast_in_dim3A_1653 = vector.broadcast %jit3A_1651 : i32 to vector<16xi32>
    %broadcast_in_dim3A_1654 = vector.broadcast %jit3A_1652 : i32 to vector<16xi32>
    %select_n3A_1655 = arith.select %gt3A_1650, %broadcast_in_dim3A_1653, %broadcast_in_dim3A_1654 : vector<16xi1>, vector<16xi32>
    %eq3A_1656 = arith.cmpf oeq, %gather3A_1643, %select_n3A_1637 : vector<16xf32>
    %jit3A_1657 = arith.constant 1 : i32
    %jit3A_1658 = arith.constant 0 : i32
    %broadcast_in_dim3A_1659 = vector.broadcast %jit3A_1657 : i32 to vector<16xi32>
    %broadcast_in_dim3A_1660 = vector.broadcast %jit3A_1658 : i32 to vector<16xi32>
    %select_n3A_1661 = arith.select %eq3A_1656, %broadcast_in_dim3A_1659, %broadcast_in_dim3A_1660 : vector<16xi1>, vector<16xi32>
    %lt3A_1662 = arith.cmpi slt, %gather3A_1649, %select_n3A_1633 : vector<16xi32>
    %jit3A_1663 = arith.constant 1 : i32
    %jit3A_1664 = arith.constant 0 : i32
    %broadcast_in_dim3A_1665 = vector.broadcast %jit3A_1663 : i32 to vector<16xi32>
    %broadcast_in_dim3A_1666 = vector.broadcast %jit3A_1664 : i32 to vector<16xi32>
    %select_n3A_1667 = arith.select %lt3A_1662, %broadcast_in_dim3A_1665, %broadcast_in_dim3A_1666 : vector<16xi1>, vector<16xi32>
    %mul3A_1668 = arith.muli %select_n3A_1661, %select_n3A_1667 : vector<16xi32>
    %add3A_1669 = arith.addi %select_n3A_1655, %mul3A_1668 : vector<16xi32>
    %gt3A_1670 = arith.constant 0 : i32
    %gt3A_1671 = vector.broadcast %gt3A_1670 : i32 to vector<16xi32>
    %gt3A_1672 = arith.cmpi sgt, %add3A_1669, %gt3A_1671 : vector<16xi32>
    %select_n3A_1673 = arith.select %gt3A_1672, %gather3A_1649, %select_n3A_1633 : vector<16xi1>, vector<16xi32>
    %gt3A_1674 = arith.constant 0 : i32
    %gt3A_1675 = vector.broadcast %gt3A_1674 : i32 to vector<16xi32>
    %gt3A_1676 = arith.cmpi sgt, %add3A_1669, %gt3A_1675 : vector<16xi32>
    %select_n3A_1677 = arith.select %gt3A_1676, %gather3A_1643, %select_n3A_1637 : vector<16xi1>, vector<16xf32>
    %xor3A_1678 = arith.constant 4 : i32
    %xor3A_1679 = vector.broadcast %xor3A_1678 : i32 to vector<16xi32>
    %xor3A_1680 = arith.xori %iota3A, %xor3A_1679 : vector<16xi32>
    %broadcast_in_dim3A_1681 = vector.shape_cast %xor3A_1680 : vector<16xi32> to vector<16x1xi32>
    %gather3A_1682 = vector.shape_cast %broadcast_in_dim3A_1681 : vector<16x1xi32> to vector<16xi32>
    %gather3A_1683 = tpu.dynamic_gather %select_n3A_1677[%gather3A_1682] in [0] : vector<16xf32>, vector<16xi32> -> vector<16xf32>
    %xor3A_1684 = arith.constant 4 : i32
    %xor3A_1685 = vector.broadcast %xor3A_1684 : i32 to vector<16xi32>
    %xor3A_1686 = arith.xori %iota3A, %xor3A_1685 : vector<16xi32>
    %broadcast_in_dim3A_1687 = vector.shape_cast %xor3A_1686 : vector<16xi32> to vector<16x1xi32>
    %gather3A_1688 = vector.shape_cast %broadcast_in_dim3A_1687 : vector<16x1xi32> to vector<16xi32>
    %gather3A_1689 = tpu.dynamic_gather %select_n3A_1673[%gather3A_1688] in [0] : vector<16xi32>, vector<16xi32> -> vector<16xi32>
    %gt3A_1690 = arith.cmpf ogt, %gather3A_1683, %select_n3A_1677 : vector<16xf32>
    %jit3A_1691 = arith.constant 1 : i32
    %jit3A_1692 = arith.constant 0 : i32
    %broadcast_in_dim3A_1693 = vector.broadcast %jit3A_1691 : i32 to vector<16xi32>
    %broadcast_in_dim3A_1694 = vector.broadcast %jit3A_1692 : i32 to vector<16xi32>
    %select_n3A_1695 = arith.select %gt3A_1690, %broadcast_in_dim3A_1693, %broadcast_in_dim3A_1694 : vector<16xi1>, vector<16xi32>
    %eq3A_1696 = arith.cmpf oeq, %gather3A_1683, %select_n3A_1677 : vector<16xf32>
    %jit3A_1697 = arith.constant 1 : i32
    %jit3A_1698 = arith.constant 0 : i32
    %broadcast_in_dim3A_1699 = vector.broadcast %jit3A_1697 : i32 to vector<16xi32>
    %broadcast_in_dim3A_1700 = vector.broadcast %jit3A_1698 : i32 to vector<16xi32>
    %select_n3A_1701 = arith.select %eq3A_1696, %broadcast_in_dim3A_1699, %broadcast_in_dim3A_1700 : vector<16xi1>, vector<16xi32>
    %lt3A_1702 = arith.cmpi slt, %gather3A_1689, %select_n3A_1673 : vector<16xi32>
    %jit3A_1703 = arith.constant 1 : i32
    %jit3A_1704 = arith.constant 0 : i32
    %broadcast_in_dim3A_1705 = vector.broadcast %jit3A_1703 : i32 to vector<16xi32>
    %broadcast_in_dim3A_1706 = vector.broadcast %jit3A_1704 : i32 to vector<16xi32>
    %select_n3A_1707 = arith.select %lt3A_1702, %broadcast_in_dim3A_1705, %broadcast_in_dim3A_1706 : vector<16xi1>, vector<16xi32>
    %mul3A_1708 = arith.muli %select_n3A_1701, %select_n3A_1707 : vector<16xi32>
    %add3A_1709 = arith.addi %select_n3A_1695, %mul3A_1708 : vector<16xi32>
    %gt3A_1710 = arith.constant 0 : i32
    %gt3A_1711 = vector.broadcast %gt3A_1710 : i32 to vector<16xi32>
    %gt3A_1712 = arith.cmpi sgt, %add3A_1709, %gt3A_1711 : vector<16xi32>
    %select_n3A_1713 = arith.select %gt3A_1712, %gather3A_1689, %select_n3A_1673 : vector<16xi1>, vector<16xi32>
    %gt3A_1714 = arith.constant 0 : i32
    %gt3A_1715 = vector.broadcast %gt3A_1714 : i32 to vector<16xi32>
    %gt3A_1716 = arith.cmpi sgt, %add3A_1709, %gt3A_1715 : vector<16xi32>
    %select_n3A_1717 = arith.select %gt3A_1716, %gather3A_1683, %select_n3A_1677 : vector<16xi1>, vector<16xf32>
    %xor3A_1718 = arith.constant 8 : i32
    %xor3A_1719 = vector.broadcast %xor3A_1718 : i32 to vector<16xi32>
    %xor3A_1720 = arith.xori %iota3A, %xor3A_1719 : vector<16xi32>
    %broadcast_in_dim3A_1721 = vector.shape_cast %xor3A_1720 : vector<16xi32> to vector<16x1xi32>
    %gather3A_1722 = vector.shape_cast %broadcast_in_dim3A_1721 : vector<16x1xi32> to vector<16xi32>
    %gather3A_1723 = tpu.dynamic_gather %select_n3A_1717[%gather3A_1722] in [0] : vector<16xf32>, vector<16xi32> -> vector<16xf32>
    %xor3A_1724 = arith.constant 8 : i32
    %xor3A_1725 = vector.broadcast %xor3A_1724 : i32 to vector<16xi32>
    %xor3A_1726 = arith.xori %iota3A, %xor3A_1725 : vector<16xi32>
    %broadcast_in_dim3A_1727 = vector.shape_cast %xor3A_1726 : vector<16xi32> to vector<16x1xi32>
    %gather3A_1728 = vector.shape_cast %broadcast_in_dim3A_1727 : vector<16x1xi32> to vector<16xi32>
    %gather3A_1729 = tpu.dynamic_gather %select_n3A_1713[%gather3A_1728] in [0] : vector<16xi32>, vector<16xi32> -> vector<16xi32>
    %gt3A_1730 = arith.cmpf ogt, %gather3A_1723, %select_n3A_1717 : vector<16xf32>
    %jit3A_1731 = arith.constant 1 : i32
    %jit3A_1732 = arith.constant 0 : i32
    %broadcast_in_dim3A_1733 = vector.broadcast %jit3A_1731 : i32 to vector<16xi32>
    %broadcast_in_dim3A_1734 = vector.broadcast %jit3A_1732 : i32 to vector<16xi32>
    %select_n3A_1735 = arith.select %gt3A_1730, %broadcast_in_dim3A_1733, %broadcast_in_dim3A_1734 : vector<16xi1>, vector<16xi32>
    %eq3A_1736 = arith.cmpf oeq, %gather3A_1723, %select_n3A_1717 : vector<16xf32>
    %jit3A_1737 = arith.constant 1 : i32
    %jit3A_1738 = arith.constant 0 : i32
    %broadcast_in_dim3A_1739 = vector.broadcast %jit3A_1737 : i32 to vector<16xi32>
    %broadcast_in_dim3A_1740 = vector.broadcast %jit3A_1738 : i32 to vector<16xi32>
    %select_n3A_1741 = arith.select %eq3A_1736, %broadcast_in_dim3A_1739, %broadcast_in_dim3A_1740 : vector<16xi1>, vector<16xi32>
    %lt3A_1742 = arith.cmpi slt, %gather3A_1729, %select_n3A_1713 : vector<16xi32>
    %jit3A_1743 = arith.constant 1 : i32
    %jit3A_1744 = arith.constant 0 : i32
    %broadcast_in_dim3A_1745 = vector.broadcast %jit3A_1743 : i32 to vector<16xi32>
    %broadcast_in_dim3A_1746 = vector.broadcast %jit3A_1744 : i32 to vector<16xi32>
    %select_n3A_1747 = arith.select %lt3A_1742, %broadcast_in_dim3A_1745, %broadcast_in_dim3A_1746 : vector<16xi1>, vector<16xi32>
    %mul3A_1748 = arith.muli %select_n3A_1741, %select_n3A_1747 : vector<16xi32>
    %add3A_1749 = arith.addi %select_n3A_1735, %mul3A_1748 : vector<16xi32>
    %gt3A_1750 = arith.constant 0 : i32
    %gt3A_1751 = vector.broadcast %gt3A_1750 : i32 to vector<16xi32>
    %gt3A_1752 = arith.cmpi sgt, %add3A_1749, %gt3A_1751 : vector<16xi32>
    %select_n3A_1753 = arith.select %gt3A_1752, %gather3A_1729, %select_n3A_1713 : vector<16xi1>, vector<16xi32>
    %gt3A_1754 = arith.constant 0 : i32
    %gt3A_1755 = vector.broadcast %gt3A_1754 : i32 to vector<16xi32>
    %gt3A_1756 = arith.cmpi sgt, %add3A_1749, %gt3A_1755 : vector<16xi32>
    %select_n3A_1757 = arith.select %gt3A_1756, %gather3A_1723, %select_n3A_1717 : vector<16xi1>, vector<16xf32>
    %gt3A_1758 = arith.constant 7 : i32
    %gt3A_1759 = arith.cmpi sgt, %select_n3A_21, %gt3A_1758 : i32
    %jit3A_1760 = arith.constant 0 : i32
    %jit3A_1761 = arith.constant 1000 : i32
    %select_n3A_1762 = arith.select %gt3A_1759, %jit3A_1760, %jit3A_1761 : i32
    %add3A_1763 = vector.broadcast %select_n3A_1762 : i32 to vector<16xi32>
    %add3A_1764 = arith.addi %select_n3A_1753, %add3A_1763 : vector<16xi32>
    %add3A_1765 = arith.constant 0 : i32
    %add3A_1766 = vector.broadcast %add3A_1765 : i32 to vector<16xi32>
    %add3A_1767 = arith.addi %iota3A, %add3A_1766 : vector<16xi32>
    %eq3A_1768 = arith.cmpi eq, %add3A_1767, %add3A_1764 : vector<16xi32>
    %select_n3A_1769 = arith.select %eq3A_1768, %select_n3A_1552, %select_n3A_1549 : vector<16xi1>, vector<16xf32>
    %jit3A_1770 = arith.constant -3.000000e+38 : f32
    %broadcast_in_dim3A_1771 = vector.broadcast %jit3A_1770 : f32 to vector<16xf32>
    %select_n3A_1772 = arith.select %eq3A_1768, %broadcast_in_dim3A_1771, %select_n3A_1552 : vector<16xi1>, vector<16xf32>
    %add3A_1773 = arith.constant 16 : i32
    %add3A_1774 = vector.broadcast %add3A_1773 : i32 to vector<16xi32>
    %add3A_1775 = arith.addi %iota3A, %add3A_1774 : vector<16xi32>
    %eq3A_1776 = arith.cmpi eq, %add3A_1775, %add3A_1764 : vector<16xi32>
    %select_n3A_1777 = arith.select %eq3A_1776, %select_n3A_1560, %select_n3A_1557 : vector<16xi1>, vector<16xf32>
    %jit3A_1778 = arith.constant -3.000000e+38 : f32
    %broadcast_in_dim3A_1779 = vector.broadcast %jit3A_1778 : f32 to vector<16xf32>
    %select_n3A_1780 = arith.select %eq3A_1776, %broadcast_in_dim3A_1779, %select_n3A_1560 : vector<16xi1>, vector<16xf32>
    %add3A_1781 = arith.constant 32 : i32
    %add3A_1782 = vector.broadcast %add3A_1781 : i32 to vector<16xi32>
    %add3A_1783 = arith.addi %iota3A, %add3A_1782 : vector<16xi32>
    %eq3A_1784 = arith.cmpi eq, %add3A_1783, %add3A_1764 : vector<16xi32>
    %select_n3A_1785 = arith.select %eq3A_1784, %select_n3A_1568, %select_n3A_1565 : vector<16xi1>, vector<16xf32>
    %jit3A_1786 = arith.constant -3.000000e+38 : f32
    %broadcast_in_dim3A_1787 = vector.broadcast %jit3A_1786 : f32 to vector<16xf32>
    %select_n3A_1788 = arith.select %eq3A_1784, %broadcast_in_dim3A_1787, %select_n3A_1568 : vector<16xi1>, vector<16xf32>
    %add3A_1789 = arith.constant 48 : i32
    %add3A_1790 = vector.broadcast %add3A_1789 : i32 to vector<16xi32>
    %add3A_1791 = arith.addi %iota3A, %add3A_1790 : vector<16xi32>
    %eq3A_1792 = arith.cmpi eq, %add3A_1791, %add3A_1764 : vector<16xi32>
    %select_n3A_1793 = arith.select %eq3A_1792, %select_n3A_1576, %select_n3A_1573 : vector<16xi1>, vector<16xf32>
    %jit3A_1794 = arith.constant -3.000000e+38 : f32
    %broadcast_in_dim3A_1795 = vector.broadcast %jit3A_1794 : f32 to vector<16xf32>
    %select_n3A_1796 = arith.select %eq3A_1792, %broadcast_in_dim3A_1795, %select_n3A_1576 : vector<16xi1>, vector<16xf32>
    %add3A_1797 = arith.addf %select_n3A_1769, %select_n3A_1777 : vector<16xf32>
    %add3A_1798 = arith.addf %select_n3A_1785, %select_n3A_1793 : vector<16xf32>
    %add3A_1799 = arith.addf %add3A_1797, %add3A_1798 : vector<16xf32>
    %xor3A_1800 = arith.constant 1 : i32
    %xor3A_1801 = vector.broadcast %xor3A_1800 : i32 to vector<16xi32>
    %xor3A_1802 = arith.xori %iota3A, %xor3A_1801 : vector<16xi32>
    %broadcast_in_dim3A_1803 = vector.shape_cast %xor3A_1802 : vector<16xi32> to vector<16x1xi32>
    %gather3A_1804 = vector.shape_cast %broadcast_in_dim3A_1803 : vector<16x1xi32> to vector<16xi32>
    %gather3A_1805 = tpu.dynamic_gather %add3A_1799[%gather3A_1804] in [0] : vector<16xf32>, vector<16xi32> -> vector<16xf32>
    %add3A_1806 = arith.addf %add3A_1799, %gather3A_1805 : vector<16xf32>
    %xor3A_1807 = arith.constant 2 : i32
    %xor3A_1808 = vector.broadcast %xor3A_1807 : i32 to vector<16xi32>
    %xor3A_1809 = arith.xori %iota3A, %xor3A_1808 : vector<16xi32>
    %broadcast_in_dim3A_1810 = vector.shape_cast %xor3A_1809 : vector<16xi32> to vector<16x1xi32>
    %gather3A_1811 = vector.shape_cast %broadcast_in_dim3A_1810 : vector<16x1xi32> to vector<16xi32>
    %gather3A_1812 = tpu.dynamic_gather %add3A_1806[%gather3A_1811] in [0] : vector<16xf32>, vector<16xi32> -> vector<16xf32>
    %add3A_1813 = arith.addf %add3A_1806, %gather3A_1812 : vector<16xf32>
    %xor3A_1814 = arith.constant 4 : i32
    %xor3A_1815 = vector.broadcast %xor3A_1814 : i32 to vector<16xi32>
    %xor3A_1816 = arith.xori %iota3A, %xor3A_1815 : vector<16xi32>
    %broadcast_in_dim3A_1817 = vector.shape_cast %xor3A_1816 : vector<16xi32> to vector<16x1xi32>
    %gather3A_1818 = vector.shape_cast %broadcast_in_dim3A_1817 : vector<16x1xi32> to vector<16xi32>
    %gather3A_1819 = tpu.dynamic_gather %add3A_1813[%gather3A_1818] in [0] : vector<16xf32>, vector<16xi32> -> vector<16xf32>
    %add3A_1820 = arith.addf %add3A_1813, %gather3A_1819 : vector<16xf32>
    %xor3A_1821 = arith.constant 8 : i32
    %xor3A_1822 = vector.broadcast %xor3A_1821 : i32 to vector<16xi32>
    %xor3A_1823 = arith.xori %iota3A, %xor3A_1822 : vector<16xi32>
    %broadcast_in_dim3A_1824 = vector.shape_cast %xor3A_1823 : vector<16xi32> to vector<16x1xi32>
    %gather3A_1825 = vector.shape_cast %broadcast_in_dim3A_1824 : vector<16x1xi32> to vector<16xi32>
    %gather3A_1826 = tpu.dynamic_gather %add3A_1820[%gather3A_1825] in [0] : vector<16xf32>, vector<16xi32> -> vector<16xf32>
    %add3A_1827 = arith.addf %add3A_1820, %gather3A_1826 : vector<16xf32>
    %add3A_1828 = arith.constant 9.99999993E-9 : f32
    %add3A_1829 = vector.broadcast %add3A_1828 : f32 to vector<16xf32>
    %add3A_1830 = arith.addf %add3A_1827, %add3A_1829 : vector<16xf32>
    %div3A = arith.constant 1.000000e+00 : f32
    %div3A_1831 = vector.broadcast %div3A : f32 to vector<16xf32>
    %div3A_1832 = arith.divf %div3A_1831, %add3A_1830 : vector<16xf32>
    %mul3A_1833 = arith.mulf %select_n3A_1769, %div3A_1832 : vector<16xf32>
    %swap3A = arith.constant 0 : index
    %swap3A_1834 = tpu.vector_load %arg7[%swap3A] {strides = array<i32>} : memref<64xf32, #tpu.memory_space<vmem>>, vector<16xf32>,
    %swap3A_1835 = vector.shape_cast %swap3A_1834 : vector<16xf32> to vector<16xf32>
    %swap3A_1836 = vector.shape_cast %mul3A_1833 : vector<16xf32> to vector<16xf32>
    tpu.vector_store %arg7[%swap3A], %swap3A_1836 {strides = array<i32>} : memref<64xf32, #tpu.memory_space<vmem>>, vector<16xf32>,
    %mul3A_1837 = arith.mulf %select_n3A_1777, %div3A_1832 : vector<16xf32>
    %swap3A_1838 = arith.constant 16 : index
    %swap3A_1839 = tpu.vector_load %arg7[%swap3A_1838] {strides = array<i32>} : memref<64xf32, #tpu.memory_space<vmem>>, vector<16xf32>,
    %swap3A_1840 = vector.shape_cast %swap3A_1839 : vector<16xf32> to vector<16xf32>
    %swap3A_1841 = vector.shape_cast %mul3A_1837 : vector<16xf32> to vector<16xf32>
    tpu.vector_store %arg7[%swap3A_1838], %swap3A_1841 {strides = array<i32>} : memref<64xf32, #tpu.memory_space<vmem>>, vector<16xf32>,
    %mul3A_1842 = arith.mulf %select_n3A_1785, %div3A_1832 : vector<16xf32>
    %swap3A_1843 = arith.constant 32 : index
    %swap3A_1844 = tpu.vector_load %arg7[%swap3A_1843] {strides = array<i32>} : memref<64xf32, #tpu.memory_space<vmem>>, vector<16xf32>,
    %swap3A_1845 = vector.shape_cast %swap3A_1844 : vector<16xf32> to vector<16xf32>
    %swap3A_1846 = vector.shape_cast %mul3A_1842 : vector<16xf32> to vector<16xf32>
    tpu.vector_store %arg7[%swap3A_1843], %swap3A_1846 {strides = array<i32>} : memref<64xf32, #tpu.memory_space<vmem>>, vector<16xf32>,
    %mul3A_1847 = arith.mulf %select_n3A_1793, %div3A_1832 : vector<16xf32>
    %swap3A_1848 = arith.constant 48 : index
    %swap3A_1849 = tpu.vector_load %arg7[%swap3A_1848] {strides = array<i32>} : memref<64xf32, #tpu.memory_space<vmem>>, vector<16xf32>,
    %swap3A_1850 = vector.shape_cast %swap3A_1849 : vector<16xf32> to vector<16xf32>
    %swap3A_1851 = vector.shape_cast %mul3A_1847 : vector<16xf32> to vector<16xf32>
    tpu.vector_store %arg7[%swap3A_1848], %swap3A_1851 {strides = array<i32>} : memref<64xf32, #tpu.memory_space<vmem>>, vector<16xf32>,
    %jit3A_1852 = arith.constant 3 : i32
    %div3A_1853 = arith.divsi %select_n3A, %jit3A_1852 : i32
    %sign3A = arith.constant 0 : i32
    %sign3A_1854 = arith.cmpi sgt, %select_n3A, %sign3A : i32
    %sign3A_1855 = arith.extui %sign3A_1854 : i1 to i32
    %sign3A_1856 = arith.constant 0 : i32
    %sign3A_1857 = arith.cmpi slt, %select_n3A, %sign3A_1856 : i32
    %sign3A_1858 = arith.extui %sign3A_1857 : i1 to i32
    %sign3A_1859 = arith.subi %sign3A_1855, %sign3A_1858 : i32
    %sign3A_1860 = arith.constant 0 : i32
    %sign3A_1861 = arith.cmpi sgt, %jit3A_1852, %sign3A_1860 : i32
    %sign3A_1862 = arith.extui %sign3A_1861 : i1 to i32
    %sign3A_1863 = arith.constant 0 : i32
    %sign3A_1864 = arith.cmpi slt, %jit3A_1852, %sign3A_1863 : i32
    %sign3A_1865 = arith.extui %sign3A_1864 : i1 to i32
    %sign3A_1866 = arith.subi %sign3A_1862, %sign3A_1865 : i32
    %ne3A_1867 = arith.cmpi ne, %sign3A_1859, %sign3A_1866 : i32
    %rem3A_1868 = arith.remsi %select_n3A, %jit3A_1852 : i32
    %ne3A_1869 = arith.constant 0 : i32
    %ne3A_1870 = arith.cmpi ne, %rem3A_1868, %ne3A_1869 : i32
    %and3A_1871 = arith.andi %ne3A_1867, %ne3A_1870 : i1
    %sub3A = arith.constant 1 : i32
    %sub3A_1872 = arith.subi %div3A_1853, %sub3A : i32
    %select_n3A_1873 = arith.select %and3A_1871, %sub3A_1872, %div3A_1853 : i32
    %mul3A_1874 = arith.constant 64 : i32
    %mul3A_1875 = arith.muli %select_n3A_1873, %mul3A_1874 : i32
    %barrier3A = arith.constant 0 : index
    tpu.barrier barrier_id(%barrier3A)
    %eq3A_1876 = arith.constant 0 : i32
    %eq3A_1877 = arith.cmpi eq, %select_n3A_11, %eq3A_1876 : i32
    %and3A_1878 = arith.andi %lt3A_0, %eq3A_1877 : i1
    %convert_element_type3A = arith.extui %and3A_1878 : i1 to i32
    %cond3A = arith.constant 0 : i32
    %cond3A_1879 = arith.cmpi ne, %convert_element_type3A, %cond3A : i32
    scf.if %cond3A_1879 {
      "tpu.region"() ({
        %run_scoped3A = tpu.sem_alloc : memref<!tpu.dma_semaphore, #tpu.memory_space<semaphore_mem>>
        %dma_start3A = tpu.memref_slice %arg3[%mul3A_1875] : memref<256xf32, #tpu.memory_space<hbm>> -> memref<64xf32, #tpu.memory_space<hbm>>
        %dma_start3A_1892 = tpu.memref_slice %arg3[%mul3A_1875] : memref<256xf32, #tpu.memory_space<hbm>> -> memref<64xf32, #tpu.memory_space<hbm>>
        tpu.enqueue_dma source(%arg7 : memref<64xf32, #tpu.memory_space<vmem>>) target(%dma_start3A_1892 : memref<64xf32, #tpu.memory_space<hbm>>) target_semaphore(%run_scoped3A : memref<!tpu.dma_semaphore, #tpu.memory_space<semaphore_mem>>)
        %dma_wait3A = tpu.memref_slice %arg3[%mul3A_1875] : memref<256xf32, #tpu.memory_space<hbm>> -> memref<64xf32, #tpu.memory_space<hbm>>
        %dma_wait3A_1893 = tpu.memref_slice %arg3[%mul3A_1875] : memref<256xf32, #tpu.memory_space<hbm>> -> memref<64xf32, #tpu.memory_space<hbm>>
        tpu.wait_dma2 semaphore(%run_scoped3A : memref<!tpu.dma_semaphore, #tpu.memory_space<semaphore_mem>>) src(%arg7 : memref<64xf32, #tpu.memory_space<vmem>>) dst(%dma_wait3A_1893 : memref<64xf32, #tpu.memory_space<hbm>>)
        tpu.yield
      }) : () -> ()
    } else {
    }
    %eq3A_1880 = arith.constant 1 : i32
    %eq3A_1881 = arith.cmpi eq, %select_n3A_11, %eq3A_1880 : i32
    %and3A_1882 = arith.andi %lt3A_0, %eq3A_1881 : i1
    %convert_element_type3A_1883 = arith.extui %and3A_1882 : i1 to i32
    %cond3A_1884 = arith.constant 0 : i32
    %cond3A_1885 = arith.cmpi ne, %convert_element_type3A_1883, %cond3A_1884 : i32
    scf.if %cond3A_1885 {
      "tpu.region"() ({
        %run_scoped3A = tpu.sem_alloc : memref<!tpu.dma_semaphore, #tpu.memory_space<semaphore_mem>>
        %dma_start3A = tpu.memref_slice %arg4[%mul3A_1875] : memref<256xf32, #tpu.memory_space<hbm>> -> memref<64xf32, #tpu.memory_space<hbm>>
        %dma_start3A_1892 = tpu.memref_slice %arg4[%mul3A_1875] : memref<256xf32, #tpu.memory_space<hbm>> -> memref<64xf32, #tpu.memory_space<hbm>>
        tpu.enqueue_dma source(%arg7 : memref<64xf32, #tpu.memory_space<vmem>>) target(%dma_start3A_1892 : memref<64xf32, #tpu.memory_space<hbm>>) target_semaphore(%run_scoped3A : memref<!tpu.dma_semaphore, #tpu.memory_space<semaphore_mem>>)
        %dma_wait3A = tpu.memref_slice %arg4[%mul3A_1875] : memref<256xf32, #tpu.memory_space<hbm>> -> memref<64xf32, #tpu.memory_space<hbm>>
        %dma_wait3A_1893 = tpu.memref_slice %arg4[%mul3A_1875] : memref<256xf32, #tpu.memory_space<hbm>> -> memref<64xf32, #tpu.memory_space<hbm>>
        tpu.wait_dma2 semaphore(%run_scoped3A : memref<!tpu.dma_semaphore, #tpu.memory_space<semaphore_mem>>) src(%arg7 : memref<64xf32, #tpu.memory_space<vmem>>) dst(%dma_wait3A_1893 : memref<64xf32, #tpu.memory_space<hbm>>)
        tpu.yield
      }) : () -> ()
      "tpu.region"() ({
        %run_scoped3A = tpu.sem_alloc : memref<!tpu.dma_semaphore, #tpu.memory_space<semaphore_mem>>
        %dma_start3A = tpu.memref_slice %arg5[%mul3A_1875] : memref<256xf32, #tpu.memory_space<hbm>> -> memref<64xf32, #tpu.memory_space<hbm>>
        %dma_start3A_1892 = tpu.memref_slice %arg5[%mul3A_1875] : memref<256xf32, #tpu.memory_space<hbm>> -> memref<64xf32, #tpu.memory_space<hbm>>
        tpu.enqueue_dma source(%arg7 : memref<64xf32, #tpu.memory_space<vmem>>) target(%dma_start3A_1892 : memref<64xf32, #tpu.memory_space<hbm>>) target_semaphore(%run_scoped3A : memref<!tpu.dma_semaphore, #tpu.memory_space<semaphore_mem>>)
        %dma_wait3A = tpu.memref_slice %arg5[%mul3A_1875] : memref<256xf32, #tpu.memory_space<hbm>> -> memref<64xf32, #tpu.memory_space<hbm>>
        %dma_wait3A_1893 = tpu.memref_slice %arg5[%mul3A_1875] : memref<256xf32, #tpu.memory_space<hbm>> -> memref<64xf32, #tpu.memory_space<hbm>>
        tpu.wait_dma2 semaphore(%run_scoped3A : memref<!tpu.dma_semaphore, #tpu.memory_space<semaphore_mem>>) src(%arg7 : memref<64xf32, #tpu.memory_space<vmem>>) dst(%dma_wait3A_1893 : memref<64xf32, #tpu.memory_space<hbm>>)
        tpu.yield
      }) : () -> ()
    } else {
    }
    %eq3A_1886 = arith.constant 2 : i32
    %eq3A_1887 = arith.cmpi eq, %select_n3A_11, %eq3A_1886 : i32
    %and3A_1888 = arith.andi %lt3A_0, %eq3A_1887 : i1
    %convert_element_type3A_1889 = arith.extui %and3A_1888 : i1 to i32
    %cond3A_1890 = arith.constant 0 : i32
    %cond3A_1891 = arith.cmpi ne, %convert_element_type3A_1889, %cond3A_1890 : i32
    scf.if %cond3A_1891 {
      "tpu.region"() ({
        %run_scoped3A = tpu.sem_alloc : memref<!tpu.dma_semaphore, #tpu.memory_space<semaphore_mem>>
        %dma_start3A = tpu.memref_slice %arg6[%mul3A_1875] : memref<256xf32, #tpu.memory_space<hbm>> -> memref<64xf32, #tpu.memory_space<hbm>>
        %dma_start3A_1892 = tpu.memref_slice %arg6[%mul3A_1875] : memref<256xf32, #tpu.memory_space<hbm>> -> memref<64xf32, #tpu.memory_space<hbm>>
        tpu.enqueue_dma source(%arg7 : memref<64xf32, #tpu.memory_space<vmem>>) target(%dma_start3A_1892 : memref<64xf32, #tpu.memory_space<hbm>>) target_semaphore(%run_scoped3A : memref<!tpu.dma_semaphore, #tpu.memory_space<semaphore_mem>>)
        %dma_wait3A = tpu.memref_slice %arg6[%mul3A_1875] : memref<256xf32, #tpu.memory_space<hbm>> -> memref<64xf32, #tpu.memory_space<hbm>>
        %dma_wait3A_1893 = tpu.memref_slice %arg6[%mul3A_1875] : memref<256xf32, #tpu.memory_space<hbm>> -> memref<64xf32, #tpu.memory_space<hbm>>
        tpu.wait_dma2 semaphore(%run_scoped3A : memref<!tpu.dma_semaphore, #tpu.memory_space<semaphore_mem>>) src(%arg7 : memref<64xf32, #tpu.memory_space<vmem>>) dst(%dma_wait3A_1893 : memref<64xf32, #tpu.memory_space<hbm>>)
        tpu.yield
      }) : () -> ()
    } else {
    }
    return
  }
}

module attributes {stable_mosaic.version = 14 : i64} {
  func.func @_pool_body(%arg0: i32, %arg1: i32, %arg2: memref<1x512x2048xf32, #tpu.memory_space<vmem>>, %arg3: memref<1x1x1x512xf32, #tpu.memory_space<vmem>>, %arg4: memref<2048x64xbf16, #tpu.memory_space<vmem>>, %arg5: memref<1x64xf32, #tpu.memory_space<vmem>>, %arg6: memref<192x64xf32, #tpu.memory_space<vmem>>, %arg7: memref<1x1x192xf32, #tpu.memory_space<vmem>>, %arg8: memref<192x64xbf16, #tpu.memory_space<vmem>>) attributes {dimension_semantics = [#tpu.dimension_semantics<arbitrary>, #tpu.dimension_semantics<arbitrary>], iteration_bounds = array<i64: 4, 4>, scalar_prefetch = 0 : i64, scratch_operands = 1 : i64, tpu.core_type = #tpu.core_type<tc>, window_params = [{transform_indices = @transform_0, window_bounds = array<i64: 1, 512, 2048>}, {transform_indices = @transform_1, window_bounds = array<i64: 1, 1, 1, 512>}, {pipeline_mode = #tpu.pipeline_mode<synchronous>, transform_indices = @transform_2, window_bounds = array<i64: 2048, 64>}, {pipeline_mode = #tpu.pipeline_mode<synchronous>, transform_indices = @transform_3, window_bounds = array<i64: 1, 64>}, {pipeline_mode = #tpu.pipeline_mode<synchronous>, transform_indices = @transform_4, window_bounds = array<i64: 192, 64>}, {transform_indices = @transform_5, window_bounds = array<i64: 1, 1, 192>}]} {
    %eq3A = arith.constant 0 : i32
    %eq3A_0 = arith.cmpi eq, %arg0, %eq3A : i32
    %eq3A_1 = arith.constant 0 : i32
    %eq3A_2 = arith.cmpi eq, %arg1, %eq3A_1 : i32
    %and3A = arith.andi %eq3A_0, %eq3A_2 : i1
    %convert_element_type3A = arith.extui %and3A : i1 to i32
    %cond3A = arith.constant 0 : i32
    %cond3A_3 = arith.cmpi ne, %convert_element_type3A, %cond3A : i32
    scf.if %cond3A_3 {
      %get3A_154 = arith.constant 0 : index
      %get3A_155 = arith.constant 0 : index
      %get3A_156 = vector.load %arg6[%get3A_154, %get3A_155] : memref<192x64xf32, #tpu.memory_space<vmem>>, vector<192x64xf32>
      %mul3A = arith.mulf %get3A_156, %get3A_156 : vector<192x64xf32>
      %reduce_sum3A_157 = arith.constant dense<0.000000e+00> : vector<192xf32>
      %reduce_sum3A_158 = vector.multi_reduction <add>, %mul3A, %reduce_sum3A_157 [1] : vector<192x64xf32> to vector<192xf32>
      %broadcast_in_dim3A_159 = vector.shape_cast %reduce_sum3A_158 : vector<192xf32> to vector<192x1xf32>
      %sqrt3A = math.sqrt %broadcast_in_dim3A_159 : vector<192x1xf32>
      %max3A = arith.constant 9.99999996E-13 : f32
      %max3A_160 = vector.broadcast %max3A : f32 to vector<192x1xf32>
      %max3A_161 = arith.maximumf %sqrt3A, %max3A_160 : vector<192x1xf32>
      %div3A_162 = vector.broadcast %max3A_161 : vector<192x1xf32> to vector<192x64xf32>
      %div3A_163 = arith.divf %get3A_156, %div3A_162 : vector<192x64xf32>
      %convert_element_type3A_164 = arith.truncf %div3A_163 : vector<192x64xf32> to vector<192x64xbf16>
      %swap3A_165 = arith.constant 0 : index
      %swap3A_166 = arith.constant 0 : index
      %swap3A_167 = vector.load %arg8[%swap3A_165, %swap3A_166] : memref<192x64xbf16, #tpu.memory_space<vmem>>, vector<192x64xbf16>
      tpu.vector_store %arg8[%swap3A_165, %swap3A_166], %convert_element_type3A_164 {strides = array<i32>} : memref<192x64xbf16, #tpu.memory_space<vmem>>, vector<192x64xbf16>,
    } else {
    }
    %eq3A_4 = arith.constant 0 : i32
    %eq3A_5 = arith.cmpi eq, %arg1, %eq3A_4 : i32
    %convert_element_type3A_6 = arith.extui %eq3A_5 : i1 to i32
    %cond3A_7 = arith.constant 0 : i32
    %cond3A_8 = arith.cmpi ne, %convert_element_type3A_6, %cond3A_7 : i32
    scf.if %cond3A_8 {
      %broadcast_in_dim3A_154 = arith.constant 0.000000e+00 : f32
      %broadcast_in_dim3A_155 = vector.broadcast %broadcast_in_dim3A_154 : f32 to vector<1x1x192xf32>
      %swap3A_156 = arith.constant 0 : index
      %swap3A_157 = arith.constant 0 : index
      %swap3A_158 = arith.constant 0 : index
      %swap3A_159 = vector.load %arg7[%swap3A_156, %swap3A_157, %swap3A_158] : memref<1x1x192xf32, #tpu.memory_space<vmem>>, vector<1x1x192xf32>
      tpu.vector_store %arg7[%swap3A_156, %swap3A_157, %swap3A_158], %broadcast_in_dim3A_155 {strides = array<i32>} : memref<1x1x192xf32, #tpu.memory_space<vmem>>, vector<1x1x192xf32>,
    } else {
    }
    %get3A = arith.constant 0 : index
    %get3A_9 = arith.constant 0 : index
    %get3A_10 = arith.constant 0 : index
    %get3A_11 = vector.load %arg2[%get3A, %get3A_9, %get3A_10] : memref<1x512x2048xf32, #tpu.memory_space<vmem>>, vector<1x512x2048xf32>
    %get3A_12 = vector.shape_cast %get3A_11 : vector<1x512x2048xf32> to vector<512x2048xf32>
    %get3A_13 = arith.constant 0 : index
    %get3A_14 = arith.constant 0 : index
    %get3A_15 = arith.constant 0 : index
    %get3A_16 = arith.constant 0 : index
    %get3A_17 = vector.load %arg3[%get3A_13, %get3A_14, %get3A_15, %get3A_16] : memref<1x1x1x512xf32, #tpu.memory_space<vmem>>, vector<1x1x1x512xf32>
    %get3A_18 = vector.shape_cast %get3A_17 : vector<1x1x1x512xf32> to vector<1x512xf32>
    %convert_element_type3A_19 = arith.truncf %get3A_12 : vector<512x2048xf32> to vector<512x2048xbf16>
    %get3A_20 = arith.constant 0 : index
    %get3A_21 = arith.constant 0 : index
    %get3A_22 = vector.load %arg4[%get3A_20, %get3A_21] : memref<2048x64xbf16, #tpu.memory_space<vmem>>, vector<2048x64xbf16>
    %dot_general3A = arith.constant dense<0.000000e+00> : vector<512x64xf32>
    %dot_general3A_23 = tpu.matmul %convert_element_type3A_19, %get3A_22, %dot_general3A {dimension_numbers = #tpu.dot_dimension_numbers<[1], [0], [0], [1], [0, 0, 1, 1], [], []>, transpose_lhs_hint = false} : vector<512x2048xbf16>, vector<2048x64xbf16>, vector<512x64xf32> -> vector<512x64xf32>
    %get3A_24 = arith.constant 0 : index
    %get3A_25 = arith.constant 0 : index
    %get3A_26 = vector.load %arg5[%get3A_24, %get3A_25] : memref<1x64xf32, #tpu.memory_space<vmem>>, vector<1x64xf32>
    %add3A = vector.broadcast %get3A_26 : vector<1x64xf32> to vector<512x64xf32>
    %add3A_27 = arith.addf %dot_general3A_23, %add3A : vector<512x64xf32>
    %convert_element_type3A_28 = arith.truncf %add3A_27 : vector<512x64xf32> to vector<512x64xbf16>
    %get3A_29 = arith.constant 0 : index
    %get3A_30 = arith.constant 0 : index
    %get3A_31 = vector.load %arg8[%get3A_29, %get3A_30] : memref<192x64xbf16, #tpu.memory_space<vmem>>, vector<192x64xbf16>
    %dot_general3A_32 = arith.constant dense<0.000000e+00> : vector<512x192xf32>
    %dot_general3A_33 = tpu.matmul %convert_element_type3A_28, %get3A_31, %dot_general3A_32 {dimension_numbers = #tpu.dot_dimension_numbers<[1], [1], [0], [0], [0, 0, 1, 0], [], []>, transpose_lhs_hint = false} : vector<512x64xbf16>, vector<192x64xbf16>, vector<512x192xf32> -> vector<512x192xf32>
    %iota3A = tpu.iota {dimensions = array<i32: 1>} : vector<512x192xi32>
    %jit3A = arith.constant 64 : i32
    %div3A = vector.broadcast %jit3A : i32 to vector<512x192xi32>
    %div3A_34 = arith.divsi %iota3A, %div3A : vector<512x192xi32>
    %sign3A = arith.constant 0 : i32
    %sign3A_35 = vector.broadcast %sign3A : i32 to vector<512x192xi32>
    %sign3A_36 = arith.cmpi sgt, %iota3A, %sign3A_35 : vector<512x192xi32>
    %sign3A_37 = arith.extui %sign3A_36 : vector<512x192xi1> to vector<512x192xi32>
    %sign3A_38 = arith.constant 0 : i32
    %sign3A_39 = vector.broadcast %sign3A_38 : i32 to vector<512x192xi32>
    %sign3A_40 = arith.cmpi slt, %iota3A, %sign3A_39 : vector<512x192xi32>
    %sign3A_41 = arith.extui %sign3A_40 : vector<512x192xi1> to vector<512x192xi32>
    %sign3A_42 = arith.subi %sign3A_37, %sign3A_41 : vector<512x192xi32>
    %sign3A_43 = arith.constant 0 : i32
    %sign3A_44 = arith.cmpi sgt, %jit3A, %sign3A_43 : i32
    %sign3A_45 = arith.extui %sign3A_44 : i1 to i32
    %sign3A_46 = arith.constant 0 : i32
    %sign3A_47 = arith.cmpi slt, %jit3A, %sign3A_46 : i32
    %sign3A_48 = arith.extui %sign3A_47 : i1 to i32
    %sign3A_49 = arith.subi %sign3A_45, %sign3A_48 : i32
    %ne3A = vector.broadcast %sign3A_49 : i32 to vector<512x192xi32>
    %ne3A_50 = arith.cmpi ne, %sign3A_42, %ne3A : vector<512x192xi32>
    %rem3A = vector.broadcast %jit3A : i32 to vector<512x192xi32>
    %rem3A_51 = arith.remsi %iota3A, %rem3A : vector<512x192xi32>
    %ne3A_52 = arith.constant 0 : i32
    %ne3A_53 = vector.broadcast %ne3A_52 : i32 to vector<512x192xi32>
    %ne3A_54 = arith.cmpi ne, %rem3A_51, %ne3A_53 : vector<512x192xi32>
    %and3A_55 = arith.andi %ne3A_50, %ne3A_54 : vector<512x192xi1>
    %sub3A = arith.constant 1 : i32
    %sub3A_56 = vector.broadcast %sub3A : i32 to vector<512x192xi32>
    %sub3A_57 = arith.subi %div3A_34, %sub3A_56 : vector<512x192xi32>
    %select_n3A = arith.select %and3A_55, %sub3A_57, %div3A_34 : vector<512x192xi1>, vector<512x192xi32>
    %eq3A_58 = arith.constant 0 : i32
    %eq3A_59 = vector.broadcast %eq3A_58 : i32 to vector<512x192xi32>
    %eq3A_60 = arith.cmpi eq, %select_n3A, %eq3A_59 : vector<512x192xi32>
    %jit3A_61 = arith.constant -3.000000e+38 : f32
    %broadcast_in_dim3A = vector.broadcast %jit3A_61 : f32 to vector<512x192xf32>
    %select_n3A_62 = arith.select %eq3A_60, %dot_general3A_33, %broadcast_in_dim3A : vector<512x192xi1>, vector<512x192xf32>
    %reduce_max3A = arith.constant dense<0xFF800000> : vector<512xf32>
    %reduce_max3A_63 = vector.multi_reduction <maximumf>, %select_n3A_62, %reduce_max3A [1] : vector<512x192xf32> to vector<512xf32>
    %broadcast_in_dim3A_64 = vector.shape_cast %reduce_max3A_63 : vector<512xf32> to vector<512x1xf32>
    %eq3A_65 = arith.constant 1 : i32
    %eq3A_66 = vector.broadcast %eq3A_65 : i32 to vector<512x192xi32>
    %eq3A_67 = arith.cmpi eq, %select_n3A, %eq3A_66 : vector<512x192xi32>
    %jit3A_68 = arith.constant -3.000000e+38 : f32
    %broadcast_in_dim3A_69 = vector.broadcast %jit3A_68 : f32 to vector<512x192xf32>
    %select_n3A_70 = arith.select %eq3A_67, %dot_general3A_33, %broadcast_in_dim3A_69 : vector<512x192xi1>, vector<512x192xf32>
    %reduce_max3A_71 = arith.constant dense<0xFF800000> : vector<512xf32>
    %reduce_max3A_72 = vector.multi_reduction <maximumf>, %select_n3A_70, %reduce_max3A_71 [1] : vector<512x192xf32> to vector<512xf32>
    %broadcast_in_dim3A_73 = vector.shape_cast %reduce_max3A_72 : vector<512xf32> to vector<512x1xf32>
    %eq3A_74 = arith.constant 2 : i32
    %eq3A_75 = vector.broadcast %eq3A_74 : i32 to vector<512x192xi32>
    %eq3A_76 = arith.cmpi eq, %select_n3A, %eq3A_75 : vector<512x192xi32>
    %jit3A_77 = arith.constant -3.000000e+38 : f32
    %broadcast_in_dim3A_78 = vector.broadcast %jit3A_77 : f32 to vector<512x192xf32>
    %select_n3A_79 = arith.select %eq3A_76, %dot_general3A_33, %broadcast_in_dim3A_78 : vector<512x192xi1>, vector<512x192xf32>
    %reduce_max3A_80 = arith.constant dense<0xFF800000> : vector<512xf32>
    %reduce_max3A_81 = vector.multi_reduction <maximumf>, %select_n3A_79, %reduce_max3A_80 [1] : vector<512x192xf32> to vector<512xf32>
    %broadcast_in_dim3A_82 = vector.shape_cast %reduce_max3A_81 : vector<512xf32> to vector<512x1xf32>
    %eq3A_83 = arith.constant 0 : i32
    %eq3A_84 = vector.broadcast %eq3A_83 : i32 to vector<512x192xi32>
    %eq3A_85 = arith.cmpi eq, %select_n3A, %eq3A_84 : vector<512x192xi32>
    %eq3A_86 = arith.constant 1 : i32
    %eq3A_87 = vector.broadcast %eq3A_86 : i32 to vector<512x192xi32>
    %eq3A_88 = arith.cmpi eq, %select_n3A, %eq3A_87 : vector<512x192xi32>
    %broadcast_in_dim3A_89 = vector.shape_cast %broadcast_in_dim3A_73 : vector<512x1xf32> to vector<512x1xf32>
    %broadcast_in_dim3A_90 = vector.broadcast %broadcast_in_dim3A_89 : vector<512x1xf32> to vector<512x192xf32>
    %broadcast_in_dim3A_91 = vector.shape_cast %broadcast_in_dim3A_82 : vector<512x1xf32> to vector<512x1xf32>
    %broadcast_in_dim3A_92 = vector.broadcast %broadcast_in_dim3A_91 : vector<512x1xf32> to vector<512x192xf32>
    %select_n3A_93 = arith.select %eq3A_88, %broadcast_in_dim3A_90, %broadcast_in_dim3A_92 : vector<512x192xi1>, vector<512x192xf32>
    %broadcast_in_dim3A_94 = vector.shape_cast %broadcast_in_dim3A_64 : vector<512x1xf32> to vector<512x1xf32>
    %broadcast_in_dim3A_95 = vector.broadcast %broadcast_in_dim3A_94 : vector<512x1xf32> to vector<512x192xf32>
    %select_n3A_96 = arith.select %eq3A_85, %broadcast_in_dim3A_95, %select_n3A_93 : vector<512x192xi1>, vector<512x192xf32>
    %sub3A_97 = arith.subf %dot_general3A_33, %select_n3A_96 : vector<512x192xf32>
    %exp3A = math.exp %sub3A_97 : vector<512x192xf32>
    %eq3A_98 = arith.constant 0 : i32
    %eq3A_99 = vector.broadcast %eq3A_98 : i32 to vector<512x192xi32>
    %eq3A_100 = arith.cmpi eq, %select_n3A, %eq3A_99 : vector<512x192xi32>
    %jit3A_101 = arith.constant 0.000000e+00 : f32
    %broadcast_in_dim3A_102 = vector.broadcast %jit3A_101 : f32 to vector<512x192xf32>
    %select_n3A_103 = arith.select %eq3A_100, %exp3A, %broadcast_in_dim3A_102 : vector<512x192xi1>, vector<512x192xf32>
    %reduce_sum3A = arith.constant dense<0.000000e+00> : vector<512xf32>
    %reduce_sum3A_104 = vector.multi_reduction <add>, %select_n3A_103, %reduce_sum3A [1] : vector<512x192xf32> to vector<512xf32>
    %broadcast_in_dim3A_105 = vector.shape_cast %reduce_sum3A_104 : vector<512xf32> to vector<512x1xf32>
    %eq3A_106 = arith.constant 1 : i32
    %eq3A_107 = vector.broadcast %eq3A_106 : i32 to vector<512x192xi32>
    %eq3A_108 = arith.cmpi eq, %select_n3A, %eq3A_107 : vector<512x192xi32>
    %jit3A_109 = arith.constant 0.000000e+00 : f32
    %broadcast_in_dim3A_110 = vector.broadcast %jit3A_109 : f32 to vector<512x192xf32>
    %select_n3A_111 = arith.select %eq3A_108, %exp3A, %broadcast_in_dim3A_110 : vector<512x192xi1>, vector<512x192xf32>
    %reduce_sum3A_112 = arith.constant dense<0.000000e+00> : vector<512xf32>
    %reduce_sum3A_113 = vector.multi_reduction <add>, %select_n3A_111, %reduce_sum3A_112 [1] : vector<512x192xf32> to vector<512xf32>
    %broadcast_in_dim3A_114 = vector.shape_cast %reduce_sum3A_113 : vector<512xf32> to vector<512x1xf32>
    %eq3A_115 = arith.constant 2 : i32
    %eq3A_116 = vector.broadcast %eq3A_115 : i32 to vector<512x192xi32>
    %eq3A_117 = arith.cmpi eq, %select_n3A, %eq3A_116 : vector<512x192xi32>
    %jit3A_118 = arith.constant 0.000000e+00 : f32
    %broadcast_in_dim3A_119 = vector.broadcast %jit3A_118 : f32 to vector<512x192xf32>
    %select_n3A_120 = arith.select %eq3A_117, %exp3A, %broadcast_in_dim3A_119 : vector<512x192xi1>, vector<512x192xf32>
    %reduce_sum3A_121 = arith.constant dense<0.000000e+00> : vector<512xf32>
    %reduce_sum3A_122 = vector.multi_reduction <add>, %select_n3A_120, %reduce_sum3A_121 [1] : vector<512x192xf32> to vector<512xf32>
    %broadcast_in_dim3A_123 = vector.shape_cast %reduce_sum3A_122 : vector<512xf32> to vector<512x1xf32>
    %eq3A_124 = arith.constant 0 : i32
    %eq3A_125 = vector.broadcast %eq3A_124 : i32 to vector<512x192xi32>
    %eq3A_126 = arith.cmpi eq, %select_n3A, %eq3A_125 : vector<512x192xi32>
    %eq3A_127 = arith.constant 1 : i32
    %eq3A_128 = vector.broadcast %eq3A_127 : i32 to vector<512x192xi32>
    %eq3A_129 = arith.cmpi eq, %select_n3A, %eq3A_128 : vector<512x192xi32>
    %broadcast_in_dim3A_130 = vector.shape_cast %broadcast_in_dim3A_114 : vector<512x1xf32> to vector<512x1xf32>
    %broadcast_in_dim3A_131 = vector.broadcast %broadcast_in_dim3A_130 : vector<512x1xf32> to vector<512x192xf32>
    %broadcast_in_dim3A_132 = vector.shape_cast %broadcast_in_dim3A_123 : vector<512x1xf32> to vector<512x1xf32>
    %broadcast_in_dim3A_133 = vector.broadcast %broadcast_in_dim3A_132 : vector<512x1xf32> to vector<512x192xf32>
    %select_n3A_134 = arith.select %eq3A_129, %broadcast_in_dim3A_131, %broadcast_in_dim3A_133 : vector<512x192xi1>, vector<512x192xf32>
    %broadcast_in_dim3A_135 = vector.shape_cast %broadcast_in_dim3A_105 : vector<512x1xf32> to vector<512x1xf32>
    %broadcast_in_dim3A_136 = vector.broadcast %broadcast_in_dim3A_135 : vector<512x1xf32> to vector<512x192xf32>
    %select_n3A_137 = arith.select %eq3A_126, %broadcast_in_dim3A_136, %select_n3A_134 : vector<512x192xi1>, vector<512x192xf32>
    %div3A_138 = arith.divf %exp3A, %select_n3A_137 : vector<512x192xf32>
    %convert_element_type3A_139 = arith.truncf %get3A_18 : vector<1x512xf32> to vector<1x512xbf16>
    %convert_element_type3A_140 = arith.truncf %div3A_138 : vector<512x192xf32> to vector<512x192xbf16>
    %dot_general3A_141 = arith.constant dense<0.000000e+00> : vector<1x192xf32>
    %dot_general3A_142 = tpu.matmul %convert_element_type3A_139, %convert_element_type3A_140, %dot_general3A_141 {dimension_numbers = #tpu.dot_dimension_numbers<[1], [0], [0], [1], [0, 0, 1, 1], [], []>, transpose_lhs_hint = false} : vector<1x512xbf16>, vector<512x192xbf16>, vector<1x192xf32> -> vector<1x192xf32>
    %get3A_143 = arith.constant 0 : index
    %get3A_144 = arith.constant 0 : index
    %get3A_145 = arith.constant 0 : index
    %get3A_146 = vector.load %arg7[%get3A_143, %get3A_144, %get3A_145] : memref<1x1x192xf32, #tpu.memory_space<vmem>>, vector<1x1x192xf32>
    %get3A_147 = vector.shape_cast %get3A_146 : vector<1x1x192xf32> to vector<1x192xf32>
    %add3A_148 = arith.addf %get3A_147, %dot_general3A_142 : vector<1x192xf32>
    %swap3A = arith.constant 0 : index
    %swap3A_149 = arith.constant 0 : index
    %swap3A_150 = arith.constant 0 : index
    %swap3A_151 = vector.load %arg7[%swap3A, %swap3A_149, %swap3A_150] : memref<1x1x192xf32, #tpu.memory_space<vmem>>, vector<1x1x192xf32>
    %swap3A_152 = vector.shape_cast %swap3A_151 : vector<1x1x192xf32> to vector<1x192xf32>
    %swap3A_153 = vector.shape_cast %add3A_148 : vector<1x192xf32> to vector<1x1x192xf32>
    tpu.vector_store %arg7[%swap3A, %swap3A_149, %swap3A_150], %swap3A_153 {strides = array<i32>} : memref<1x1x192xf32, #tpu.memory_space<vmem>>, vector<1x1x192xf32>,
    return
  }
  func.func @transform_0(%arg0: i32, %arg1: i32) -> (i32, i32, i32) {
    %c0_i32 = arith.constant 0 : i32
    %c0_i32_0 = arith.constant 0 : i32
    return %arg0, %arg1, %c0_i32 : i32, i32, i32
  }
  func.func @transform_1(%arg0: i32, %arg1: i32) -> (i32, i32, i32, i32) {
    %c0_i32 = arith.constant 0 : i32
    %c0_i32_0 = arith.constant 0 : i32
    %c0_i32_1 = arith.constant 0 : i32
    return %arg0, %arg1, %c0_i32, %c0_i32_0 : i32, i32, i32, i32
  }
  func.func @transform_2(%arg0: i32, %arg1: i32) -> (i32, i32) {
    %c0_i32 = arith.constant 0 : i32
    %c0_i32_0 = arith.constant 0 : i32
    %c0_i32_1 = arith.constant 0 : i32
    return %c0_i32, %c0_i32_0 : i32, i32
  }
  func.func @transform_3(%arg0: i32, %arg1: i32) -> (i32, i32) {
    %c0_i32 = arith.constant 0 : i32
    %c0_i32_0 = arith.constant 0 : i32
    %c0_i32_1 = arith.constant 0 : i32
    return %c0_i32, %c0_i32_0 : i32, i32
  }
  func.func @transform_4(%arg0: i32, %arg1: i32) -> (i32, i32) {
    %c0_i32 = arith.constant 0 : i32
    %c0_i32_0 = arith.constant 0 : i32
    %c0_i32_1 = arith.constant 0 : i32
    return %c0_i32, %c0_i32_0 : i32, i32
  }
  func.func @transform_5(%arg0: i32, %arg1: i32) -> (i32, i32, i32) {
    %c0_i32 = arith.constant 0 : i32
    %c0_i32_0 = arith.constant 0 : i32
    %c0_i32_1 = arith.constant 0 : i32
    return %arg0, %c0_i32, %c0_i32_0 : i32, i32, i32
  }
}

</mosaic_0001>

<sc_bundles>
// kernel: kernel.4.cloned.1.call-start
scs
__scs_entry_jumppad:
0x0: {  	(pc) =	sbr.rel $0x88, $3  }
0x1: {  	(tag) =	ssettag $0x0;
	lr =	simm.s32 $0x1  }
0x2: {  	[smem:$0x3F9C] =	sst lr;
	_ =	strace $0xD0000000  }
0x3: {  	_ = 	snop  }
0x4: {  	_ = 	snop  }
0x5: {  	_ = 	snop  }
0x6: {  	_ = 	snop  }
0x7: {  	_ = 	snop  }
__scs_overlays_trampoline_lowered:
0x8: {  	[smem:$0x3FAB] =	sst s0  }
0x9: {  	[smem:$0x3FAC] =	sst s1  }
0xa: {  	[smem:$0x3FAD] =	sst s2  }
0xb: {  	[smem:$0x3FAE] =	sst s3  }
0xc: {  	[smem:$0x3FAF] =	sst s4  }
0xd: {  	[smem:$0x3FB0] =	sst s5  }
0xe: {  	[smem:$0x3FB1] =	sst s6  }
0xf: {  	[smem:$0x3FB2] =	sst s7  }
0x10: {  	[smem:$0x3FB3] =	sst s8  }
0x11: {  	[smem:$0x3FB4] =	sst s9;
	s0 =	simm.s32 @!p0 $0x0  }
0x12: {  	s1 =	sld [smem:$0x3F9A];
	s0 =	simm.s32 @p0 $0x1  }
0x13: {  	[smem:$0x3FB5] =	sst s0;
	s0 =	simm.s32 @!p1 $0x0  }
0x14: {  	s2 =	sld [smem:$0x3F99];
	s0 =	simm.s32 @p1 $0x1  }
0x15: {  	[smem:$0x3FB6] =	sst s0;
	s0 =	simm.s32 @!p2 $0x0  }
0x16: {  	s3 =	sld [smem:$0x3FDB];
	s0 =	simm.s32 @p2 $0x1  }
0x17: {  	s4 =	simm.s32 $0x1BF5;
	[smem:$0x3FB8] =	sst s0  }
0x18: {  	s0 =	sld [smem:$0x3F9B];
	_ =	swait.ge [sflag:s4], $0x0  }
0x19: {  	s7 =	sld [smem:$0x3F9C]  }
0x1a: {  	s8 =	sadd.s32 $0xFFFFE003, lr  }
0x1b: {  	s9 =	sadd.s32 $0xFFFFFEF7, lr;
	s5 =	simm.s32 $0xFFFFFFFF;
	p2 =	slt.u32 s8, $0xFFFFF086  }
0x1c: {  	p1 =	slt.u32 s9, $0xF7A;
	s5 =	simm.s32 @!p2 $0x0  }
0x1d: {  	s5 =	simm.s32 @p1 $0x1;
	p0 =	seq.s32 s7, s2  }
0x1e: {  	s7 =	smul.u32 @!p0 $0xF7A, s2;
	p2 =	seq.s32 @!p0 s5, $0x0  }
0x1f: {  	s9 =	smul.u32 $0xF7A, s1;
	s8 =	simm.s32 @!p0 $0x1BF5;
	p2 =	por !p2, p0  }
0x20: {  	[sflag:s8] =	ssyncset.s32 @!p0 $0xFFFFF086;
	s6 =	sadd.s32 @!p0 s3, s7;
	s7 =	simm.s32 @!p0 $0x108  }
0x21: {  	s3 =	sadd.s32 s3, s9;
	s6 =	sadd.s32 @!p0 $0x88, s6;
	s7 =	simm.s32 @p2 $0x1082  }
0x22: {  	[simem:s7], [sflag:s8] =	dma.local @!p0 [hbm:s6], $0xF7A  }
0x23: {  	s9 =	sor.u32 $0xD0000000, s2;
	s6 =	simm.s32 $0x108;
	_ =	swait.ge @!p0 [sflag:s8], $0x0  }
0x24: {  	s3 =	sadd.s32 $0x88, s3;
	s6 =	simm.s32 @!p1 $0x1082;
	[sflag:s4] =	ssyncset.s32 $0xFFFFF086  }
0x25: {  	[simem:s6], [sflag:s4] =	dma.local [hbm:s3], $0xF7A  }
0x26: {  	[smem:$0x3F9C] =	sst s1;
	(tag) =	ssettag s2;
	_ =	strace s9  }
0x27: {  	s1 =	sld [smem:$0x3FAC]  }
0x28: {  	s2 =	sld [smem:$0x3FAD]  }
0x29: {  	s4 =	sld [smem:$0x3FAF]  }
0x2a: {  	p0 =	seq.s32 s5, $0x0;
	s5 =	sld [smem:$0x3FB0]  }
0x2b: {  	s6 =	sld [smem:$0x3FB1]  }
0x2c: {  	s7 =	sld [smem:$0x3FB2]  }
0x2d: {  	s3 =	simm.s32 $0x108;
	s8 =	sld [smem:$0x3FB3]  }
0x2e: {  	s3 =	simm.s32 @!p0 $0x1082;
	s9 =	sld [smem:$0x3FB4]  }
0x2f: {  	lr =	sadd.s32 s0, s3;
	s0 =	sld [smem:$0x3FAB]  }
0x30: {  	s3 =	sld [smem:$0x3FAE]  }
0x31: {  	[smem:$0x3FB7] =	sst s10  }
0x32: {  	s10 =	sld [smem:$0x3FB5];
	_ =	sdelay $0x3  }
0x33: {  	p0 =	seq.s32 s10, $0x1;
	s10 =	sld [smem:$0x3FB7];
	_ =	sdelay $0x3  }
0x34: {  	[smem:$0x3FB7] =	sst s10  }
0x35: {  	s10 =	sld [smem:$0x3FB6];
	_ =	sdelay $0x3  }
0x36: {  	p1 =	seq.s32 s10, $0x1;
	s10 =	sld [smem:$0x3FB7];
	_ =	sdelay $0x3  }
0x37: {  	[smem:$0x3FB7] =	sst s10  }
0x38: {  	s10 =	sld [smem:$0x3FB8]  }
0x39: {  	_ = 	snop;
	(pc) =	sbr.ind lr, $3  }
0x3a: {  	_ = 	snop  }
0x3b: {  	_ = 	snop  }
0x3c: {  	p2 =	seq.s32 s10, $0x1;
	s10 =	sld [smem:$0x3FB7]  }
0x3d: {  	_ =	shalt  }
0x3e: {  	_ =	shalt  }
0x3f: {  	_ =	shalt  }
0x40: {  	_ =	shalt  }
0x41: {  	_ =	shalt  }
0x42: {  	_ =	shalt  }
0x43: {  	_ =	shalt  }
0x44: {  	_ =	shalt  }
0x45: {  	_ =	shalt  }
0x46: {  	_ =	shalt  }
0x47: {  	_ =	shalt  }
0x48: {  	_ =	shalt  }
0x49: {  	_ =	shalt  }
0x4a: {  	_ =	shalt  }
0x4b: {  	_ =	shalt  }
0x4c: {  	_ =	shalt  }
0x4d: {  	_ =	shalt  }
0x4e: {  	_ =	shalt  }
0x4f: {  	_ =	shalt  }
0x50: {  	_ =	shalt  }
0x51: {  	_ =	shalt  }
0x52: {  	_ =	shalt  }
0x53: {  	_ =	shalt  }
0x54: {  	_ =	shalt  }
0x55: {  	_ =	shalt  }
0x56: {  	_ =	shalt  }
0x57: {  	_ =	shalt  }
0x58: {  	_ =	shalt  }
0x59: {  	_ =	shalt  }
0x5a: {  	_ =	shalt  }
0x5b: {  	_ =	shalt  }
0x5c: {  	_ =	shalt  }
0x5d: {  	_ =	shalt  }
0x5e: {  	_ =	shalt  }
0x5f: {  	_ =	shalt  }
0x60: {  	_ =	shalt  }
0x61: {  	_ =	shalt  }
0x62: {  	_ =	shalt  }
0x63: {  	_ =	shalt  }
0x64: {  	_ =	shalt  }
0x65: {  	_ =	shalt  }
0x66: {  	_ =	shalt  }
0x67: {  	_ =	shalt  }
0x68: {  	_ =	shalt  }
0x69: {  	_ =	shalt  }
0x6a: {  	_ =	shalt  }
0x6b: {  	_ =	shalt  }
0x6c: {  	_ =	shalt  }
0x6d: {  	_ =	shalt  }
0x6e: {  	_ =	shalt  }
0x6f: {  	_ =	shalt  }
0x70: {  	_ =	shalt  }
0x71: {  	_ =	shalt  }
0x72: {  	_ =	shalt  }
0x73: {  	_ =	shalt  }
0x74: {  	_ =	shalt  }
0x75: {  	_ =	shalt  }
0x76: {  	_ =	shalt  }
0x77: {  	_ =	shalt  }
0x78: {  	_ =	shalt  }
0x79: {  	_ =	shalt  }
0x7a: {  	_ =	shalt  }
0x7b: {  	_ =	shalt  }
0x7c: {  	_ =	shalt  }
0x7d: {  	_ =	shalt  }
0x7e: {  	_ =	shalt  }
0x7f: {  	_ =	shalt  }
0x80: {  	_ =	shalt  }
0x81: {  	_ =	shalt  }
0x82: {  	_ =	shalt  }
0x83: {  	_ =	shalt  }
0x84: {  	_ =	shalt  }
0x85: {  	_ =	shalt  }
0x86: {  	_ =	shalt  }
0x87: {  	_ =	shalt  }
.Lfunc_end0:
.L_simem_size_0:
called_computation_lowered:
.L_overlay_start_0:
0x88: {  	s0 =	sld [smem:$0x3FD9]  }
0x89: {  	s1 =	sld [smem:$0x3FFE];
	_ =	sdelay $0x3  }
0x8a: {  	s0 =	sadd.s32 s1, s0  }
0x8b: {  	[smem:$0x3FC3] =	sst s0  }
0x8c: {  	_ = 	snop  }
0x8d: {  	s0 =	sld [smem:$0x3FD0];
	_ =	sdelay $0x2  }
0x8e: {  	s13 =	simm.s32 $0xA;
	s2 =	simm.s32 $0x10  }
0x8f: {  	[smem:s2], [sflag:s13] =	dma.local [hbm:s0], $0x1  }
0x90: {  	_ =	swait.eq [sflag:s13], $0x1  }
0x91: {  	[sflag:s13] =	ssyncset.done $0x0  }
0x92: {  	s14 =	sld [smem:$0x12];
	[sflag:s13] =	ssyncadd.s32 $0xFFFFFFFF  }
0x93: {  	s15 =	sld [smem:$0x13];
	(tm) =	ssettm $0x1  }
0x94: {  	s16 =	sld [smem:$0x3FFB];
	_ =	sdelay $0x3  }
0x95: {  	_ =	strace s16  }
0x96: {  	s2 =	sld [smem:$0x3FFC];
	_ =	sdelay $0x3  }
0x97: {  	_ =	strace s2  }
0x98: {  	s2 =	sld [smem:$0x3FFD];
	_ =	sdelay $0x3  }
0x99: {  	_ =	strace s2  }
0x9a: {  	_ =	strace $0x8FFFFFFF  }
0x9b: {  	s17 =	sld [smem:$0x3FDB];
	_ =	sdelay $0x1  }
0x9c: {  	s3 =	simm.s32 $_scs_section_size  }
0x9d: {  	s4 =	simm.s32 $_size__tile_overlayer_lowered;
	s5 =	simm.s32 $_tile_overlayer_lowered  }
0x9e: {  	s20 =	simm.s32 $0x1BFF;
	s19 =	sshll.u32 s5, $0x1;
	s2 =	sadd.s32 s3, s17  }
0x9f: {  	s6 =	simm.s32 $0x0;
	s18 =	sshll.u32 s4, $0x1;
	s4 =	sadd.s32 s19, s2  }
0xa0: {  	[timem:s6], [sflag:s20] =	dma.local [hbm:s4], s18  }
0xa1: {  	_ =	swait.ge [sflag:s20], s18  }
0xa2: {  	s3 =	ssub.s32 $0x0, s18;
	[sflag:s20] =	ssyncset.done $0x0  }
0xa3: {  	[sflag:s20] =	ssyncadd.s32 s3;
	_ =	sdelay $0x1  }
0xa4: {  	s21 =	simm.s32 $0x1B8B  }
0xa5: {  	_ =	swait.ge [sflag:s21], $0x1  }
0xa6: {  	[sflag:s21] =	ssyncset.done $0x0  }
0xa7: {  	s23 =	simm.s32 $0x1B8E;
	s22 =	sld [smem:$0x3FFE];
	[sflag:s21] =	ssyncadd.s32 $0xFFFFFFFF  }
0xa8: {  	s24 =	simm.s32 $execute0_lowered;
	[smem:$0x3FD2] =	sst s23  }
0xa9: {  	s4 =	sshll.u32 s24, $0x1;
	_ =	strace $0x80000046;
	[dreg:$0x1] =	wrdreg $0xFFFFFFFF  }
0xaa: {  	s25 =	simm.s32 $_size_execute0_lowered;
	s2 =	sadd.s32 s2, s4;
	[dreg:$0x0] =	wrdreg $0x0  }
0xab: {  	s4 =	sshll.u32 s25, $0x1;
	[dreg:$0x2] =	wrdreg s2  }
0xac: {  	[dreg:$0x3] =	wrdreg s4  }
0xad: {  	[dreg:$0x4] =	wrdreg $0xC0  }
0xae: {  	_ =	task [dreg:s6], $0x5FFFF  }
0xaf: {  	[dreg:$0x1] =	wrdreg $0xFFFFFFFF  }
0xb0: {  	[dreg:$0x0] =	wrdreg $0x60  }
0xb1: {  	[dreg:$0x2] =	wrdreg s22  }
0xb2: {  	[dreg:$0x3] =	wrdreg s15  }
0xb3: {  	[dreg:$0x4] =	wrdreg s14  }
0xb4: {  	[dreg:$0x5] =	wrdreg $0x9  }
0xb5: {  	_ =	task.clear_ibuf [dreg:s6], $0x6FFFF;
	_ =	strace $0x90000046  }
0xb6: {  	s26 =	simm.s32 $0x9;
	_ =	strace $0x80000048  }
0xb7: {  	_ =	swait.ge [sflag:s26], $0x1  }
0xb8: {  	[sflag:s26] =	ssyncadd.s32 $0xFFFFFFFF  }
0xb9: {  	_ =	strace $0x90000048  }
0xba: {  	_ =	sfence  }
0xbb: {  	s28 =	sld [smem:$0x0];
	_ =	sdelay $0x1  }
0xbc: {  	s29 =	srdreg.scid  }
0xbd: {  	s30 =	sshll.u32 s29, $0xD;
	s31 =	sshrl.u32 s29, $0x2  }
0xbe: {  	s1 =	sand.u32 $0x1, s29;
	s2 =	sand.u32 $0x4000, s30;
	s0 =	sadd.s32 s31, s28  }
0xbf: {  	s1 =	sor.u32 s2, s1;
	s0 =	sshll.u32 s0, $0x11  }
0xc0: {  	s0 =	sor.u32 s0, s1  }
0xc1: {  	s0 =	sadd.s32 $0x8F2B, s0  }
0xc2: {  	[sflag:s0] =	ssyncadd.remote.s32 $0x1  }
0xc3: {  	_ =	sfence.sel $0xFFFF  }
0xc4: {  	[dreg:$0x0] =	wrdreg $0xFFFFFFFF;
	(pc) =	sbr.abs _section_cstart, $3  }
0xc5: {  	[dreg:$0x1] =	wrdreg $0xFFFFFFFF  }
0xc6: {  	_ =	task.clear_ibuf [dreg:s6], $0x2FFFF;
	_ =	strace $0x9FFFFFFF  }
0xc7: {  	(tm) =	ssettm $0x7FFFFFFF  }
tec
execute0_lowered:
.L_overlay_start_1:
0x0: {  	(tag) =	ssettag $0x1  }
0x1: {  	s0 =	stileid.u32  }
0x2: {  	s2 =	rddreg [dreg:$0x0];
	s7 =	stileid.u32;
	p0 =	slt.u32 s0, $0xC  }
0x3: {  	s5 =	rddreg [dreg:$0x1];
	s7 =	simm.s32 @!p0 $0x0  }
0x4: {  	s6 =	rddreg [dreg:$0x2];
	s3 =	simm.s32 $0x0;
	s4 =	sshll.u32 s7, $0x3  }
0x5: {  	[smem:$0x7FF] =	sst s3;
	s4 =	sadd.s32 s4, s2  }
0x6: {  	s1 =	rddreg [dreg:$0x3];
	_ =	strace $0x80000047;
	s4 =	sadd.s32 $0x600, s4  }
0x7: {  	[tilespmem:s3], [sflag:$0x1] =	stream.linear.gather [hbm4b:s4+s3], $0x40, $0x38;
	[tilespmem:$0x80] =	vst v63  }
0x8: {  	s4 =	simm.s32 $0x1  }
0x9: {  	_ =	swait.ge [sflag:s4], $0x40  }
0xa: {  	[sflag:s4] =	ssyncset.done $0x0  }
0xb: {  	[sflag:s4] =	ssyncadd.s32 $0xFFFFFFC0  }
0xc: {  	v10 =	vld [tilespmem:$0x0]  }
0xd: {  	v9 =	vld [tilespmem:$0x10]  }
0xe: {  	v2 =	vimm.s32 $0xEFCDAB89;
	v3 =	vimm.s32 $0x67452301  }
0xf: {  	v5 =	vunpack.c.l.s4.s8 v2;
	v3 =	vunpack.c.l.s4.s8 v3;
	v6 =	vld [tilespmem:$0x20];
	_ =	sdelay $0x1  }
0x10: {  	v1 =	vlaneseq.u32;
	v5 =	vunpack.c.0.s8.s32 v5;
	v3 =	vunpack.c.0.s8.s32 v3;
	v7 =	vld [tilespmem:$0x30]  }
0x11: {  	v52 =	vimm.s32 $0xDCFE98BA;
	v12 =	vimm.s32 $0x54761032;
	vm0 =	vgt.f32 v9, v10  }
0x12: {  	v0 =	vor.u32 $0x10, v1;
	v3 =	vcombine.low v3, v5;
	v4 =	vsel vm0, v9, v10  }
0x13: {  	v2 =	vor.u32 $0x20, v1;
	v12 =	vunpack.c.l.s4.s8 v12;
	vm8 =	vgt.f32 v6, v4  }
0x14: {  	v3 =	vand.u32 $0xF, v3;
	v8 =	vsel vm0, v0, v1;
	v11 =	vsel vm8, v6, v4  }
0x15: {  	v8 =	vsel vm8, v2, v8;
	v4 =	vor.u32 $0x30, v1;
	vm9 =	vgt.f32 v7, v11  }
0x16: {  	v8 =	vsel vm9, v4, v8;
	v51 =	vsel vm9, v7, v11;
	v11 =	vunpack.c.l.s4.s8 v52  }
0x17: {  	v13 =	vperm.xlane v51, v3;
	v14 =	vperm.xlane v8, v3  }
0x18: {  	v12 =	vunpack.c.0.s8.s32 v12;
	v11 =	vunpack.c.0.s8.s32 v11  }
0x19: {  	vm0 =	vgt.f32 v13, v51;
	vm1 =	vne.f32 v13, v51;
	vm2 =	vge.s32 v14, v8  }
0x1a: {  	vm0 =	vmneg vm0;
	vm1 =	vmor vm1, vm2  }
0x1b: {  	v54 =	vimm.s32 $0xBA98FEDC;
	v11 =	vcombine.low v12, v11;
	vm0 =	vmand vm0, vm1  }
0x1c: {  	v55 =	vimm.s32 $0x32107654;
	v8 =	vsel vm0, v8, v14;
	v53 =	vsel vm0, v51, v13  }
0x1d: {  	v5 =	vand.u32 $0xF, v11;
	v13 =	vunpack.c.l.s4.s8 v54;
	v14 =	vunpack.c.l.s4.s8 v55  }
0x1e: {  	v11 =	vperm.xlane v53, v5;
	v15 =	vperm.xlane v8, v5  }
0x1f: {  	v13 =	vunpack.c.0.s8.s32 v13;
	v14 =	vunpack.c.0.s8.s32 v14  }
0x20: {  	vm0 =	vgt.f32 v11, v53;
	vm10 =	vne.f32 v11, v53;
	vm11 =	vge.s32 v15, v8  }
0x21: {  	vm0 =	vmneg vm0;
	vm1 =	vmor vm10, vm11  }
0x22: {  	v57 =	vimm.s32 $0xFEDCBA98;
	v13 =	vcombine.low v14, v13;
	vm0 =	vmand vm0, vm1  }
0x23: {  	v58 =	vimm.s32 $0x76543210;
	v56 =	vsel vm0, v8, v15;
	v12 =	vsel vm0, v53, v11  }
0x24: {  	v8 =	vand.u32 $0xF, v13;
	v11 =	vunpack.c.l.s4.s8 v57;
	v15 =	vunpack.c.l.s4.s8 v58  }
0x25: {  	v13 =	vperm.xlane v12, v8;
	v16 =	vperm.xlane v56, v8  }
0x26: {  	v11 =	vunpack.c.0.s8.s32 v11;
	v15 =	vunpack.c.0.s8.s32 v15  }
0x27: {  	vm0 =	vgt.f32 v13, v12;
	vm12 =	vne.f32 v13, v12;
	vm13 =	vge.s32 v16, v56  }
0x28: {  	vm0 =	vmneg vm0;
	vm1 =	vmor vm12, vm13;
	v11 =	vand.u32 $0xF, v11  }
0x29: {  	vm0 =	vmand vm0, vm1;
	v11 =	vcombine.low v11, v15  }
0x2a: {  	v14 =	vsel vm0, v56, v16;
	v12 =	vsel vm0, v12, v13  }
0x2b: {  	v13 =	vperm.xlane v12, v11;
	v15 =	vperm.xlane v14, v11;
	_ =	sdelay $0x1  }
0x2c: {  	vm0 =	vgt.f32 v13, v12;
	vm14 =	vne.f32 v13, v12;
	vm15 =	vge.s32 v15, v14  }
0x2d: {  	vm0 =	vmneg vm0;
	vm1 =	vmor vm14, vm15  }
0x2e: {  	vm0 =	vmand vm0, vm1  }
0x2f: {  	v60 =	vimm.s32 $0x0;
	v59 =	vsel vm0, v14, v15  }
0x30: {  	v61 =	vimm.s32 $0x0;
	v39 =	vimm.s32 $0x0;
	vm4 =	veq.s32 v59, v1  }
0x31: {  	vm0 =	veq.s32 v59, v0;
	vm5 =	veq.s32 v59, v2;
	v12 =	vsel vm4, $0xFFFFFFFF, v60  }
0x32: {  	v62 =	vsel vm4, $0xFF61B1E6, v10;
	v63 =	vsel vm0, $0xFF61B1E6, v9;
	[tilespmem:$0x1FF10] =	vst v12;
	v12 =	vsel vm0, $0xFFFFFFFF, v61  }
0x33: {  	v41 =	vimm.s32 $0x0;
	vm0 =	vgt.f32 v63, v62;
	[tilespmem:$0x1FF20] =	vst v12;
	v12 =	vsel vm5, $0xFFFFFFFF, v39  }
0x34: {  	vm6 =	veq.s32 v59, v4;
	v40 =	vsel vm0, v63, v62;
	[tilespmem:$0x1FF40] =	vst v12;
	v12 =	vsel vm5, $0xFF61B1E6, v6  }
0x35: {  	v13 =	vsel vm6, $0xFFFFFFFF, v41;
	vm1 =	vgt.f32 v12, v40  }
0x36: {  	[tilespmem:$0x1FF50] =	vst v13;
	v13 =	vsel vm6, $0xFF61B1E6, v7;
	v17 =	vsel vm0, v0, v1;
	v16 =	vsel vm1, v12, v40  }
0x37: {  	v17 =	vsel vm1, v2, v17;
	vm7 =	vgt.f32 v13, v16  }
0x38: {  	v17 =	vsel vm7, v4, v17;
	v16 =	vsel vm7, v13, v16  }
0x39: {  	v18 =	vperm.xlane v16, v3;
	v19 =	vperm.xlane v17, v3;
	_ =	sdelay $0x1  }
0x3a: {  	vm0 =	vgt.f32 v18, v16;
	vm8 =	vne.f32 v18, v16;
	vm9 =	vge.s32 v19, v17  }
0x3b: {  	vm0 =	vmneg vm0;
	vm1 =	vmor vm8, vm9  }
0x3c: {  	vm0 =	vmand vm0, vm1  }
0x3d: {  	v17 =	vsel vm0, v17, v19;
	v16 =	vsel vm0, v16, v18  }
0x3e: {  	v18 =	vperm.xlane v16, v5;
	v19 =	vperm.xlane v17, v5;
	_ =	sdelay $0x1  }
0x3f: {  	vm0 =	vgt.f32 v18, v16;
	vm10 =	vne.f32 v18, v16;
	vm11 =	vge.s32 v19, v17  }
0x40: {  	vm0 =	vmneg vm0;
	vm1 =	vmor vm10, vm11  }
0x41: {  	vm0 =	vmand vm0, vm1  }
0x42: {  	v17 =	vsel vm0, v17, v19;
	v16 =	vsel vm0, v16, v18  }
0x43: {  	v18 =	vperm.xlane v16, v8;
	v19 =	vperm.xlane v17, v8;
	_ =	sdelay $0x1  }
0x44: {  	vm0 =	vgt.f32 v18, v16;
	vm12 =	vne.f32 v18, v16;
	vm13 =	vge.s32 v19, v17  }
0x45: {  	vm0 =	vmneg vm0;
	vm1 =	vmor vm12, vm13  }
0x46: {  	vm0 =	vmand vm0, vm1  }
0x47: {  	v17 =	vsel vm0, v17, v19;
	v16 =	vsel vm0, v16, v18  }
0x48: {  	v18 =	vperm.xlane v16, v11;
	v19 =	vperm.xlane v17, v11;
	_ =	sdelay $0x1  }
0x49: {  	vm0 =	vgt.f32 v18, v16;
	vm14 =	vne.f32 v18, v16;
	vm15 =	vge.s32 v19, v17  }
0x4a: {  	vm0 =	vmneg vm0;
	vm1 =	vmor vm14, vm15  }
0x4b: {  	vm0 =	vmand vm0, vm1  }
0x4c: {  	v19 =	vsel vm0, v17, v19  }
0x4d: {  	v42 =	vimm.s32 $0x0;
	vm0 =	veq.s32 v19, v1  }
0x4e: {  	v43 =	vimm.s32 $0x0;
	vm15 =	veq.s32 v19, v0;
	v16 =	vsel vm0, $0xFFFFFFFF, v42  }
0x4f: {  	vm4 =	veq.s32 v19, v2;
	v17 =	vsel vm0, $0xFF61B1E6, v62;
	[tilespmem:$0x1FF30] =	vst v16;
	v16 =	vsel vm15, $0xFF61B1E6, v63  }
0x50: {  	v44 =	vimm.s32 $0x0;
	v18 =	vsel vm4, $0xFFFFFFFF, v43;
	vm0 =	vgt.f32 v16, v17  }
0x51: {  	vm5 =	veq.s32 v19, v4;
	[tilespmem:$0x1FF60] =	vst v18;
	v18 =	vsel vm4, $0xFF61B1E6, v12;
	v20 =	vsel vm0, v16, v17  }
0x52: {  	v19 =	vsel vm5, $0xFFFFFFFF, v44;
	vm1 =	vgt.f32 v18, v20  }
0x53: {  	[tilespmem:$0x1FF70] =	vst v19;
	v19 =	vsel vm5, $0xFF61B1E6, v13;
	v21 =	vsel vm0, v0, v1;
	v20 =	vsel vm1, v18, v20  }
0x54: {  	v21 =	vsel vm1, v2, v21;
	vm6 =	vgt.f32 v19, v20  }
0x55: {  	v21 =	vsel vm6, v4, v21;
	v20 =	vsel vm6, v19, v20  }
0x56: {  	v22 =	vperm.xlane v20, v3;
	v23 =	vperm.xlane v21, v3;
	_ =	sdelay $0x1  }
0x57: {  	vm0 =	vgt.f32 v22, v20;
	vm7 =	vne.f32 v22, v20;
	vm8 =	vge.s32 v23, v21  }
0x58: {  	vm0 =	vmneg vm0;
	vm1 =	vmor vm7, vm8  }
0x59: {  	vm0 =	vmand vm0, vm1  }
0x5a: {  	v21 =	vsel vm0, v21, v23;
	v20 =	vsel vm0, v20, v22  }
0x5b: {  	v22 =	vperm.xlane v20, v5;
	v23 =	vperm.xlane v21, v5;
	_ =	sdelay $0x1  }
0x5c: {  	vm0 =	vgt.f32 v22, v20;
	vm9 =	vne.f32 v22, v20;
	vm10 =	vge.s32 v23, v21  }
0x5d: {  	vm0 =	vmneg vm0;
	vm1 =	vmor vm9, vm10  }
0x5e: {  	vm0 =	vmand vm0, vm1  }
0x5f: {  	v21 =	vsel vm0, v21, v23;
	v20 =	vsel vm0, v20, v22  }
0x60: {  	v22 =	vperm.xlane v20, v8;
	v23 =	vperm.xlane v21, v8;
	_ =	sdelay $0x1  }
0x61: {  	vm0 =	vgt.f32 v22, v20;
	vm11 =	vne.f32 v22, v20;
	vm12 =	vge.s32 v23, v21  }
0x62: {  	vm0 =	vmneg vm0;
	vm1 =	vmor vm11, vm12  }
0x63: {  	vm0 =	vmand vm0, vm1  }
0x64: {  	v21 =	vsel vm0, v21, v23;
	v20 =	vsel vm0, v20, v22  }
0x65: {  	v22 =	vperm.xlane v20, v11;
	v23 =	vperm.xlane v21, v11;
	_ =	sdelay $0x1  }
0x66: {  	vm0 =	vgt.f32 v22, v20;
	vm13 =	vne.f32 v22, v20;
	vm14 =	vge.s32 v23, v21  }
0x67: {  	vm0 =	vmneg vm0;
	vm1 =	vmor vm13, vm14  }
0x68: {  	vm0 =	vmand vm0, vm1  }
0x69: {  	v23 =	vsel vm0, v21, v23  }
0x6a: {  	v45 =	vimm.s32 $0x0;
	vm4 =	veq.s32 v23, v1  }
0x6b: {  	v46 =	vimm.s32 $0x0;
	vm0 =	veq.s32 v23, v0;
	v20 =	vsel vm4, $0xFFFFFFFF, v45  }
0x6c: {  	v47 =	vimm.s32 $0x0;
	[tilespmem:$0x1FF80] =	vst v20;
	v20 =	vsel vm0, $0xFFFFFFFF, v46  }
0x6d: {  	vm5 =	veq.s32 v23, v2;
	v21 =	vsel vm0, $0xFF61B1E6, v16;
	[tilespmem:$0x1FF90] =	vst v20;
	v20 =	vsel vm4, $0xFF61B1E6, v17  }
0x6e: {  	v48 =	vimm.s32 $0x0;
	v22 =	vsel vm5, $0xFFFFFFFF, v47;
	vm0 =	vgt.f32 v21, v20  }
0x6f: {  	vm6 =	veq.s32 v23, v4;
	[tilespmem:$0x1FFA0] =	vst v22;
	v22 =	vsel vm5, $0xFF61B1E6, v18;
	v24 =	vsel vm0, v21, v20  }
0x70: {  	v23 =	vsel vm6, $0xFFFFFFFF, v48;
	vm1 =	vgt.f32 v22, v24  }
0x71: {  	[tilespmem:$0x1FFB0] =	vst v23;
	v23 =	vsel vm6, $0xFF61B1E6, v19;
	v25 =	vsel vm0, v0, v1;
	v24 =	vsel vm1, v22, v24  }
0x72: {  	v25 =	vsel vm1, v2, v25;
	vm7 =	vgt.f32 v23, v24  }
0x73: {  	v25 =	vsel vm7, v4, v25;
	v24 =	vsel vm7, v23, v24  }
0x74: {  	v26 =	vperm.xlane v24, v3;
	v27 =	vperm.xlane v25, v3;
	_ =	sdelay $0x1  }
0x75: {  	vm0 =	vgt.f32 v26, v24;
	vm8 =	vne.f32 v26, v24;
	vm9 =	vge.s32 v27, v25  }
0x76: {  	vm0 =	vmneg vm0;
	vm1 =	vmor vm8, vm9  }
0x77: {  	vm0 =	vmand vm0, vm1  }
0x78: {  	v25 =	vsel vm0, v25, v27;
	v24 =	vsel vm0, v24, v26  }
0x79: {  	v26 =	vperm.xlane v24, v5;
	v27 =	vperm.xlane v25, v5;
	_ =	sdelay $0x1  }
0x7a: {  	vm0 =	vgt.f32 v26, v24;
	vm10 =	vne.f32 v26, v24;
	vm11 =	vge.s32 v27, v25  }
0x7b: {  	vm0 =	vmneg vm0;
	vm1 =	vmor vm10, vm11  }
0x7c: {  	vm0 =	vmand vm0, vm1  }
0x7d: {  	v25 =	vsel vm0, v25, v27;
	v24 =	vsel vm0, v24, v26  }
0x7e: {  	v26 =	vperm.xlane v24, v8;
	v27 =	vperm.xlane v25, v8;
	_ =	sdelay $0x1  }
0x7f: {  	vm0 =	vgt.f32 v26, v24;
	vm12 =	vne.f32 v26, v24;
	vm13 =	vge.s32 v27, v25  }
0x80: {  	vm0 =	vmneg vm0;
	vm1 =	vmor vm12, vm13  }
0x81: {  	vm0 =	vmand vm0, vm1  }
0x82: {  	v25 =	vsel vm0, v25, v27;
	v24 =	vsel vm0, v24, v26  }
0x83: {  	v26 =	vperm.xlane v24, v11;
	v27 =	vperm.xlane v25, v11;
	_ =	sdelay $0x1  }
0x84: {  	vm0 =	vgt.f32 v26, v24;
	vm14 =	vne.f32 v26, v24;
	vm4 =	vge.s32 v27, v25  }
0x85: {  	vm0 =	vmneg vm0;
	vm1 =	vmor vm14, vm4  }
0x86: {  	vm0 =	vmand vm0, vm1  }
0x87: {  	v27 =	vsel vm0, v25, v27  }
0x88: {  	v49 =	vimm.s32 $0x0;
	vm0 =	veq.s32 v27, v1  }
0x89: {  	v50 =	vimm.s32 $0x0;
	vm5 =	veq.s32 v27, v0;
	v24 =	vsel vm0, $0xFFFFFFFF, v49  }
0x8a: {  	v51 =	vimm.s32 $0x0;
	[tilespmem:$0x1FFC0] =	vst v24;
	v24 =	vsel vm5, $0xFFFFFFFF, v50  }
0x8b: {  	vm6 =	veq.s32 v27, v2;
	v26 =	vsel vm0, $0xFF61B1E6, v20;
	[tilespmem:$0x1FFD0] =	vst v24;
	v24 =	vsel vm5, $0xFF61B1E6, v21  }
0x8c: {  	v52 =	vimm.s32 $0x0;
	v25 =	vsel vm6, $0xFFFFFFFF, v51;
	vm0 =	vgt.f32 v24, v26  }
0x8d: {  	vm7 =	veq.s32 v27, v4;
	[tilespmem:$0x1FFE0] =	vst v25;
	v25 =	vsel vm6, $0xFF61B1E6, v22;
	v28 =	vsel vm0, v24, v26  }
0x8e: {  	v27 =	vsel vm7, $0xFFFFFFFF, v52;
	vm1 =	vgt.f32 v25, v28  }
0x8f: {  	[tilespmem:$0x1FFF0] =	vst v27;
	v27 =	vsel vm7, $0xFF61B1E6, v23;
	v29 =	vsel vm0, v0, v1;
	v28 =	vsel vm1, v25, v28  }
0x90: {  	v29 =	vsel vm1, v2, v29;
	vm8 =	vgt.f32 v27, v28  }
0x91: {  	v29 =	vsel vm8, v4, v29;
	v28 =	vsel vm8, v27, v28  }
0x92: {  	v30 =	vperm.xlane v28, v3;
	v31 =	vperm.xlane v29, v3;
	_ =	sdelay $0x1  }
0x93: {  	vm0 =	vgt.f32 v30, v28;
	vm9 =	vne.f32 v30, v28;
	vm10 =	vge.s32 v31, v29  }
0x94: {  	vm1 =	vmor vm9, vm10;
	vm0 =	vmneg vm0  }
0x95: {  	vm0 =	vmand vm0, vm1  }
0x96: {  	v29 =	vsel vm0, v29, v31;
	v28 =	vsel vm0, v28, v30  }
0x97: {  	v30 =	vperm.xlane v28, v5;
	v31 =	vperm.xlane v29, v5;
	_ =	sdelay $0x1  }
0x98: {  	vm0 =	vgt.f32 v30, v28;
	vm11 =	vne.f32 v30, v28;
	vm12 =	vge.s32 v31, v29  }
0x99: {  	vm1 =	vmor vm11, vm12;
	vm0 =	vmneg vm0  }
0x9a: {  	vm0 =	vmand vm0, vm1  }
0x9b: {  	v29 =	vsel vm0, v29, v31;
	v28 =	vsel vm0, v28, v30  }
0x9c: {  	v30 =	vperm.xlane v28, v8;
	v31 =	vperm.xlane v29, v8  }
0x9d: {  	s8 =	smul.u32 $0x56, s7  }
0x9e: {  	vm0 =	vgt.f32 v30, v28;
	vm13 =	vne.f32 v30, v28;
	vm14 =	vge.s32 v31, v29  }
0x9f: {  	s8 =	sshrl.u32 s8, $0x8;
	vm1 =	vmor vm13, vm14;
	vm0 =	vmneg vm0  }
0xa0: {  	s9 =	smul.u32 $0x3, s8;
	vm0 =	vmand vm0, vm1  }
0xa1: {  	v29 =	vsel vm0, v29, v31;
	v28 =	vsel vm0, v28, v30  }
0xa2: {  	s7 =	ssub.s32 s7, s9;
	v30 =	vperm.xlane v28, v11;
	v31 =	vperm.xlane v29, v11  }
0xa3: {  	s9 =	simm.s32 $0x4;
	p2 =	seq.s32 s7, $0x1  }
0xa4: {  	p1 =	seq.s32 s7, $0x0;
	s9 =	simm.s32 @!p2 $0x6;
	vm0 =	vgt.f32 v30, v28;
	vm4 =	vne.f32 v30, v28;
	vm5 =	vge.s32 v31, v29  }
0xa5: {  	s9 =	simm.s32 @p1 $0x8;
	vm1 =	vmor vm4, vm5;
	vm0 =	vmneg vm0  }
0xa6: {  	s10 =	simm.s32 $0x0;
	p2 =	sgt.u32 s9, $0x4;
	vm0 =	vmand vm0, vm1  }
0xa7: {  	s10 =	simm.s32 @!p2 $0x3E8;
	v53 =	vsel vm0, v29, v31  }
0xa8: {  	v31 =	vadd.s32 s10, v53  }
0xa9: {  	vm11 =	veq.s32 v31, v1;
	vm12 =	veq.s32 v31, v0  }
0xaa: {  	v28 =	vsel vm11, $0xFF61B1E6, v26;
	v29 =	vsel vm12, $0xFF61B1E6, v24  }
0xab: {  	vm13 =	veq.s32 v31, v2;
	vm6 =	vgt.f32 v29, v28  }
0xac: {  	v30 =	vsel vm13, $0xFF61B1E6, v25;
	v32 =	vsel vm6, v29, v28  }
0xad: {  	vm10 =	veq.s32 v31, v4;
	vm7 =	vgt.f32 v30, v32  }
0xae: {  	v31 =	vsel vm10, $0xFF61B1E6, v27;
	v33 =	vsel vm6, v0, v1;
	v32 =	vsel vm7, v30, v32  }
0xaf: {  	v33 =	vsel vm7, v2, v33;
	vm8 =	vgt.f32 v31, v32  }
0xb0: {  	v33 =	vsel vm8, v4, v33;
	v32 =	vsel vm8, v31, v32  }
0xb1: {  	v34 =	vperm.xlane v32, v3;
	v35 =	vperm.xlane v33, v3;
	_ =	sdelay $0x1  }
0xb2: {  	vm0 =	vgt.f32 v34, v32;
	vm9 =	vne.f32 v34, v32;
	vm14 =	vge.s32 v35, v33  }
0xb3: {  	vm1 =	vmor vm9, vm14;
	vm0 =	vmneg vm0  }
0xb4: {  	vm0 =	vmand vm0, vm1  }
0xb5: {  	v33 =	vsel vm0, v33, v35;
	v32 =	vsel vm0, v32, v34  }
0xb6: {  	v34 =	vperm.xlane v32, v5;
	v35 =	vperm.xlane v33, v5;
	_ =	sdelay $0x1  }
0xb7: {  	vm0 =	vgt.f32 v34, v32;
	vm4 =	vne.f32 v34, v32;
	vm5 =	vge.s32 v35, v33  }
0xb8: {  	vm1 =	vmor vm4, vm5;
	vm0 =	vmneg vm0  }
0xb9: {  	vm0 =	vmand vm0, vm1  }
0xba: {  	v33 =	vsel vm0, v33, v35;
	v32 =	vsel vm0, v32, v34  }
0xbb: {  	v34 =	vperm.xlane v32, v8;
	v35 =	vperm.xlane v33, v8;
	_ =	sdelay $0x1  }
0xbc: {  	vm0 =	vgt.f32 v34, v32;
	vm6 =	vne.f32 v34, v32;
	vm7 =	vge.s32 v35, v33  }
0xbd: {  	vm1 =	vmor vm6, vm7;
	vm0 =	vmneg vm0  }
0xbe: {  	vm0 =	vmand vm0, vm1  }
0xbf: {  	v33 =	vsel vm0, v33, v35;
	v32 =	vsel vm0, v32, v34  }
0xc0: {  	v34 =	vperm.xlane v32, v11;
	v35 =	vperm.xlane v33, v11;
	_ =	sdelay $0x1  }
0xc1: {  	vm0 =	vgt.f32 v34, v32;
	vm8 =	vne.f32 v34, v32;
	vm9 =	vge.s32 v35, v33  }
0xc2: {  	vm1 =	vmor vm8, vm9;
	vm0 =	vmneg vm0  }
0xc3: {  	p2 =	sgt.u32 s9, $0x5;
	s9 =	simm.s32 $0x0;
	vm0 =	vmand vm0, vm1  }
0xc4: {  	s9 =	simm.s32 @!p2 $0x3E8;
	v54 =	vsel vm0, v33, v35  }
0xc5: {  	v35 =	vadd.s32 s9, v54  }
0xc6: {  	vm8 =	veq.s32 v35, v1;
	vm9 =	veq.s32 v35, v0  }
0xc7: {  	v32 =	vsel vm8, $0xFF61B1E6, v28;
	v33 =	vsel vm9, $0xFF61B1E6, v29  }
0xc8: {  	vm7 =	veq.s32 v35, v2;
	vm14 =	vgt.f32 v33, v32  }
0xc9: {  	v34 =	vsel vm7, $0xFF61B1E6, v30;
	v36 =	vsel vm14, v33, v32  }
0xca: {  	vm6 =	veq.s32 v35, v4;
	vm5 =	vgt.f32 v34, v36  }
0xcb: {  	v35 =	vsel vm6, $0xFF61B1E6, v31;
	v37 =	vsel vm14, v0, v1;
	v36 =	vsel vm5, v34, v36  }
0xcc: {  	v37 =	vsel vm5, v2, v37;
	vm14 =	vgt.f32 v35, v36  }
0xcd: {  	v37 =	vsel vm14, v4, v37;
	v36 =	vsel vm14, v35, v36  }
0xce: {  	v38 =	vperm.xlane v36, v3;
	v39 =	vperm.xlane v37, v3;
	_ =	sdelay $0x1  }
0xcf: {  	vm0 =	vgt.f32 v38, v36;
	vm4 =	vne.f32 v38, v36;
	vm5 =	vge.s32 v39, v37  }
0xd0: {  	vm1 =	vmor vm4, vm5;
	vm0 =	vmneg vm0  }
0xd1: {  	vm0 =	vmand vm0, vm1  }
0xd2: {  	v37 =	vsel vm0, v37, v39;
	v36 =	vsel vm0, v36, v38  }
0xd3: {  	v38 =	vperm.xlane v36, v5;
	v39 =	vperm.xlane v37, v5;
	_ =	sdelay $0x1  }
0xd4: {  	vm0 =	vgt.f32 v38, v36;
	vm14 =	vne.f32 v38, v36;
	vm4 =	vge.s32 v39, v37  }
0xd5: {  	vm1 =	vmor vm14, vm4;
	vm0 =	vmneg vm0  }
0xd6: {  	vm0 =	vmand vm0, vm1  }
0xd7: {  	v37 =	vsel vm0, v37, v39;
	v36 =	vsel vm0, v36, v38  }
0xd8: {  	v38 =	vperm.xlane v36, v8;
	v39 =	vperm.xlane v37, v8;
	_ =	sdelay $0x1  }
0xd9: {  	vm0 =	vgt.f32 v38, v36;
	vm5 =	vne.f32 v38, v36;
	vm14 =	vge.s32 v39, v37  }
0xda: {  	vm1 =	vmor vm5, vm14;
	vm0 =	vmneg vm0  }
0xdb: {  	vm0 =	vmand vm0, vm1  }
0xdc: {  	v37 =	vsel vm0, v37, v39;
	v36 =	vsel vm0, v36, v38  }
0xdd: {  	v38 =	vperm.xlane v36, v11;
	v39 =	vperm.xlane v37, v11;
	_ =	sdelay $0x1  }
0xde: {  	vm0 =	vgt.f32 v38, v36;
	vm4 =	vne.f32 v38, v36;
	vm5 =	vge.s32 v39, v37  }
0xdf: {  	vm1 =	vmor vm4, vm5;
	vm0 =	vmneg vm0  }
0xe0: {  	s9 =	simm.s32 $0x0;
	vm0 =	vmand vm0, vm1  }
0xe1: {  	s9 =	simm.s32 @!p1 $0x3E8;
	v55 =	vsel vm0, v37, v39  }
0xe2: {  	v36 =	vadd.s32 s9, v55  }
0xe3: {  	vm4 =	veq.s32 v36, v1;
	vm5 =	veq.s32 v36, v0  }
0xe4: {  	v37 =	vsel vm4, $0xFF61B1E6, v32;
	v38 =	vsel vm5, $0xFF61B1E6, v33  }
0xe5: {  	vm3 =	veq.s32 v36, v2;
	vm1 =	vgt.f32 v38, v37  }
0xe6: {  	v39 =	vsel vm3, $0xFF61B1E6, v34;
	v40 =	vsel vm1, v38, v37  }
0xe7: {  	vm2 =	veq.s32 v36, v4;
	vm14 =	vgt.f32 v39, v40  }
0xe8: {  	v41 =	vsel vm2, $0xFF61B1E6, v35;
	v56 =	vsel vm1, v0, v1;
	v40 =	vsel vm14, v39, v40  }
0xe9: {  	v36 =	vsel vm14, v2, v56;
	vm14 =	vgt.f32 v41, v40  }
0xea: {  	v36 =	vsel vm14, v4, v36;
	v40 =	vsel vm14, v41, v40  }
0xeb: {  	v42 =	vperm.xlane v40, v3;
	v43 =	vperm.xlane v36, v3;
	_ =	sdelay $0x1  }
0xec: {  	vm0 =	vgt.f32 v42, v40;
	vm1 =	vne.f32 v42, v40;
	vm14 =	vge.s32 v43, v36  }
0xed: {  	vm1 =	vmor vm1, vm14;
	vm0 =	vmneg vm0  }
0xee: {  	v44 =	vld [tilespmem:$0x1FF10];
	vm0 =	vmand vm0, vm1  }
0xef: {  	v57 =	vld [tilespmem:$0x1FF20];
	v36 =	vsel vm0, v36, v43;
	v40 =	vsel vm0, v40, v42  }
0xf0: {  	v58 =	vld [tilespmem:$0x1FF30];
	v42 =	vperm.xlane v40, v5;
	v43 =	vperm.xlane v36, v5;
	_ =	sdelay $0x1  }
0xf1: {  	vm1 =	vne.f32 v42, v40;
	vm14 =	vge.s32 v43, v36  }
0xf2: {  	vm1 =	vmor vm1, vm14;
	vm14 =	vnez.u8 v44  }
0xf3: {  	v61 =	vld [tilespmem:$0x1FF40];
	v10 =	vnsel vm14, $0x0, v10;
	vm14 =	vnez.u8 v57  }
0xf4: {  	v48 =	vld [tilespmem:$0x1FFB0];
	vm0 =	vgt.f32 v42, v40;
	v9 =	vnsel vm14, $0x0, v9;
	vm14 =	vnez.u8 v58  }
0xf5: {  	vm0 =	vmneg vm0;
	v10 =	vsel vm14, v62, v10;
	v62 =	vld [tilespmem:$0x1FF50]  }
0xf6: {  	vm0 =	vmand vm0, vm1;
	v9 =	vsel vm15, v63, v9;
	v63 =	vld [tilespmem:$0x1FF60]  }
0xf7: {  	v45 =	vld [tilespmem:$0x1FF90];
	v40 =	vsel vm0, v40, v42  }
0xf8: {  	v36 =	vsel vm0, v36, v43;
	v43 =	vld [tilespmem:$0x1FF70];
	v59 =	vperm.xlane v40, v8;
	vm15 =	vnez.u8 v61  }
0xf9: {  	v44 =	vld [tilespmem:$0x1FF80];
	v60 =	vperm.xlane v36, v8;
	v6 =	vnsel vm15, $0x0, v6  }
0xfa: {  	v46 =	vld [tilespmem:$0x1FFA0];
	vm0 =	vgt.f32 v59, v40;
	vm1 =	vne.f32 v59, v40;
	vm14 =	vnez.u8 v62  }
0xfb: {  	v51 =	vld [tilespmem:$0x1FFC0];
	vm0 =	vmneg vm0;
	vm15 =	vnez.u8 v63;
	v7 =	vnsel vm14, $0x0, v7  }
0xfc: {  	v52 =	vld [tilespmem:$0x1FFD0];
	vm14 =	vge.s32 v60, v36;
	v6 =	vsel vm15, v12, v6;
	vm15 =	vnez.u8 v45  }
0xfd: {  	v54 =	vld [tilespmem:$0x1FFE0];
	vm1 =	vmor vm1, vm14;
	vm14 =	vnez.u8 v43;
	v9 =	vsel vm15, v16, v9  }
0xfe: {  	v55 =	vld [tilespmem:$0x1FFF0];
	vm15 =	vnez.u8 v48;
	v7 =	vsel vm14, v13, v7;
	vm14 =	vnez.u8 v44  }
0xff: {  	vm0 =	vmand vm0, vm1;
	v10 =	vsel vm14, v17, v10;
	vm14 =	vnez.u8 v46  }
0x100: {  	v47 =	vsel vm0, v40, v59;
	v7 =	vsel vm15, v19, v7;
	v49 =	vsel vm0, v36, v60  }
0x101: {  	vm15 =	vnez.u8 v52;
	v6 =	vsel vm14, v18, v6;
	v50 =	vperm.xlane v47, v11  }
0x102: {  	vm14 =	vnez.u8 v51;
	v9 =	vsel vm15, v21, v9;
	v53 =	vperm.xlane v49, v11  }
0x103: {  	vm15 =	vnez.u8 v55;
	v10 =	vsel vm14, v20, v10;
	vm14 =	vnez.u8 v54  }
0x104: {  	v7 =	vsel vm15, v23, v7;
	v9 =	vsel vm12, v24, v9;
	v6 =	vsel vm14, v22, v6  }
0x105: {  	vm0 =	vgt.f32 v50, v47;
	vm14 =	vne.f32 v50, v47;
	v10 =	vsel vm11, v26, v10  }
0x106: {  	vm15 =	vge.s32 v53, v49;
	v7 =	vsel vm10, v27, v7;
	v9 =	vsel vm9, v29, v9  }
0x107: {  	vm1 =	vmor vm14, vm15;
	vm0 =	vmneg vm0;
	v6 =	vsel vm13, v25, v6  }
0x108: {  	v10 =	vsel vm8, v28, v10;
	v7 =	vsel vm6, v31, v7;
	vm0 =	vmand vm0, vm1  }
0x109: {  	v9 =	vsel vm5, v33, v9;
	v6 =	vsel vm7, v30, v6;
	v56 =	vsel vm0, v49, v53  }
0x10a: {  	v10 =	vsel vm4, v32, v10;
	v58 =	vsel vm2, v35, v7;
	v12 =	vadd.s32 s9, v56  }
0x10b: {  	v57 =	vsel vm3, v34, v6;
	vm12 =	veq.s32 v12, v1;
	vm13 =	veq.s32 v12, v0  }
0x10c: {  	vm14 =	veq.s32 v12, v2;
	vm15 =	veq.s32 v12, v4;
	v59 =	vsel vm12, v37, v10  }
0x10d: {  	v0 =	vsel vm13, v38, v9;
	v1 =	vsel vm14, v39, v57;
	v60 =	vsel vm15, v41, v58  }
0x10e: {  	v61 =	vadd.f32 v0, v59;
	v6 =	vadd.f32 v60, v1;
	_ =	sdelay $0x1  }
0x10f: {  	v4 =	vadd.f32 v6, v61;
	_ =	sdelay $0x1  }
0x110: {  	v3 =	vperm.xlane v4, v3;
	_ =	sdelay $0x1  }
0x111: {  	v3 =	vadd.f32 v4, v3;
	_ =	sdelay $0x1  }
0x112: {  	v4 =	vperm.xlane v3, v5;
	_ =	sdelay $0x1  }
0x113: {  	v3 =	vadd.f32 v3, v4;
	_ =	sdelay $0x1  }
0x114: {  	v4 =	vperm.xlane v3, v8;
	_ =	sdelay $0x1  }
0x115: {  	v3 =	vadd.f32 v3, v4;
	_ =	sdelay $0x1  }
0x116: {  	v4 =	vperm.xlane v3, v11;
	_ =	sdelay $0x1  }
0x117: {  	v3 =	vadd.f32 v3, v4;
	_ =	sdelay $0x1  }
0x118: {  	v3 =	vadd.f32 $9.999999930e-09, v3;
	_ =	sdelay $0x1  }
0x119: {  	(erf) = vrcp.f32 v3;
	_ =	sdelay $0x8  }
0x11a: {  	v3 =	vpop (erf)  }
0x11b: {  	p1 =	sgt.u32 s0, $0xB;
	v62 =	vmul.f32 v3, v59  }
0x11c: {  	p2 =	seq.s32 @!p1 s7, $0x0;
	v0 =	vmul.f32 v3, v0  }
0x11d: {  	p2 =	por p1, !p2;
	v1 =	vmul.f32 v3, v1;
	[tilespmem:$0x0] =	vst v62  }
.Ltmp0:
0x11e: {  	v63 =	vmul.f32 v3, v60;
	[tilespmem:$0x10] =	vst v0;
	(pc) =	sbr.rel @!p2 .LBB2_5-.Ltmp0, $4  }
0x11f: {  	[tilespmem:$0x20] =	vst v1  }
0x120: {  	[tilespmem:$0x30] =	vst v63  }
0x121: {  	[bflag:$0x0] =	sbarrier.arrive $0xFFFF  }
0x122: {  	s8 =	sshll.u32 s8, $0x3  }
0x123: {  	p2 =	sne.s32 @!p1 s7, $0x1  }
0x124: {  	p1 =	por p1, p2  }
.Ltmp1:
0x125: {  	_ = 	snop;
	(pc) =	sbr.rel @p1 .LBB2_3-.Ltmp1, $1  }
0x126: {  	_ =	sdelay $0x3  }
0x127: {  	s5 =	sadd.s32 s8, s6;
	s30 =	simm.s32 $0x0;
	s31 =	simm.s32 $0x1  }
0x128: {  	[hbm4b:s5+s30] =	stream.linear.scatter [tilespmem:s30], [sflag:$0x1], $0x40, $0x38;
	[tilespmem:$0x80] =	vst v63  }
0x129: {  	_ =	swait.ge [sflag:s31], $0x40  }
0x12a: {  	[sflag:s31] =	ssyncset.done $0x0  }
0x12b: {  	s5 =	sadd.s32 $0x800, s2;
	[sflag:s31] =	ssyncadd.s32 $0xFFFFFFC0  }
.LBB2_5:
0x12c: {  	s2 =	sadd.s32 s8, s5  }
0x12d: {  	[hbm4b:s2+s3] =	stream.linear.scatter [tilespmem:s3], [sflag:$0x1], $0x40, $0x38;
	[tilespmem:$0x80] =	vst v63  }
0x12e: {  	_ =	swait.ge [sflag:s4], $0x40  }
0x12f: {  	[sflag:s4] =	ssyncset.done $0x0  }
0x130: {  	[sflag:s4] =	ssyncadd.s32 $0xFFFFFFC0  }
.LBB2_6:
0x131: {  	_ =	sfence.sel $0x180000  }
0x132: {  	[bflag:$0x0] =	sbarrier.arrive $0xFFFF  }
0x133: {  	p0 =	sne.s32 s0, $0x0;
	_ =	strace $0x90000047  }
0x134: {  	s0 =	sadd.s32 @!p0 $0x100000, s1;
	[bflag:$0x2] =	sbarrier.arrive $0xFFFF  }
0x135: {  	[sflag:s0] =	ssyncadd.tile.s32 @!p0 $0x1;
	_ =	shalt  }
.LBB2_3:
0x136: {  	p1 =	seq.s32 s7, $0x2  }
0x137: {  	p0 =	por !p0, !p1  }
0x138: {  	p0 =	por !p0, !p0  }
.Ltmp2:
0x139: {  	_ = 	snop;
	(pc) =	sbr.rel @!p0 .LBB2_6-.Ltmp2, $1  }
0x13a: {  	_ =	sdelay $0x3  }
.Ltmp3:
0x13b: {  	(pc) =	sbr.rel .LBB2_5-.Ltmp3, $2  }
0x13c: {  	_ =	sdelay $0x2  }
0x13d: {  	s5 =	sadd.s32 $0xA00, s2  }
.Lfunc_end2:
_tile_overlayer_lowered:
.L_overlay_start_2:
0x13e: {  	(tag) =	ssettag $0x2  }
0x13f: {  	s0 =	rddreg [dreg:$0x0];
	s2 =	stileid.u32  }
0x140: {  	s1 =	rddreg [dreg:$0x1];
	p0 =	sne.s32 s2, $0x0  }
0x141: {  	s3 =	rddreg [dreg:$0x2];
	[bflag:$0x3] =	sbarrier.arrive $0xFFFF;
	s2 =	simm.s32 @!p0 $0x1C01  }
0x142: {  	[timem:s3], [sflag:s2] =	dma.local @!p0 [hbm:s0], s1  }
0x143: {  	s0 =	simm.s32 @!p0 $0x1  }
0x144: {  	_ =	swait.ge @!p0 [sflag:s0], s1  }
0x145: {  	s1 =	ssub.s32 @!p0 $0x0, s1;
	[sflag:s0] =	ssyncset.done @!p0 $0x0  }
0x146: {  	[sflag:s0] =	ssyncadd.s32 @!p0 s1  }
0x147: {  	[bflag:$0x3] =	sbarrier.arrive $0xFFFF  }
0x148: {  	_ =	shalt  }

</sc_bundles>
